<compile_context>
chip_gen: v7x
topology: tpu7x:2x2x1
jax: 0.10.2.dev20260603
libtpu: 0.0.44.dev20260713+nightly
codegen_flags: <defaults>
</compile_context>

<pallas_src>
import functools

import jax
import jax.numpy as jnp
import numpy as np
from jax import lax
from jax.experimental import pallas as pl
from jax.experimental.pallas import tpu as pltpu
from jax.experimental.pallas import tpu_sc as plsc

ROWS, COLS = 8192, 4096
N = ROWS * COLS
K = N // 10
NC, NS, L = 2, 16, 16
NW = NC * NS
M = N // NW
CHUNK = 8192
VECS = CHUNK // L
NCHUNKS = M // CHUNK
B1 = 4096
B3 = 256
MININT = np.int32(-2147483648)

_mesh = plsc.VectorSubcoreMesh(core_axis_name="c", subcore_axis_name="s")
_params = pltpu.CompilerParams(needs_layout_passes=False)


def _wid():
    return lax.axis_index("s") * NC + lax.axis_index("c")


def _zero_hist(hist_v, nwords):
    def body(i, _):
        hist_v[pl.ds(i * L, L)] = jnp.zeros((L,), jnp.int32)
        return 0
    lax.fori_loop(0, nwords // L, body, 0)


@functools.partial(
    pl.kernel,
    mesh=_mesh,
    compiler_params=_params,
    out_type=[
        jax.ShapeDtypeStruct((N,), jnp.int32),
        jax.ShapeDtypeStruct((NW, B1 * L), jnp.int32),
    ],
    scratch_types=[
        pltpu.VMEM((CHUNK,), jnp.float32),
        pltpu.VMEM((CHUNK,), jnp.float32),
        pltpu.VMEM((CHUNK,), jnp.float32),
        pltpu.VMEM((CHUNK,), jnp.float32),
        pltpu.VMEM((CHUNK,), jnp.int32),
        pltpu.VMEM((CHUNK,), jnp.int32),
        pltpu.VMEM((B1 * L,), jnp.int32),
        pltpu.SemaphoreType.DMA,
        pltpu.SemaphoreType.DMA,
        pltpu.SemaphoreType.DMA,
    ],
)
def _pass1(ff_hbm, fr_hbm, keys_hbm, hist_hbm, ff0, ff1, fr0, fr1, kb0, kb1,
           hist_v, s0, s1, sw):
    wid = _wid()
    base = wid * M
    lane = lax.iota(jnp.int32, L)
    ones = jnp.ones((L,), jnp.int32)
    _zero_hist(hist_v, B1 * L)

    def rng(ci):
        return pl.ds(base + ci * CHUNK, CHUNK)

    def process(ffb, frb, keyb):
        def vec(j, _):
            s = ffb[pl.ds(j * L, L)] - frb[pl.ds(j * L, L)]
            b = lax.bitcast_convert_type(s, jnp.int32)
            key = jnp.where(b >= 0, b, (-b) ^ MININT)
            keyb[pl.ds(j * L, L)] = key
            u = key ^ MININT
            d = lax.shift_right_logical(u, 20)
            plsc.addupdate_scatter(hist_v, [d * L + lane], ones)
            return 0

        lax.fori_loop(0, VECS, vec, 0)

    pltpu.async_copy(ff_hbm.at[rng(0)], ff0, s0)
    pltpu.async_copy(fr_hbm.at[rng(0)], fr0, s0)

    def pair(i, _):
        c0 = 2 * i
        pltpu.async_copy(ff_hbm.at[rng(c0 + 1)], ff1, s1)
        pltpu.async_copy(fr_hbm.at[rng(c0 + 1)], fr1, s1)
        pltpu.make_async_copy(ff_hbm.at[rng(c0)], ff0, s0).wait()
        pltpu.make_async_copy(fr_hbm.at[rng(c0)], fr0, s0).wait()

        @pl.when(i > 0)
        def _():
            pltpu.make_async_copy(kb0, keys_hbm.at[rng(c0 - 2)], sw).wait()

        process(ff0, fr0, kb0)
        pltpu.async_copy(kb0, keys_hbm.at[rng(c0)], sw)

        @pl.when(i < NCHUNKS // 2 - 1)
        def _():
            pltpu.async_copy(ff_hbm.at[rng(c0 + 2)], ff0, s0)
            pltpu.async_copy(fr_hbm.at[rng(c0 + 2)], fr0, s0)

        pltpu.make_async_copy(ff_hbm.at[rng(c0 + 1)], ff1, s1).wait()
        pltpu.make_async_copy(fr_hbm.at[rng(c0 + 1)], fr1, s1).wait()

        @pl.when(i > 0)
        def _():
            pltpu.make_async_copy(kb1, keys_hbm.at[rng(c0 - 1)], sw).wait()

        process(ff1, fr1, kb1)
        pltpu.async_copy(kb1, keys_hbm.at[rng(c0 + 1)], sw)
        return 0

    lax.fori_loop(0, NCHUNKS // 2, pair, 0)
    pltpu.make_async_copy(kb0, keys_hbm.at[rng(NCHUNKS - 2)], sw).wait()
    pltpu.make_async_copy(kb1, keys_hbm.at[rng(NCHUNKS - 1)], sw).wait()
    pltpu.sync_copy(hist_v, hist_hbm.at[wid])


def _make_refine(nbins, shift, prefix_shift):
    @functools.partial(
        pl.kernel,
        mesh=_mesh,
        compiler_params=_params,
        out_type=[jax.ShapeDtypeStruct((NW, nbins * L), jnp.int32)],
        scratch_types=[
            pltpu.VMEM((CHUNK,), jnp.int32),
            pltpu.VMEM((CHUNK,), jnp.int32),
            pltpu.VMEM((L,), jnp.int32),
            pltpu.VMEM((nbins * L,), jnp.int32),
            pltpu.SemaphoreType.DMA,
            pltpu.SemaphoreType.DMA,
        ],
    )
    def refine(keys_hbm, pre_hbm, hist_hbm, kb0, kb1, prev, hist_v, s0, s1):
        wid = _wid()
        base = wid * M
        lane = lax.iota(jnp.int32, L)
        ones = jnp.ones((L,), jnp.int32)
        _zero_hist(hist_v, nbins * L)
        pltpu.sync_copy(pre_hbm, prev)
        pre = prev[...]

        def process(kb):
            def vec(j, _):
                u = kb[pl.ds(j * L, L)] ^ MININT
                m = lax.shift_right_logical(u, prefix_shift) == pre
                d = lax.shift_right_logical(u, shift) & (nbins - 1)
                plsc.addupdate_scatter(hist_v, [d * L + lane], ones, mask=m)
                return 0

            lax.fori_loop(0, VECS, vec, 0)

        def src(ci):
            return keys_hbm.at[pl.ds(base + ci * CHUNK, CHUNK)]

        pltpu.async_copy(src(0), kb0, s0)

        def pair(i, _):
            c0 = 2 * i
            pltpu.async_copy(src(c0 + 1), kb1, s1)
            pltpu.make_async_copy(src(c0), kb0, s0).wait()
            process(kb0)

            @pl.when(i < NCHUNKS // 2 - 1)
            def _():
                pltpu.async_copy(src(c0 + 2), kb0, s0)

            pltpu.make_async_copy(src(c0 + 1), kb1, s1).wait()
            process(kb1)
            return 0

        lax.fori_loop(0, NCHUNKS // 2, pair, 0)
        pltpu.sync_copy(hist_v, hist_hbm.at[wid])

    return refine


_pass2 = _make_refine(B1, 8, 20)
_pass3 = _make_refine(B3, 0, 8)


@functools.partial(
    pl.kernel,
    mesh=_mesh,
    compiler_params=_params,
    out_type=[
        jax.ShapeDtypeStruct((K + 128,), jnp.int32),
        jax.ShapeDtypeStruct((NW, L), jnp.int32),
    ],
    scratch_types=[
        pltpu.VMEM((CHUNK,), jnp.int32),
        pltpu.VMEM((3 * L,), jnp.int32),
        pltpu.VMEM((160,), jnp.int32),
        pltpu.VMEM((128,), jnp.int32),
        pltpu.VMEM((L,), jnp.int32),
        pltpu.SemaphoreType.DMA,
    ],
)
def _pass4(keys_hbm, prm_hbm, out_hbm, icut_hbm, keyb, prm, packv, posv, icv, sem):
    wid = _wid()
    base = wid * M
    lane = lax.iota(jnp.int32, L)
    pltpu.sync_copy(prm_hbm.at[wid], prm)
    qv = prm[pl.ds(0, L)]
    sv = prm[pl.ds(L, L)]
    tv = prm[pl.ds(2 * L, L)]
    icv[...] = jnp.full((L,), N, jnp.int32)

    def chunk(ci, carry):
        cl, fl, tc = carry
        pltpu.sync_copy(keys_hbm.at[pl.ds(base + ci * CHUNK, CHUNK)], keyb)

        def vec(j, carry):
            cl, fl, tc = carry
            key = keyb[pl.ds(j * L, L)]
            mgt = key > tv
            meq = key == tv
            meqi = meq.astype(jnp.int32)
            lord = tc + jnp.cumsum(meqi) - 1
            msel = mgt | (meq & (lord >= qv))
            idxv = base + ci * CHUNK + j * L + lane
            plsc.store_compressed(icv.at[pl.ds(0, L)], idxv, mask=meq & (lord == qv))
            plsc.store_compressed(packv.at[pl.ds(cl, L)], idxv, mask=msel)
            cl2 = cl + jnp.sum(msel.astype(jnp.int32))
            tc2 = tc + jnp.sum(meqi)

            @pl.when(cl2 >= 128)
            def _flush():
                for jj in range(8):
                    posv[pl.ds(jj * L, L)] = sv + fl + jj * L + lane
                pltpu.async_copy(packv.at[pl.ds(0, 128)], out_hbm.at[posv], sem).wait()
                packv[pl.ds(0, L)] = packv[pl.ds(128, L)]

            did = jnp.where(cl2 >= 128, 128, 0)
            return (cl2 - did, fl + did, tc2)

        return lax.fori_loop(0, VECS, vec, (cl, fl, tc))

    cl, fl, _ = lax.fori_loop(0, NCHUNKS, chunk, (0, 0, 0))

    for jj in range(8):
        lord = jj * L + lane
        posv[pl.ds(jj * L, L)] = jnp.where(lord < cl, sv + fl + lord, K + lord)
    pltpu.async_copy(packv.at[pl.ds(0, 128)], out_hbm.at[posv], sem).wait()
    pltpu.sync_copy(icv, icut_hbm.at[wid])


def _tc_mask(w_ref, k_ref, t_ref, ic_ref, o_ref):
    t = t_ref[0]
    ic = ic_ref[0]
    r0 = pl.program_id(0) * 256
    ri = lax.broadcasted_iota(jnp.int32, (256, COLS), 0)
    ci = lax.broadcasted_iota(jnp.int32, (256, COLS), 1)
    fi = (r0 + ri) * COLS + ci
    key = k_ref[...]
    flag = (key > t) | ((key == t) & (fi >= ic))
    o_ref[...] = jnp.where(flag, 0.0, w_ref[...])


def _select_digit(h, k_rem):
    ss = jnp.cumsum(h[::-1])[::-1]
    d = jnp.sum((ss >= k_rem).astype(jnp.int32)) - 1
    ssp = jnp.concatenate([ss, jnp.zeros((1,), ss.dtype)])
    return d, k_rem - ssp[d + 1]


def kernel(W, fisher_forget, fisher_retain):
    ff = fisher_forget.reshape(-1)
    fr = fisher_retain.reshape(-1)

    keys, h1 = _pass1(ff, fr)
    h1t = h1.reshape(NW, B1, L).sum(axis=2)
    d1, k1 = _select_digit(h1t.sum(axis=0), jnp.int32(K))

    h2, = _pass2(keys, jnp.broadcast_to(d1, (L,)).astype(jnp.int32))
    h2t = h2.reshape(NW, B1, L).sum(axis=2)
    d2, k2 = _select_digit(h2t.sum(axis=0), k1)

    pre2 = (d1 << 12) | d2
    h3, = _pass3(keys, jnp.broadcast_to(pre2, (L,)).astype(jnp.int32))
    h3t = h3.reshape(NW, B3, L).sum(axis=2)
    d3, r = _select_digit(h3t.sum(axis=0), k2)

    t_key = (((d1 << 12) | d2) << 8 | d3) ^ MININT

    ar1 = jnp.arange(B1)
    ar3 = jnp.arange(B3)
    a_t = (h1t * (ar1 > d1)).sum(axis=1)
    b_t = (h2t * (ar1 > d2)).sum(axis=1)
    c_t = (h3t * (ar3 > d3)).sum(axis=1)
    ties_t = jnp.take(h3t, d3, axis=1)
    p_t = jnp.cumsum(ties_t) - ties_t
    q = ties_t.sum() - r
    d_t = jnp.clip(p_t + ties_t - q, 0, ties_t)
    s_t = a_t + b_t + c_t + d_t
    off_t = jnp.cumsum(s_t) - s_t
    prm = jnp.stack([q - p_t, off_t, jnp.full((NW,), t_key, jnp.int32)], axis=1)
    prm = jnp.broadcast_to(prm[:, :, None], (NW, 3, L)).reshape(NW, 3 * L)
    prm = prm.astype(jnp.int32)

    out_idx, icut = _pass4(keys, prm)
    mask_index = out_idx[:K]
    icut_s = jnp.min(icut)

    new_w = pl.pallas_call(
        _tc_mask,
        grid=(ROWS // 256,),
        in_specs=[
            pl.BlockSpec((256, COLS), lambda i: (i, 0)),
            pl.BlockSpec((256, COLS), lambda i: (i, 0)),
            pl.BlockSpec(memory_space=pltpu.SMEM),
            pl.BlockSpec(memory_space=pltpu.SMEM),
        ],
        out_specs=pl.BlockSpec((256, COLS), lambda i: (i, 0)),
        out_shape=jax.ShapeDtypeStruct((ROWS, COLS), jnp.float32),
    )(W, keys.reshape(ROWS, COLS), t_key.reshape(1), icut_s.reshape(1))

    return new_w, mask_index

# --- scband reference (transcript-rebuilt; emitter-appended) ---
"""Pipeline reference for scband-unlearner-fm-63531156243085 (READ-ONLY COPY).

The authoritative reference and input builder live on the scoring server;
editing this copy changes nothing except your own understanding.
"""

import jax, jax.numpy as jnp
import numpy as np

REMOVAL = 0.1

def setup_inputs(seed: int = 0) -> dict:
    key = jax.random.key(seed)
    k1, k2, k3 = jax.random.split(key, 3)
    W = jax.random.normal(k1, (8192, 4096), dtype=jnp.float32)
    fisher_forget = jax.random.uniform(k2, (8192, 4096), dtype=jnp.float32)
    fisher_retain = jax.random.uniform(k3, (8192, 4096), dtype=jnp.float32)
    return {"W": W, "fisher_forget": fisher_forget, "fisher_retain": fisher_retain}


def reference(W, fisher_forget, fisher_retain):
    # Fisher_Masking core for a single nn.Linear layer:
    # fisher_diff = forget_hessian_diag - retain_hessian_diag, flattened per-weight scores
    fisher_diff = fisher_forget - fisher_retain
    scores = fisher_diff.reshape(-1)
    n = scores.shape[0]
    k = int(n * REMOVAL)
    # np.argsort ascending; take the last k (largest fisher diff) as the mask set
    order = jnp.argsort(scores)
    mask_index = jnp.sort(order[-k:])
    # zero out masked weight entries (state_dict[k][row, col] = 0.0 for Linear)
    flat_w = W.reshape(-1)
    masked = flat_w.at[mask_index].set(0.0)
    new_W = masked.reshape(W.shape)
    return (new_W, mask_index)

if __name__ == "__main__":
    import jax
    _d = setup_inputs()
    print(jax.jit(kernel)(*tuple(_d.values())))

</pallas_src>

<mosaic_0001>
#map = affine_map<(d0, d1) -> (0)>
#map1 = affine_map<(d0, d1) -> (0, 0)>
module attributes {stable_mosaic.version = 14 : i64} {
  func.func @refine(%arg0: i32, %arg1: i32, %arg2: memref<33554432xi32, #tpu.memory_space<hbm>>, %arg3: memref<16xi32, #tpu.memory_space<hbm>>, %arg4: memref<32x65536xi32, #tpu.memory_space<hbm>>, %arg5: memref<8192xi32, #tpu.memory_space<vmem>>, %arg6: memref<8192xi32, #tpu.memory_space<vmem>>, %arg7: memref<16xi32, #tpu.memory_space<vmem>>, %arg8: memref<65536xi32, #tpu.memory_space<vmem>>, %arg9: memref<!tpu.dma_semaphore, #tpu.memory_space<semaphore_mem>>, %arg10: memref<!tpu.dma_semaphore, #tpu.memory_space<semaphore_mem>>) attributes {dimension_semantics = [#tpu.dimension_semantics<core_parallel>, #tpu.dimension_semantics<subcore_parallel>], iteration_bounds = array<i64: 2, 16>, scalar_prefetch = 0 : i64, scratch_operands = 6 : i64, tpu.core_type = #tpu.core_type<sc_vector_subcore>, window_params = [{transform_indices = #map}, {transform_indices = #map}, {transform_indices = #map1}]} {
    %mul3A = arith.constant 2 : i32
    %mul3A_0 = arith.muli %arg1, %mul3A : i32
    %add3A = arith.addi %mul3A_0, %arg0 : i32
    %mul3A_1 = arith.constant 1048576 : i32
    %mul3A_2 = arith.muli %add3A, %mul3A_1 : i32
    %iota3A = tpu.iota {dimensions = array<i32: 0>} : vector<16xi32>
    %broadcast_in_dim3A = arith.constant 1 : i32
    %broadcast_in_dim3A_3 = vector.broadcast %broadcast_in_dim3A : i32 to vector<16xi32>
    %scan3A = arith.constant 0 : i32
    %scan3A_4 = arith.constant 0 : i32
    %scan3A_5 = arith.constant 4096 : i32
    %scan3A_6 = arith.addi %scan3A_4, %scan3A_5 : i32
    %scan3A_7 = arith.constant 1 : i32
    %scan3A_8 = scf.for %scan3A_21 = %scan3A_4 to %scan3A_6 step %scan3A_7 iter_args(%scan3A_22 = %scan3A) -> (i32)  : i32 {
      %broadcast_in_dim3A_23 = arith.constant 0 : i32
      %broadcast_in_dim3A_24 = vector.broadcast %broadcast_in_dim3A_23 : i32 to vector<16xi32>
      %mul3A_25 = arith.constant 16 : i32
      %mul3A_26 = arith.muli %scan3A_21, %mul3A_25 : i32
      %swap3A = arith.index_cast %mul3A_26 : i32 to index
      %swap3A_27 = tpu.vector_load %arg8[%swap3A] {strides = array<i32>} : memref<65536xi32, #tpu.memory_space<vmem>>, vector<16xi32>,
      tpu.vector_store %arg8[%swap3A], %broadcast_in_dim3A_24 {strides = array<i32>} : memref<65536xi32, #tpu.memory_space<vmem>>, vector<16xi32>,
      %scan3A_28 = arith.constant 0 : i32
      scf.yield %scan3A_28 : i32
    }
    %scan3A_9 = arith.constant 4096 : i32
    "tpu.region"() ({
      %run_scoped3A = tpu.sem_alloc : memref<!tpu.dma_semaphore, #tpu.memory_space<semaphore_mem>>
      tpu.enqueue_dma source(%arg3 : memref<16xi32, #tpu.memory_space<hbm>>) target(%arg7 : memref<16xi32, #tpu.memory_space<vmem>>) target_semaphore(%run_scoped3A : memref<!tpu.dma_semaphore, #tpu.memory_space<semaphore_mem>>)
      tpu.wait_dma2 semaphore(%run_scoped3A : memref<!tpu.dma_semaphore, #tpu.memory_space<semaphore_mem>>) src(%arg3 : memref<16xi32, #tpu.memory_space<hbm>>) dst(%arg7 : memref<16xi32, #tpu.memory_space<vmem>>)
      tpu.yield
    }) : () -> ()
    %get3A = arith.constant 0 : index
    %get3A_10 = tpu.vector_load %arg7[%get3A] {strides = array<i32>} : memref<16xi32, #tpu.memory_space<vmem>>, vector<16xi32>,
    %add3A_11 = arith.constant 0 : i32
    %add3A_12 = arith.addi %mul3A_2, %add3A_11 : i32
    %dma_start3A = tpu.memref_slice %arg2[%add3A_12] : memref<33554432xi32, #tpu.memory_space<hbm>> -> memref<8192xi32, #tpu.memory_space<hbm>>
    %dma_start3A_13 = tpu.memref_slice %arg2[%add3A_12] : memref<33554432xi32, #tpu.memory_space<hbm>> -> memref<8192xi32, #tpu.memory_space<hbm>>
    tpu.enqueue_dma source(%dma_start3A_13 : memref<8192xi32, #tpu.memory_space<hbm>>) target(%arg5 : memref<8192xi32, #tpu.memory_space<vmem>>) target_semaphore(%arg9 : memref<!tpu.dma_semaphore, #tpu.memory_space<semaphore_mem>>)
    %scan3A_14 = arith.constant 0 : i32
    %scan3A_15 = arith.constant 0 : i32
    %scan3A_16 = arith.constant 64 : i32
    %scan3A_17 = arith.addi %scan3A_15, %scan3A_16 : i32
    %scan3A_18 = arith.constant 1 : i32
    %scan3A_19 = scf.for %scan3A_21 = %scan3A_15 to %scan3A_17 step %scan3A_18 iter_args(%scan3A_22 = %scan3A_14) -> (i32)  : i32 {
      %mul3A_23 = arith.constant 2 : i32
      %mul3A_24 = arith.muli %mul3A_23, %scan3A_21 : i32
      %add3A_25 = arith.constant 1 : i32
      %add3A_26 = arith.addi %mul3A_24, %add3A_25 : i32
      %mul3A_27 = arith.constant 8192 : i32
      %mul3A_28 = arith.muli %add3A_26, %mul3A_27 : i32
      %add3A_29 = arith.addi %mul3A_2, %mul3A_28 : i32
      %dma_start3A_30 = tpu.memref_slice %arg2[%add3A_29] : memref<33554432xi32, #tpu.memory_space<hbm>> -> memref<8192xi32, #tpu.memory_space<hbm>>
      %dma_start3A_31 = tpu.memref_slice %arg2[%add3A_29] : memref<33554432xi32, #tpu.memory_space<hbm>> -> memref<8192xi32, #tpu.memory_space<hbm>>
      tpu.enqueue_dma source(%dma_start3A_31 : memref<8192xi32, #tpu.memory_space<hbm>>) target(%arg6 : memref<8192xi32, #tpu.memory_space<vmem>>) target_semaphore(%arg10 : memref<!tpu.dma_semaphore, #tpu.memory_space<semaphore_mem>>)
      %mul3A_32 = arith.constant 8192 : i32
      %mul3A_33 = arith.muli %mul3A_24, %mul3A_32 : i32
      %add3A_34 = arith.addi %mul3A_2, %mul3A_33 : i32
      %dma_wait3A = tpu.memref_slice %arg2[%add3A_34] : memref<33554432xi32, #tpu.memory_space<hbm>> -> memref<8192xi32, #tpu.memory_space<hbm>>
      %dma_wait3A_35 = tpu.memref_slice %arg2[%add3A_34] : memref<33554432xi32, #tpu.memory_space<hbm>> -> memref<8192xi32, #tpu.memory_space<hbm>>
      tpu.wait_dma2 semaphore(%arg9 : memref<!tpu.dma_semaphore, #tpu.memory_space<semaphore_mem>>) src(%dma_wait3A_35 : memref<8192xi32, #tpu.memory_space<hbm>>) dst(%arg5 : memref<8192xi32, #tpu.memory_space<vmem>>)
      %scan3A_36 = arith.constant 0 : i32
      %scan3A_37 = arith.constant 0 : i32
      %scan3A_38 = arith.constant 512 : i32
      %scan3A_39 = arith.addi %scan3A_37, %scan3A_38 : i32
      %scan3A_40 = arith.constant 1 : i32
      %scan3A_41 = scf.for %scan3A_60 = %scan3A_37 to %scan3A_39 step %scan3A_40 iter_args(%scan3A_61 = %scan3A_36) -> (i32)  : i32 {
        %mul3A_62 = arith.constant 16 : i32
        %mul3A_63 = arith.muli %scan3A_60, %mul3A_62 : i32
        %get3A_64 = arith.index_cast %mul3A_63 : i32 to index
        %get3A_65 = tpu.vector_load %arg5[%get3A_64] {strides = array<i32>} : memref<8192xi32, #tpu.memory_space<vmem>>, vector<16xi32>,
        %xor3A = arith.constant -2147483648 : i32
        %xor3A_66 = vector.broadcast %xor3A : i32 to vector<16xi32>
        %xor3A_67 = arith.xori %get3A_65, %xor3A_66 : vector<16xi32>
        %shift_right_logical3A = arith.constant 20 : i32
        %shift_right_logical3A_68 = vector.broadcast %shift_right_logical3A : i32 to vector<16xi32>
        %shift_right_logical3A_69 = arith.shrui %xor3A_67, %shift_right_logical3A_68 : vector<16xi32>
        %eq3A = arith.cmpi eq, %shift_right_logical3A_69, %get3A_10 : vector<16xi32>
        %shift_right_logical3A_70 = arith.constant 8 : i32
        %shift_right_logical3A_71 = vector.broadcast %shift_right_logical3A_70 : i32 to vector<16xi32>
        %shift_right_logical3A_72 = arith.shrui %xor3A_67, %shift_right_logical3A_71 : vector<16xi32>
        %and3A = arith.constant 4095 : i32
        %and3A_73 = vector.broadcast %and3A : i32 to vector<16xi32>
        %and3A_74 = arith.andi %shift_right_logical3A_72, %and3A_73 : vector<16xi32>
        %mul3A_75 = arith.constant 16 : i32
        %mul3A_76 = vector.broadcast %mul3A_75 : i32 to vector<16xi32>
        %mul3A_77 = arith.muli %and3A_74, %mul3A_76 : vector<16xi32>
        %add3A_78 = arith.addi %mul3A_77, %iota3A : vector<16xi32>
        tpu.vector_store_idx %arg8[%add3A_78], %broadcast_in_dim3A_3 masked %eq3A {add = true} : memref<65536xi32, #tpu.memory_space<vmem>>[vector<16xi32>], vector<16xi32>, vector<16xi1>
        %scan3A_79 = arith.constant 0 : i32
        scf.yield %scan3A_79 : i32
      }
      %scan3A_42 = arith.constant 512 : i32
      %lt3A = arith.constant 63 : i32
      %lt3A_43 = arith.cmpi slt, %scan3A_21, %lt3A : i32
      %convert_element_type3A = arith.extui %lt3A_43 : i1 to i32
      %cond3A = arith.constant 0 : i32
      %cond3A_44 = arith.cmpi ne, %convert_element_type3A, %cond3A : i32
      scf.if %cond3A_44 {
        %add3A_60 = arith.constant 2 : i32
        %add3A_61 = arith.addi %mul3A_24, %add3A_60 : i32
        %mul3A_62 = arith.constant 8192 : i32
        %mul3A_63 = arith.muli %add3A_61, %mul3A_62 : i32
        %add3A_64 = arith.addi %mul3A_2, %mul3A_63 : i32
        %dma_start3A_65 = tpu.memref_slice %arg2[%add3A_64] : memref<33554432xi32, #tpu.memory_space<hbm>> -> memref<8192xi32, #tpu.memory_space<hbm>>
        %dma_start3A_66 = tpu.memref_slice %arg2[%add3A_64] : memref<33554432xi32, #tpu.memory_space<hbm>> -> memref<8192xi32, #tpu.memory_space<hbm>>
        tpu.enqueue_dma source(%dma_start3A_66 : memref<8192xi32, #tpu.memory_space<hbm>>) target(%arg5 : memref<8192xi32, #tpu.memory_space<vmem>>) target_semaphore(%arg9 : memref<!tpu.dma_semaphore, #tpu.memory_space<semaphore_mem>>)
      } else {
      }
      %add3A_45 = arith.constant 1 : i32
      %add3A_46 = arith.addi %mul3A_24, %add3A_45 : i32
      %mul3A_47 = arith.constant 8192 : i32
      %mul3A_48 = arith.muli %add3A_46, %mul3A_47 : i32
      %add3A_49 = arith.addi %mul3A_2, %mul3A_48 : i32
      %dma_wait3A_50 = tpu.memref_slice %arg2[%add3A_49] : memref<33554432xi32, #tpu.memory_space<hbm>> -> memref<8192xi32, #tpu.memory_space<hbm>>
      %dma_wait3A_51 = tpu.memref_slice %arg2[%add3A_49] : memref<33554432xi32, #tpu.memory_space<hbm>> -> memref<8192xi32, #tpu.memory_space<hbm>>
      tpu.wait_dma2 semaphore(%arg10 : memref<!tpu.dma_semaphore, #tpu.memory_space<semaphore_mem>>) src(%dma_wait3A_51 : memref<8192xi32, #tpu.memory_space<hbm>>) dst(%arg6 : memref<8192xi32, #tpu.memory_space<vmem>>)
      %scan3A_52 = arith.constant 0 : i32
      %scan3A_53 = arith.constant 0 : i32
      %scan3A_54 = arith.constant 512 : i32
      %scan3A_55 = arith.addi %scan3A_53, %scan3A_54 : i32
      %scan3A_56 = arith.constant 1 : i32
      %scan3A_57 = scf.for %scan3A_60 = %scan3A_53 to %scan3A_55 step %scan3A_56 iter_args(%scan3A_61 = %scan3A_52) -> (i32)  : i32 {
        %mul3A_62 = arith.constant 16 : i32
        %mul3A_63 = arith.muli %scan3A_60, %mul3A_62 : i32
        %get3A_64 = arith.index_cast %mul3A_63 : i32 to index
        %get3A_65 = tpu.vector_load %arg6[%get3A_64] {strides = array<i32>} : memref<8192xi32, #tpu.memory_space<vmem>>, vector<16xi32>,
        %xor3A = arith.constant -2147483648 : i32
        %xor3A_66 = vector.broadcast %xor3A : i32 to vector<16xi32>
        %xor3A_67 = arith.xori %get3A_65, %xor3A_66 : vector<16xi32>
        %shift_right_logical3A = arith.constant 20 : i32
        %shift_right_logical3A_68 = vector.broadcast %shift_right_logical3A : i32 to vector<16xi32>
        %shift_right_logical3A_69 = arith.shrui %xor3A_67, %shift_right_logical3A_68 : vector<16xi32>
        %eq3A = arith.cmpi eq, %shift_right_logical3A_69, %get3A_10 : vector<16xi32>
        %shift_right_logical3A_70 = arith.constant 8 : i32
        %shift_right_logical3A_71 = vector.broadcast %shift_right_logical3A_70 : i32 to vector<16xi32>
        %shift_right_logical3A_72 = arith.shrui %xor3A_67, %shift_right_logical3A_71 : vector<16xi32>
        %and3A = arith.constant 4095 : i32
        %and3A_73 = vector.broadcast %and3A : i32 to vector<16xi32>
        %and3A_74 = arith.andi %shift_right_logical3A_72, %and3A_73 : vector<16xi32>
        %mul3A_75 = arith.constant 16 : i32
        %mul3A_76 = vector.broadcast %mul3A_75 : i32 to vector<16xi32>
        %mul3A_77 = arith.muli %and3A_74, %mul3A_76 : vector<16xi32>
        %add3A_78 = arith.addi %mul3A_77, %iota3A : vector<16xi32>
        tpu.vector_store_idx %arg8[%add3A_78], %broadcast_in_dim3A_3 masked %eq3A {add = true} : memref<65536xi32, #tpu.memory_space<vmem>>[vector<16xi32>], vector<16xi32>, vector<16xi1>
        %scan3A_79 = arith.constant 0 : i32
        scf.yield %scan3A_79 : i32
      }
      %scan3A_58 = arith.constant 512 : i32
      %scan3A_59 = arith.constant 0 : i32
      scf.yield %scan3A_59 : i32
    }
    %scan3A_20 = arith.constant 64 : i32
    "tpu.region"() ({
      %run_scoped3A = tpu.sem_alloc : memref<!tpu.dma_semaphore, #tpu.memory_space<semaphore_mem>>
      %dma_start3A_21 = arith.constant 0 : i32
      %dma_start3A_22 = tpu.memref_slice %arg4[%add3A, %dma_start3A_21] : memref<32x65536xi32, #tpu.memory_space<hbm>> -> memref<1x65536xi32, #tpu.memory_space<hbm>>
      %dma_start3A_23 = tpu.memref_squeeze %dma_start3A_22 : memref<1x65536xi32, #tpu.memory_space<hbm>> -> memref<65536xi32, #tpu.memory_space<hbm>>
      %dma_start3A_24 = arith.constant 0 : i32
      %dma_start3A_25 = tpu.memref_slice %arg4[%add3A, %dma_start3A_24] : memref<32x65536xi32, #tpu.memory_space<hbm>> -> memref<1x65536xi32, #tpu.memory_space<hbm>>
      %dma_start3A_26 = tpu.memref_squeeze %dma_start3A_25 : memref<1x65536xi32, #tpu.memory_space<hbm>> -> memref<65536xi32, #tpu.memory_space<hbm>>
      tpu.enqueue_dma source(%arg8 : memref<65536xi32, #tpu.memory_space<vmem>>) target(%dma_start3A_26 : memref<65536xi32, #tpu.memory_space<hbm>>) target_semaphore(%run_scoped3A : memref<!tpu.dma_semaphore, #tpu.memory_space<semaphore_mem>>)
      %dma_wait3A = arith.constant 0 : i32
      %dma_wait3A_27 = tpu.memref_slice %arg4[%add3A, %dma_wait3A] : memref<32x65536xi32, #tpu.memory_space<hbm>> -> memref<1x65536xi32, #tpu.memory_space<hbm>>
      %dma_wait3A_28 = tpu.memref_squeeze %dma_wait3A_27 : memref<1x65536xi32, #tpu.memory_space<hbm>> -> memref<65536xi32, #tpu.memory_space<hbm>>
      %dma_wait3A_29 = arith.constant 0 : i32
      %dma_wait3A_30 = tpu.memref_slice %arg4[%add3A, %dma_wait3A_29] : memref<32x65536xi32, #tpu.memory_space<hbm>> -> memref<1x65536xi32, #tpu.memory_space<hbm>>
      %dma_wait3A_31 = tpu.memref_squeeze %dma_wait3A_30 : memref<1x65536xi32, #tpu.memory_space<hbm>> -> memref<65536xi32, #tpu.memory_space<hbm>>
      tpu.wait_dma2 semaphore(%run_scoped3A : memref<!tpu.dma_semaphore, #tpu.memory_space<semaphore_mem>>) src(%arg8 : memref<65536xi32, #tpu.memory_space<vmem>>) dst(%dma_wait3A_31 : memref<65536xi32, #tpu.memory_space<hbm>>)
      tpu.yield
    }) : () -> ()
    return
  }
}

#map = affine_map<(d0, d1) -> (0)>
#map1 = affine_map<(d0, d1) -> (0, 0)>
module attributes {stable_mosaic.version = 14 : i64} {
  func.func @refine(%arg0: i32, %arg1: i32, %arg2: memref<33554432xi32, #tpu.memory_space<hbm>>, %arg3: memref<16xi32, #tpu.memory_space<hbm>>, %arg4: memref<32x4096xi32, #tpu.memory_space<hbm>>, %arg5: memref<8192xi32, #tpu.memory_space<vmem>>, %arg6: memref<8192xi32, #tpu.memory_space<vmem>>, %arg7: memref<16xi32, #tpu.memory_space<vmem>>, %arg8: memref<4096xi32, #tpu.memory_space<vmem>>, %arg9: memref<!tpu.dma_semaphore, #tpu.memory_space<semaphore_mem>>, %arg10: memref<!tpu.dma_semaphore, #tpu.memory_space<semaphore_mem>>) attributes {dimension_semantics = [#tpu.dimension_semantics<core_parallel>, #tpu.dimension_semantics<subcore_parallel>], iteration_bounds = array<i64: 2, 16>, scalar_prefetch = 0 : i64, scratch_operands = 6 : i64, tpu.core_type = #tpu.core_type<sc_vector_subcore>, window_params = [{transform_indices = #map}, {transform_indices = #map}, {transform_indices = #map1}]} {
    %mul3A = arith.constant 2 : i32
    %mul3A_0 = arith.muli %arg1, %mul3A : i32
    %add3A = arith.addi %mul3A_0, %arg0 : i32
    %mul3A_1 = arith.constant 1048576 : i32
    %mul3A_2 = arith.muli %add3A, %mul3A_1 : i32
    %iota3A = tpu.iota {dimensions = array<i32: 0>} : vector<16xi32>
    %broadcast_in_dim3A = arith.constant 1 : i32
    %broadcast_in_dim3A_3 = vector.broadcast %broadcast_in_dim3A : i32 to vector<16xi32>
    %scan3A = arith.constant 0 : i32
    %scan3A_4 = arith.constant 0 : i32
    %scan3A_5 = arith.constant 256 : i32
    %scan3A_6 = arith.addi %scan3A_4, %scan3A_5 : i32
    %scan3A_7 = arith.constant 1 : i32
    %scan3A_8 = scf.for %scan3A_21 = %scan3A_4 to %scan3A_6 step %scan3A_7 iter_args(%scan3A_22 = %scan3A) -> (i32)  : i32 {
      %broadcast_in_dim3A_23 = arith.constant 0 : i32
      %broadcast_in_dim3A_24 = vector.broadcast %broadcast_in_dim3A_23 : i32 to vector<16xi32>
      %mul3A_25 = arith.constant 16 : i32
      %mul3A_26 = arith.muli %scan3A_21, %mul3A_25 : i32
      %swap3A = arith.index_cast %mul3A_26 : i32 to index
      %swap3A_27 = tpu.vector_load %arg8[%swap3A] {strides = array<i32>} : memref<4096xi32, #tpu.memory_space<vmem>>, vector<16xi32>,
      tpu.vector_store %arg8[%swap3A], %broadcast_in_dim3A_24 {strides = array<i32>} : memref<4096xi32, #tpu.memory_space<vmem>>, vector<16xi32>,
      %scan3A_28 = arith.constant 0 : i32
      scf.yield %scan3A_28 : i32
    }
    %scan3A_9 = arith.constant 256 : i32
    "tpu.region"() ({
      %run_scoped3A = tpu.sem_alloc : memref<!tpu.dma_semaphore, #tpu.memory_space<semaphore_mem>>
      tpu.enqueue_dma source(%arg3 : memref<16xi32, #tpu.memory_space<hbm>>) target(%arg7 : memref<16xi32, #tpu.memory_space<vmem>>) target_semaphore(%run_scoped3A : memref<!tpu.dma_semaphore, #tpu.memory_space<semaphore_mem>>)
      tpu.wait_dma2 semaphore(%run_scoped3A : memref<!tpu.dma_semaphore, #tpu.memory_space<semaphore_mem>>) src(%arg3 : memref<16xi32, #tpu.memory_space<hbm>>) dst(%arg7 : memref<16xi32, #tpu.memory_space<vmem>>)
      tpu.yield
    }) : () -> ()
    %get3A = arith.constant 0 : index
    %get3A_10 = tpu.vector_load %arg7[%get3A] {strides = array<i32>} : memref<16xi32, #tpu.memory_space<vmem>>, vector<16xi32>,
    %add3A_11 = arith.constant 0 : i32
    %add3A_12 = arith.addi %mul3A_2, %add3A_11 : i32
    %dma_start3A = tpu.memref_slice %arg2[%add3A_12] : memref<33554432xi32, #tpu.memory_space<hbm>> -> memref<8192xi32, #tpu.memory_space<hbm>>
    %dma_start3A_13 = tpu.memref_slice %arg2[%add3A_12] : memref<33554432xi32, #tpu.memory_space<hbm>> -> memref<8192xi32, #tpu.memory_space<hbm>>
    tpu.enqueue_dma source(%dma_start3A_13 : memref<8192xi32, #tpu.memory_space<hbm>>) target(%arg5 : memref<8192xi32, #tpu.memory_space<vmem>>) target_semaphore(%arg9 : memref<!tpu.dma_semaphore, #tpu.memory_space<semaphore_mem>>)
    %scan3A_14 = arith.constant 0 : i32
    %scan3A_15 = arith.constant 0 : i32
    %scan3A_16 = arith.constant 64 : i32
    %scan3A_17 = arith.addi %scan3A_15, %scan3A_16 : i32
    %scan3A_18 = arith.constant 1 : i32
    %scan3A_19 = scf.for %scan3A_21 = %scan3A_15 to %scan3A_17 step %scan3A_18 iter_args(%scan3A_22 = %scan3A_14) -> (i32)  : i32 {
      %mul3A_23 = arith.constant 2 : i32
      %mul3A_24 = arith.muli %mul3A_23, %scan3A_21 : i32
      %add3A_25 = arith.constant 1 : i32
      %add3A_26 = arith.addi %mul3A_24, %add3A_25 : i32
      %mul3A_27 = arith.constant 8192 : i32
      %mul3A_28 = arith.muli %add3A_26, %mul3A_27 : i32
      %add3A_29 = arith.addi %mul3A_2, %mul3A_28 : i32
      %dma_start3A_30 = tpu.memref_slice %arg2[%add3A_29] : memref<33554432xi32, #tpu.memory_space<hbm>> -> memref<8192xi32, #tpu.memory_space<hbm>>
      %dma_start3A_31 = tpu.memref_slice %arg2[%add3A_29] : memref<33554432xi32, #tpu.memory_space<hbm>> -> memref<8192xi32, #tpu.memory_space<hbm>>
      tpu.enqueue_dma source(%dma_start3A_31 : memref<8192xi32, #tpu.memory_space<hbm>>) target(%arg6 : memref<8192xi32, #tpu.memory_space<vmem>>) target_semaphore(%arg10 : memref<!tpu.dma_semaphore, #tpu.memory_space<semaphore_mem>>)
      %mul3A_32 = arith.constant 8192 : i32
      %mul3A_33 = arith.muli %mul3A_24, %mul3A_32 : i32
      %add3A_34 = arith.addi %mul3A_2, %mul3A_33 : i32
      %dma_wait3A = tpu.memref_slice %arg2[%add3A_34] : memref<33554432xi32, #tpu.memory_space<hbm>> -> memref<8192xi32, #tpu.memory_space<hbm>>
      %dma_wait3A_35 = tpu.memref_slice %arg2[%add3A_34] : memref<33554432xi32, #tpu.memory_space<hbm>> -> memref<8192xi32, #tpu.memory_space<hbm>>
      tpu.wait_dma2 semaphore(%arg9 : memref<!tpu.dma_semaphore, #tpu.memory_space<semaphore_mem>>) src(%dma_wait3A_35 : memref<8192xi32, #tpu.memory_space<hbm>>) dst(%arg5 : memref<8192xi32, #tpu.memory_space<vmem>>)
      %scan3A_36 = arith.constant 0 : i32
      %scan3A_37 = arith.constant 0 : i32
      %scan3A_38 = arith.constant 512 : i32
      %scan3A_39 = arith.addi %scan3A_37, %scan3A_38 : i32
      %scan3A_40 = arith.constant 1 : i32
      %scan3A_41 = scf.for %scan3A_60 = %scan3A_37 to %scan3A_39 step %scan3A_40 iter_args(%scan3A_61 = %scan3A_36) -> (i32)  : i32 {
        %mul3A_62 = arith.constant 16 : i32
        %mul3A_63 = arith.muli %scan3A_60, %mul3A_62 : i32
        %get3A_64 = arith.index_cast %mul3A_63 : i32 to index
        %get3A_65 = tpu.vector_load %arg5[%get3A_64] {strides = array<i32>} : memref<8192xi32, #tpu.memory_space<vmem>>, vector<16xi32>,
        %xor3A = arith.constant -2147483648 : i32
        %xor3A_66 = vector.broadcast %xor3A : i32 to vector<16xi32>
        %xor3A_67 = arith.xori %get3A_65, %xor3A_66 : vector<16xi32>
        %shift_right_logical3A = arith.constant 8 : i32
        %shift_right_logical3A_68 = vector.broadcast %shift_right_logical3A : i32 to vector<16xi32>
        %shift_right_logical3A_69 = arith.shrui %xor3A_67, %shift_right_logical3A_68 : vector<16xi32>
        %eq3A = arith.cmpi eq, %shift_right_logical3A_69, %get3A_10 : vector<16xi32>
        %shift_right_logical3A_70 = arith.constant 0 : i32
        %shift_right_logical3A_71 = vector.broadcast %shift_right_logical3A_70 : i32 to vector<16xi32>
        %shift_right_logical3A_72 = arith.shrui %xor3A_67, %shift_right_logical3A_71 : vector<16xi32>
        %and3A = arith.constant 255 : i32
        %and3A_73 = vector.broadcast %and3A : i32 to vector<16xi32>
        %and3A_74 = arith.andi %shift_right_logical3A_72, %and3A_73 : vector<16xi32>
        %mul3A_75 = arith.constant 16 : i32
        %mul3A_76 = vector.broadcast %mul3A_75 : i32 to vector<16xi32>
        %mul3A_77 = arith.muli %and3A_74, %mul3A_76 : vector<16xi32>
        %add3A_78 = arith.addi %mul3A_77, %iota3A : vector<16xi32>
        tpu.vector_store_idx %arg8[%add3A_78], %broadcast_in_dim3A_3 masked %eq3A {add = true} : memref<4096xi32, #tpu.memory_space<vmem>>[vector<16xi32>], vector<16xi32>, vector<16xi1>
        %scan3A_79 = arith.constant 0 : i32
        scf.yield %scan3A_79 : i32
      }
      %scan3A_42 = arith.constant 512 : i32
      %lt3A = arith.constant 63 : i32
      %lt3A_43 = arith.cmpi slt, %scan3A_21, %lt3A : i32
      %convert_element_type3A = arith.extui %lt3A_43 : i1 to i32
      %cond3A = arith.constant 0 : i32
      %cond3A_44 = arith.cmpi ne, %convert_element_type3A, %cond3A : i32
      scf.if %cond3A_44 {
        %add3A_60 = arith.constant 2 : i32
        %add3A_61 = arith.addi %mul3A_24, %add3A_60 : i32
        %mul3A_62 = arith.constant 8192 : i32
        %mul3A_63 = arith.muli %add3A_61, %mul3A_62 : i32
        %add3A_64 = arith.addi %mul3A_2, %mul3A_63 : i32
        %dma_start3A_65 = tpu.memref_slice %arg2[%add3A_64] : memref<33554432xi32, #tpu.memory_space<hbm>> -> memref<8192xi32, #tpu.memory_space<hbm>>
        %dma_start3A_66 = tpu.memref_slice %arg2[%add3A_64] : memref<33554432xi32, #tpu.memory_space<hbm>> -> memref<8192xi32, #tpu.memory_space<hbm>>
        tpu.enqueue_dma source(%dma_start3A_66 : memref<8192xi32, #tpu.memory_space<hbm>>) target(%arg5 : memref<8192xi32, #tpu.memory_space<vmem>>) target_semaphore(%arg9 : memref<!tpu.dma_semaphore, #tpu.memory_space<semaphore_mem>>)
      } else {
      }
      %add3A_45 = arith.constant 1 : i32
      %add3A_46 = arith.addi %mul3A_24, %add3A_45 : i32
      %mul3A_47 = arith.constant 8192 : i32
      %mul3A_48 = arith.muli %add3A_46, %mul3A_47 : i32
      %add3A_49 = arith.addi %mul3A_2, %mul3A_48 : i32
      %dma_wait3A_50 = tpu.memref_slice %arg2[%add3A_49] : memref<33554432xi32, #tpu.memory_space<hbm>> -> memref<8192xi32, #tpu.memory_space<hbm>>
      %dma_wait3A_51 = tpu.memref_slice %arg2[%add3A_49] : memref<33554432xi32, #tpu.memory_space<hbm>> -> memref<8192xi32, #tpu.memory_space<hbm>>
      tpu.wait_dma2 semaphore(%arg10 : memref<!tpu.dma_semaphore, #tpu.memory_space<semaphore_mem>>) src(%dma_wait3A_51 : memref<8192xi32, #tpu.memory_space<hbm>>) dst(%arg6 : memref<8192xi32, #tpu.memory_space<vmem>>)
      %scan3A_52 = arith.constant 0 : i32
      %scan3A_53 = arith.constant 0 : i32
      %scan3A_54 = arith.constant 512 : i32
      %scan3A_55 = arith.addi %scan3A_53, %scan3A_54 : i32
      %scan3A_56 = arith.constant 1 : i32
      %scan3A_57 = scf.for %scan3A_60 = %scan3A_53 to %scan3A_55 step %scan3A_56 iter_args(%scan3A_61 = %scan3A_52) -> (i32)  : i32 {
        %mul3A_62 = arith.constant 16 : i32
        %mul3A_63 = arith.muli %scan3A_60, %mul3A_62 : i32
        %get3A_64 = arith.index_cast %mul3A_63 : i32 to index
        %get3A_65 = tpu.vector_load %arg6[%get3A_64] {strides = array<i32>} : memref<8192xi32, #tpu.memory_space<vmem>>, vector<16xi32>,
        %xor3A = arith.constant -2147483648 : i32
        %xor3A_66 = vector.broadcast %xor3A : i32 to vector<16xi32>
        %xor3A_67 = arith.xori %get3A_65, %xor3A_66 : vector<16xi32>
        %shift_right_logical3A = arith.constant 8 : i32
        %shift_right_logical3A_68 = vector.broadcast %shift_right_logical3A : i32 to vector<16xi32>
        %shift_right_logical3A_69 = arith.shrui %xor3A_67, %shift_right_logical3A_68 : vector<16xi32>
        %eq3A = arith.cmpi eq, %shift_right_logical3A_69, %get3A_10 : vector<16xi32>
        %shift_right_logical3A_70 = arith.constant 0 : i32
        %shift_right_logical3A_71 = vector.broadcast %shift_right_logical3A_70 : i32 to vector<16xi32>
        %shift_right_logical3A_72 = arith.shrui %xor3A_67, %shift_right_logical3A_71 : vector<16xi32>
        %and3A = arith.constant 255 : i32
        %and3A_73 = vector.broadcast %and3A : i32 to vector<16xi32>
        %and3A_74 = arith.andi %shift_right_logical3A_72, %and3A_73 : vector<16xi32>
        %mul3A_75 = arith.constant 16 : i32
        %mul3A_76 = vector.broadcast %mul3A_75 : i32 to vector<16xi32>
        %mul3A_77 = arith.muli %and3A_74, %mul3A_76 : vector<16xi32>
        %add3A_78 = arith.addi %mul3A_77, %iota3A : vector<16xi32>
        tpu.vector_store_idx %arg8[%add3A_78], %broadcast_in_dim3A_3 masked %eq3A {add = true} : memref<4096xi32, #tpu.memory_space<vmem>>[vector<16xi32>], vector<16xi32>, vector<16xi1>
        %scan3A_79 = arith.constant 0 : i32
        scf.yield %scan3A_79 : i32
      }
      %scan3A_58 = arith.constant 512 : i32
      %scan3A_59 = arith.constant 0 : i32
      scf.yield %scan3A_59 : i32
    }
    %scan3A_20 = arith.constant 64 : i32
    "tpu.region"() ({
      %run_scoped3A = tpu.sem_alloc : memref<!tpu.dma_semaphore, #tpu.memory_space<semaphore_mem>>
      %dma_start3A_21 = arith.constant 0 : i32
      %dma_start3A_22 = tpu.memref_slice %arg4[%add3A, %dma_start3A_21] : memref<32x4096xi32, #tpu.memory_space<hbm>> -> memref<1x4096xi32, #tpu.memory_space<hbm>>
      %dma_start3A_23 = tpu.memref_squeeze %dma_start3A_22 : memref<1x4096xi32, #tpu.memory_space<hbm>> -> memref<4096xi32, #tpu.memory_space<hbm>>
      %dma_start3A_24 = arith.constant 0 : i32
      %dma_start3A_25 = tpu.memref_slice %arg4[%add3A, %dma_start3A_24] : memref<32x4096xi32, #tpu.memory_space<hbm>> -> memref<1x4096xi32, #tpu.memory_space<hbm>>
      %dma_start3A_26 = tpu.memref_squeeze %dma_start3A_25 : memref<1x4096xi32, #tpu.memory_space<hbm>> -> memref<4096xi32, #tpu.memory_space<hbm>>
      tpu.enqueue_dma source(%arg8 : memref<4096xi32, #tpu.memory_space<vmem>>) target(%dma_start3A_26 : memref<4096xi32, #tpu.memory_space<hbm>>) target_semaphore(%run_scoped3A : memref<!tpu.dma_semaphore, #tpu.memory_space<semaphore_mem>>)
      %dma_wait3A = arith.constant 0 : i32
      %dma_wait3A_27 = tpu.memref_slice %arg4[%add3A, %dma_wait3A] : memref<32x4096xi32, #tpu.memory_space<hbm>> -> memref<1x4096xi32, #tpu.memory_space<hbm>>
      %dma_wait3A_28 = tpu.memref_squeeze %dma_wait3A_27 : memref<1x4096xi32, #tpu.memory_space<hbm>> -> memref<4096xi32, #tpu.memory_space<hbm>>
      %dma_wait3A_29 = arith.constant 0 : i32
      %dma_wait3A_30 = tpu.memref_slice %arg4[%add3A, %dma_wait3A_29] : memref<32x4096xi32, #tpu.memory_space<hbm>> -> memref<1x4096xi32, #tpu.memory_space<hbm>>
      %dma_wait3A_31 = tpu.memref_squeeze %dma_wait3A_30 : memref<1x4096xi32, #tpu.memory_space<hbm>> -> memref<4096xi32, #tpu.memory_space<hbm>>
      tpu.wait_dma2 semaphore(%run_scoped3A : memref<!tpu.dma_semaphore, #tpu.memory_space<semaphore_mem>>) src(%arg8 : memref<4096xi32, #tpu.memory_space<vmem>>) dst(%dma_wait3A_31 : memref<4096xi32, #tpu.memory_space<hbm>>)
      tpu.yield
    }) : () -> ()
    return
  }
}

#map = affine_map<(d0, d1) -> (0)>
#map1 = affine_map<(d0, d1) -> (0, 0)>
module attributes {stable_mosaic.version = 14 : i64} {
  func.func @_pass1(%arg0: i32, %arg1: i32, %arg2: memref<33554432xf32, #tpu.memory_space<hbm>>, %arg3: memref<33554432xf32, #tpu.memory_space<hbm>>, %arg4: memref<33554432xi32, #tpu.memory_space<hbm>>, %arg5: memref<32x65536xi32, #tpu.memory_space<hbm>>, %arg6: memref<8192xf32, #tpu.memory_space<vmem>>, %arg7: memref<8192xf32, #tpu.memory_space<vmem>>, %arg8: memref<8192xf32, #tpu.memory_space<vmem>>, %arg9: memref<8192xf32, #tpu.memory_space<vmem>>, %arg10: memref<8192xi32, #tpu.memory_space<vmem>>, %arg11: memref<8192xi32, #tpu.memory_space<vmem>>, %arg12: memref<65536xi32, #tpu.memory_space<vmem>>, %arg13: memref<!tpu.dma_semaphore, #tpu.memory_space<semaphore_mem>>, %arg14: memref<!tpu.dma_semaphore, #tpu.memory_space<semaphore_mem>>, %arg15: memref<!tpu.dma_semaphore, #tpu.memory_space<semaphore_mem>>) attributes {dimension_semantics = [#tpu.dimension_semantics<core_parallel>, #tpu.dimension_semantics<subcore_parallel>], iteration_bounds = array<i64: 2, 16>, scalar_prefetch = 0 : i64, scratch_operands = 10 : i64, tpu.core_type = #tpu.core_type<sc_vector_subcore>, window_params = [{transform_indices = #map}, {transform_indices = #map}, {transform_indices = #map}, {transform_indices = #map1}]} {
    %mul3A = arith.constant 2 : i32
    %mul3A_0 = arith.muli %arg1, %mul3A : i32
    %add3A = arith.addi %mul3A_0, %arg0 : i32
    %mul3A_1 = arith.constant 1048576 : i32
    %mul3A_2 = arith.muli %add3A, %mul3A_1 : i32
    %iota3A = tpu.iota {dimensions = array<i32: 0>} : vector<16xi32>
    %broadcast_in_dim3A = arith.constant 1 : i32
    %broadcast_in_dim3A_3 = vector.broadcast %broadcast_in_dim3A : i32 to vector<16xi32>
    %scan3A = arith.constant 0 : i32
    %scan3A_4 = arith.constant 0 : i32
    %scan3A_5 = arith.constant 4096 : i32
    %scan3A_6 = arith.addi %scan3A_4, %scan3A_5 : i32
    %scan3A_7 = arith.constant 1 : i32
    %scan3A_8 = scf.for %scan3A_31 = %scan3A_4 to %scan3A_6 step %scan3A_7 iter_args(%scan3A_32 = %scan3A) -> (i32)  : i32 {
      %broadcast_in_dim3A_33 = arith.constant 0 : i32
      %broadcast_in_dim3A_34 = vector.broadcast %broadcast_in_dim3A_33 : i32 to vector<16xi32>
      %mul3A_35 = arith.constant 16 : i32
      %mul3A_36 = arith.muli %scan3A_31, %mul3A_35 : i32
      %swap3A = arith.index_cast %mul3A_36 : i32 to index
      %swap3A_37 = tpu.vector_load %arg12[%swap3A] {strides = array<i32>} : memref<65536xi32, #tpu.memory_space<vmem>>, vector<16xi32>,
      tpu.vector_store %arg12[%swap3A], %broadcast_in_dim3A_34 {strides = array<i32>} : memref<65536xi32, #tpu.memory_space<vmem>>, vector<16xi32>,
      %scan3A_38 = arith.constant 0 : i32
      scf.yield %scan3A_38 : i32
    }
    %scan3A_9 = arith.constant 4096 : i32
    %add3A_10 = arith.constant 0 : i32
    %add3A_11 = arith.addi %mul3A_2, %add3A_10 : i32
    %dma_start3A = tpu.memref_slice %arg2[%add3A_11] : memref<33554432xf32, #tpu.memory_space<hbm>> -> memref<8192xf32, #tpu.memory_space<hbm>>
    %dma_start3A_12 = tpu.memref_slice %arg2[%add3A_11] : memref<33554432xf32, #tpu.memory_space<hbm>> -> memref<8192xf32, #tpu.memory_space<hbm>>
    tpu.enqueue_dma source(%dma_start3A_12 : memref<8192xf32, #tpu.memory_space<hbm>>) target(%arg6 : memref<8192xf32, #tpu.memory_space<vmem>>) target_semaphore(%arg13 : memref<!tpu.dma_semaphore, #tpu.memory_space<semaphore_mem>>)
    %add3A_13 = arith.constant 0 : i32
    %add3A_14 = arith.addi %mul3A_2, %add3A_13 : i32
    %dma_start3A_15 = tpu.memref_slice %arg3[%add3A_14] : memref<33554432xf32, #tpu.memory_space<hbm>> -> memref<8192xf32, #tpu.memory_space<hbm>>
    %dma_start3A_16 = tpu.memref_slice %arg3[%add3A_14] : memref<33554432xf32, #tpu.memory_space<hbm>> -> memref<8192xf32, #tpu.memory_space<hbm>>
    tpu.enqueue_dma source(%dma_start3A_16 : memref<8192xf32, #tpu.memory_space<hbm>>) target(%arg8 : memref<8192xf32, #tpu.memory_space<vmem>>) target_semaphore(%arg13 : memref<!tpu.dma_semaphore, #tpu.memory_space<semaphore_mem>>)
    %scan3A_17 = arith.constant 0 : i32
    %scan3A_18 = arith.constant 0 : i32
    %scan3A_19 = arith.constant 64 : i32
    %scan3A_20 = arith.addi %scan3A_18, %scan3A_19 : i32
    %scan3A_21 = arith.constant 1 : i32
    %scan3A_22 = scf.for %scan3A_31 = %scan3A_18 to %scan3A_20 step %scan3A_21 iter_args(%scan3A_32 = %scan3A_17) -> (i32)  : i32 {
      %mul3A_33 = arith.constant 2 : i32
      %mul3A_34 = arith.muli %mul3A_33, %scan3A_31 : i32
      %add3A_35 = arith.constant 1 : i32
      %add3A_36 = arith.addi %mul3A_34, %add3A_35 : i32
      %mul3A_37 = arith.constant 8192 : i32
      %mul3A_38 = arith.muli %add3A_36, %mul3A_37 : i32
      %add3A_39 = arith.addi %mul3A_2, %mul3A_38 : i32
      %dma_start3A_40 = tpu.memref_slice %arg2[%add3A_39] : memref<33554432xf32, #tpu.memory_space<hbm>> -> memref<8192xf32, #tpu.memory_space<hbm>>
      %dma_start3A_41 = tpu.memref_slice %arg2[%add3A_39] : memref<33554432xf32, #tpu.memory_space<hbm>> -> memref<8192xf32, #tpu.memory_space<hbm>>
      tpu.enqueue_dma source(%dma_start3A_41 : memref<8192xf32, #tpu.memory_space<hbm>>) target(%arg7 : memref<8192xf32, #tpu.memory_space<vmem>>) target_semaphore(%arg14 : memref<!tpu.dma_semaphore, #tpu.memory_space<semaphore_mem>>)
      %add3A_42 = arith.constant 1 : i32
      %add3A_43 = arith.addi %mul3A_34, %add3A_42 : i32
      %mul3A_44 = arith.constant 8192 : i32
      %mul3A_45 = arith.muli %add3A_43, %mul3A_44 : i32
      %add3A_46 = arith.addi %mul3A_2, %mul3A_45 : i32
      %dma_start3A_47 = tpu.memref_slice %arg3[%add3A_46] : memref<33554432xf32, #tpu.memory_space<hbm>> -> memref<8192xf32, #tpu.memory_space<hbm>>
      %dma_start3A_48 = tpu.memref_slice %arg3[%add3A_46] : memref<33554432xf32, #tpu.memory_space<hbm>> -> memref<8192xf32, #tpu.memory_space<hbm>>
      tpu.enqueue_dma source(%dma_start3A_48 : memref<8192xf32, #tpu.memory_space<hbm>>) target(%arg9 : memref<8192xf32, #tpu.memory_space<vmem>>) target_semaphore(%arg14 : memref<!tpu.dma_semaphore, #tpu.memory_space<semaphore_mem>>)
      %mul3A_49 = arith.constant 8192 : i32
      %mul3A_50 = arith.muli %mul3A_34, %mul3A_49 : i32
      %add3A_51 = arith.addi %mul3A_2, %mul3A_50 : i32
      %dma_wait3A_52 = tpu.memref_slice %arg2[%add3A_51] : memref<33554432xf32, #tpu.memory_space<hbm>> -> memref<8192xf32, #tpu.memory_space<hbm>>
      %dma_wait3A_53 = tpu.memref_slice %arg2[%add3A_51] : memref<33554432xf32, #tpu.memory_space<hbm>> -> memref<8192xf32, #tpu.memory_space<hbm>>
      tpu.wait_dma2 semaphore(%arg13 : memref<!tpu.dma_semaphore, #tpu.memory_space<semaphore_mem>>) src(%dma_wait3A_53 : memref<8192xf32, #tpu.memory_space<hbm>>) dst(%arg6 : memref<8192xf32, #tpu.memory_space<vmem>>)
      %mul3A_54 = arith.constant 8192 : i32
      %mul3A_55 = arith.muli %mul3A_34, %mul3A_54 : i32
      %add3A_56 = arith.addi %mul3A_2, %mul3A_55 : i32
      %dma_wait3A_57 = tpu.memref_slice %arg3[%add3A_56] : memref<33554432xf32, #tpu.memory_space<hbm>> -> memref<8192xf32, #tpu.memory_space<hbm>>
      %dma_wait3A_58 = tpu.memref_slice %arg3[%add3A_56] : memref<33554432xf32, #tpu.memory_space<hbm>> -> memref<8192xf32, #tpu.memory_space<hbm>>
      tpu.wait_dma2 semaphore(%arg13 : memref<!tpu.dma_semaphore, #tpu.memory_space<semaphore_mem>>) src(%dma_wait3A_58 : memref<8192xf32, #tpu.memory_space<hbm>>) dst(%arg8 : memref<8192xf32, #tpu.memory_space<vmem>>)
      %gt3A = arith.constant 0 : i32
      %gt3A_59 = arith.cmpi sgt, %scan3A_31, %gt3A : i32
      %convert_element_type3A = arith.extui %gt3A_59 : i1 to i32
      %cond3A = arith.constant 0 : i32
      %cond3A_60 = arith.cmpi ne, %convert_element_type3A, %cond3A : i32
      scf.if %cond3A_60 {
        %sub3A = arith.constant 2 : i32
        %sub3A_111 = arith.subi %mul3A_34, %sub3A : i32
        %mul3A_112 = arith.constant 8192 : i32
        %mul3A_113 = arith.muli %sub3A_111, %mul3A_112 : i32
        %add3A_114 = arith.addi %mul3A_2, %mul3A_113 : i32
        %dma_wait3A_115 = tpu.memref_slice %arg4[%add3A_114] : memref<33554432xi32, #tpu.memory_space<hbm>> -> memref<8192xi32, #tpu.memory_space<hbm>>
        %dma_wait3A_116 = tpu.memref_slice %arg4[%add3A_114] : memref<33554432xi32, #tpu.memory_space<hbm>> -> memref<8192xi32, #tpu.memory_space<hbm>>
        tpu.wait_dma2 semaphore(%arg15 : memref<!tpu.dma_semaphore, #tpu.memory_space<semaphore_mem>>) src(%arg10 : memref<8192xi32, #tpu.memory_space<vmem>>) dst(%dma_wait3A_116 : memref<8192xi32, #tpu.memory_space<hbm>>)
      } else {
      }
      %scan3A_61 = arith.constant 0 : i32
      %scan3A_62 = arith.constant 0 : i32
      %scan3A_63 = arith.constant 512 : i32
      %scan3A_64 = arith.addi %scan3A_62, %scan3A_63 : i32
      %scan3A_65 = arith.constant 1 : i32
      %scan3A_66 = scf.for %scan3A_111 = %scan3A_62 to %scan3A_64 step %scan3A_65 iter_args(%scan3A_112 = %scan3A_61) -> (i32)  : i32 {
        %mul3A_113 = arith.constant 16 : i32
        %mul3A_114 = arith.muli %scan3A_111, %mul3A_113 : i32
        %get3A = arith.index_cast %mul3A_114 : i32 to index
        %get3A_115 = tpu.vector_load %arg6[%get3A] {strides = array<i32>} : memref<8192xf32, #tpu.memory_space<vmem>>, vector<16xf32>,
        %mul3A_116 = arith.constant 16 : i32
        %mul3A_117 = arith.muli %scan3A_111, %mul3A_116 : i32
        %get3A_118 = arith.index_cast %mul3A_117 : i32 to index
        %get3A_119 = tpu.vector_load %arg8[%get3A_118] {strides = array<i32>} : memref<8192xf32, #tpu.memory_space<vmem>>, vector<16xf32>,
        %sub3A = arith.subf %get3A_115, %get3A_119 : vector<16xf32>
        %bitcast_convert_type3A = tpu.bitcast %sub3A : vector<16xf32> -> vector<16xi32>
        %ge3A = arith.constant 0 : i32
        %ge3A_120 = vector.broadcast %ge3A : i32 to vector<16xi32>
        %ge3A_121 = arith.cmpi sge, %bitcast_convert_type3A, %ge3A_120 : vector<16xi32>
        %neg3A = arith.constant 0 : i32
        %neg3A_122 = vector.broadcast %neg3A : i32 to vector<16xi32>
        %neg3A_123 = arith.subi %neg3A_122, %bitcast_convert_type3A : vector<16xi32>
        %xor3A = arith.constant -2147483648 : i32
        %xor3A_124 = vector.broadcast %xor3A : i32 to vector<16xi32>
        %xor3A_125 = arith.xori %neg3A_123, %xor3A_124 : vector<16xi32>
        %select_n3A = arith.select %ge3A_121, %bitcast_convert_type3A, %xor3A_125 : vector<16xi1>, vector<16xi32>
        %mul3A_126 = arith.constant 16 : i32
        %mul3A_127 = arith.muli %scan3A_111, %mul3A_126 : i32
        %swap3A = arith.index_cast %mul3A_127 : i32 to index
        %swap3A_128 = tpu.vector_load %arg10[%swap3A] {strides = array<i32>} : memref<8192xi32, #tpu.memory_space<vmem>>, vector<16xi32>,
        tpu.vector_store %arg10[%swap3A], %select_n3A {strides = array<i32>} : memref<8192xi32, #tpu.memory_space<vmem>>, vector<16xi32>,
        %xor3A_129 = arith.constant -2147483648 : i32
        %xor3A_130 = vector.broadcast %xor3A_129 : i32 to vector<16xi32>
        %xor3A_131 = arith.xori %select_n3A, %xor3A_130 : vector<16xi32>
        %shift_right_logical3A = arith.constant 20 : i32
        %shift_right_logical3A_132 = vector.broadcast %shift_right_logical3A : i32 to vector<16xi32>
        %shift_right_logical3A_133 = arith.shrui %xor3A_131, %shift_right_logical3A_132 : vector<16xi32>
        %mul3A_134 = arith.constant 16 : i32
        %mul3A_135 = vector.broadcast %mul3A_134 : i32 to vector<16xi32>
        %mul3A_136 = arith.muli %shift_right_logical3A_133, %mul3A_135 : vector<16xi32>
        %add3A_137 = arith.addi %mul3A_136, %iota3A : vector<16xi32>
        tpu.vector_store_idx %arg12[%add3A_137], %broadcast_in_dim3A_3 {add = true} : memref<65536xi32, #tpu.memory_space<vmem>>[vector<16xi32>], vector<16xi32>,
        %scan3A_138 = arith.constant 0 : i32
        scf.yield %scan3A_138 : i32
      }
      %scan3A_67 = arith.constant 512 : i32
      %mul3A_68 = arith.constant 8192 : i32
      %mul3A_69 = arith.muli %mul3A_34, %mul3A_68 : i32
      %add3A_70 = arith.addi %mul3A_2, %mul3A_69 : i32
      %dma_start3A_71 = tpu.memref_slice %arg4[%add3A_70] : memref<33554432xi32, #tpu.memory_space<hbm>> -> memref<8192xi32, #tpu.memory_space<hbm>>
      %dma_start3A_72 = tpu.memref_slice %arg4[%add3A_70] : memref<33554432xi32, #tpu.memory_space<hbm>> -> memref<8192xi32, #tpu.memory_space<hbm>>
      tpu.enqueue_dma source(%arg10 : memref<8192xi32, #tpu.memory_space<vmem>>) target(%dma_start3A_72 : memref<8192xi32, #tpu.memory_space<hbm>>) target_semaphore(%arg15 : memref<!tpu.dma_semaphore, #tpu.memory_space<semaphore_mem>>)
      %lt3A = arith.constant 63 : i32
      %lt3A_73 = arith.cmpi slt, %scan3A_31, %lt3A : i32
      %convert_element_type3A_74 = arith.extui %lt3A_73 : i1 to i32
      %cond3A_75 = arith.constant 0 : i32
      %cond3A_76 = arith.cmpi ne, %convert_element_type3A_74, %cond3A_75 : i32
      scf.if %cond3A_76 {
        %add3A_111 = arith.constant 2 : i32
        %add3A_112 = arith.addi %mul3A_34, %add3A_111 : i32
        %mul3A_113 = arith.constant 8192 : i32
        %mul3A_114 = arith.muli %add3A_112, %mul3A_113 : i32
        %add3A_115 = arith.addi %mul3A_2, %mul3A_114 : i32
        %dma_start3A_116 = tpu.memref_slice %arg2[%add3A_115] : memref<33554432xf32, #tpu.memory_space<hbm>> -> memref<8192xf32, #tpu.memory_space<hbm>>
        %dma_start3A_117 = tpu.memref_slice %arg2[%add3A_115] : memref<33554432xf32, #tpu.memory_space<hbm>> -> memref<8192xf32, #tpu.memory_space<hbm>>
        tpu.enqueue_dma source(%dma_start3A_117 : memref<8192xf32, #tpu.memory_space<hbm>>) target(%arg6 : memref<8192xf32, #tpu.memory_space<vmem>>) target_semaphore(%arg13 : memref<!tpu.dma_semaphore, #tpu.memory_space<semaphore_mem>>)
        %add3A_118 = arith.constant 2 : i32
        %add3A_119 = arith.addi %mul3A_34, %add3A_118 : i32
        %mul3A_120 = arith.constant 8192 : i32
        %mul3A_121 = arith.muli %add3A_119, %mul3A_120 : i32
        %add3A_122 = arith.addi %mul3A_2, %mul3A_121 : i32
        %dma_start3A_123 = tpu.memref_slice %arg3[%add3A_122] : memref<33554432xf32, #tpu.memory_space<hbm>> -> memref<8192xf32, #tpu.memory_space<hbm>>
        %dma_start3A_124 = tpu.memref_slice %arg3[%add3A_122] : memref<33554432xf32, #tpu.memory_space<hbm>> -> memref<8192xf32, #tpu.memory_space<hbm>>
        tpu.enqueue_dma source(%dma_start3A_124 : memref<8192xf32, #tpu.memory_space<hbm>>) target(%arg8 : memref<8192xf32, #tpu.memory_space<vmem>>) target_semaphore(%arg13 : memref<!tpu.dma_semaphore, #tpu.memory_space<semaphore_mem>>)
      } else {
      }
      %add3A_77 = arith.constant 1 : i32
      %add3A_78 = arith.addi %mul3A_34, %add3A_77 : i32
      %mul3A_79 = arith.constant 8192 : i32
      %mul3A_80 = arith.muli %add3A_78, %mul3A_79 : i32
      %add3A_81 = arith.addi %mul3A_2, %mul3A_80 : i32
      %dma_wait3A_82 = tpu.memref_slice %arg2[%add3A_81] : memref<33554432xf32, #tpu.memory_space<hbm>> -> memref<8192xf32, #tpu.memory_space<hbm>>
      %dma_wait3A_83 = tpu.memref_slice %arg2[%add3A_81] : memref<33554432xf32, #tpu.memory_space<hbm>> -> memref<8192xf32, #tpu.memory_space<hbm>>
      tpu.wait_dma2 semaphore(%arg14 : memref<!tpu.dma_semaphore, #tpu.memory_space<semaphore_mem>>) src(%dma_wait3A_83 : memref<8192xf32, #tpu.memory_space<hbm>>) dst(%arg7 : memref<8192xf32, #tpu.memory_space<vmem>>)
      %add3A_84 = arith.constant 1 : i32
      %add3A_85 = arith.addi %mul3A_34, %add3A_84 : i32
      %mul3A_86 = arith.constant 8192 : i32
      %mul3A_87 = arith.muli %add3A_85, %mul3A_86 : i32
      %add3A_88 = arith.addi %mul3A_2, %mul3A_87 : i32
      %dma_wait3A_89 = tpu.memref_slice %arg3[%add3A_88] : memref<33554432xf32, #tpu.memory_space<hbm>> -> memref<8192xf32, #tpu.memory_space<hbm>>
      %dma_wait3A_90 = tpu.memref_slice %arg3[%add3A_88] : memref<33554432xf32, #tpu.memory_space<hbm>> -> memref<8192xf32, #tpu.memory_space<hbm>>
      tpu.wait_dma2 semaphore(%arg14 : memref<!tpu.dma_semaphore, #tpu.memory_space<semaphore_mem>>) src(%dma_wait3A_90 : memref<8192xf32, #tpu.memory_space<hbm>>) dst(%arg9 : memref<8192xf32, #tpu.memory_space<vmem>>)
      %gt3A_91 = arith.constant 0 : i32
      %gt3A_92 = arith.cmpi sgt, %scan3A_31, %gt3A_91 : i32
      %convert_element_type3A_93 = arith.extui %gt3A_92 : i1 to i32
      %cond3A_94 = arith.constant 0 : i32
      %cond3A_95 = arith.cmpi ne, %convert_element_type3A_93, %cond3A_94 : i32
      scf.if %cond3A_95 {
        %sub3A = arith.constant 1 : i32
        %sub3A_111 = arith.subi %mul3A_34, %sub3A : i32
        %mul3A_112 = arith.constant 8192 : i32
        %mul3A_113 = arith.muli %sub3A_111, %mul3A_112 : i32
        %add3A_114 = arith.addi %mul3A_2, %mul3A_113 : i32
        %dma_wait3A_115 = tpu.memref_slice %arg4[%add3A_114] : memref<33554432xi32, #tpu.memory_space<hbm>> -> memref<8192xi32, #tpu.memory_space<hbm>>
        %dma_wait3A_116 = tpu.memref_slice %arg4[%add3A_114] : memref<33554432xi32, #tpu.memory_space<hbm>> -> memref<8192xi32, #tpu.memory_space<hbm>>
        tpu.wait_dma2 semaphore(%arg15 : memref<!tpu.dma_semaphore, #tpu.memory_space<semaphore_mem>>) src(%arg11 : memref<8192xi32, #tpu.memory_space<vmem>>) dst(%dma_wait3A_116 : memref<8192xi32, #tpu.memory_space<hbm>>)
      } else {
      }
      %scan3A_96 = arith.constant 0 : i32
      %scan3A_97 = arith.constant 0 : i32
      %scan3A_98 = arith.constant 512 : i32
      %scan3A_99 = arith.addi %scan3A_97, %scan3A_98 : i32
      %scan3A_100 = arith.constant 1 : i32
      %scan3A_101 = scf.for %scan3A_111 = %scan3A_97 to %scan3A_99 step %scan3A_100 iter_args(%scan3A_112 = %scan3A_96) -> (i32)  : i32 {
        %mul3A_113 = arith.constant 16 : i32
        %mul3A_114 = arith.muli %scan3A_111, %mul3A_113 : i32
        %get3A = arith.index_cast %mul3A_114 : i32 to index
        %get3A_115 = tpu.vector_load %arg7[%get3A] {strides = array<i32>} : memref<8192xf32, #tpu.memory_space<vmem>>, vector<16xf32>,
        %mul3A_116 = arith.constant 16 : i32
        %mul3A_117 = arith.muli %scan3A_111, %mul3A_116 : i32
        %get3A_118 = arith.index_cast %mul3A_117 : i32 to index
        %get3A_119 = tpu.vector_load %arg9[%get3A_118] {strides = array<i32>} : memref<8192xf32, #tpu.memory_space<vmem>>, vector<16xf32>,
        %sub3A = arith.subf %get3A_115, %get3A_119 : vector<16xf32>
        %bitcast_convert_type3A = tpu.bitcast %sub3A : vector<16xf32> -> vector<16xi32>
        %ge3A = arith.constant 0 : i32
        %ge3A_120 = vector.broadcast %ge3A : i32 to vector<16xi32>
        %ge3A_121 = arith.cmpi sge, %bitcast_convert_type3A, %ge3A_120 : vector<16xi32>
        %neg3A = arith.constant 0 : i32
        %neg3A_122 = vector.broadcast %neg3A : i32 to vector<16xi32>
        %neg3A_123 = arith.subi %neg3A_122, %bitcast_convert_type3A : vector<16xi32>
        %xor3A = arith.constant -2147483648 : i32
        %xor3A_124 = vector.broadcast %xor3A : i32 to vector<16xi32>
        %xor3A_125 = arith.xori %neg3A_123, %xor3A_124 : vector<16xi32>
        %select_n3A = arith.select %ge3A_121, %bitcast_convert_type3A, %xor3A_125 : vector<16xi1>, vector<16xi32>
        %mul3A_126 = arith.constant 16 : i32
        %mul3A_127 = arith.muli %scan3A_111, %mul3A_126 : i32
        %swap3A = arith.index_cast %mul3A_127 : i32 to index
        %swap3A_128 = tpu.vector_load %arg11[%swap3A] {strides = array<i32>} : memref<8192xi32, #tpu.memory_space<vmem>>, vector<16xi32>,
        tpu.vector_store %arg11[%swap3A], %select_n3A {strides = array<i32>} : memref<8192xi32, #tpu.memory_space<vmem>>, vector<16xi32>,
        %xor3A_129 = arith.constant -2147483648 : i32
        %xor3A_130 = vector.broadcast %xor3A_129 : i32 to vector<16xi32>
        %xor3A_131 = arith.xori %select_n3A, %xor3A_130 : vector<16xi32>
        %shift_right_logical3A = arith.constant 20 : i32
        %shift_right_logical3A_132 = vector.broadcast %shift_right_logical3A : i32 to vector<16xi32>
        %shift_right_logical3A_133 = arith.shrui %xor3A_131, %shift_right_logical3A_132 : vector<16xi32>
        %mul3A_134 = arith.constant 16 : i32
        %mul3A_135 = vector.broadcast %mul3A_134 : i32 to vector<16xi32>
        %mul3A_136 = arith.muli %shift_right_logical3A_133, %mul3A_135 : vector<16xi32>
        %add3A_137 = arith.addi %mul3A_136, %iota3A : vector<16xi32>
        tpu.vector_store_idx %arg12[%add3A_137], %broadcast_in_dim3A_3 {add = true} : memref<65536xi32, #tpu.memory_space<vmem>>[vector<16xi32>], vector<16xi32>,
        %scan3A_138 = arith.constant 0 : i32
        scf.yield %scan3A_138 : i32
      }
      %scan3A_102 = arith.constant 512 : i32
      %add3A_103 = arith.constant 1 : i32
      %add3A_104 = arith.addi %mul3A_34, %add3A_103 : i32
      %mul3A_105 = arith.constant 8192 : i32
      %mul3A_106 = arith.muli %add3A_104, %mul3A_105 : i32
      %add3A_107 = arith.addi %mul3A_2, %mul3A_106 : i32
      %dma_start3A_108 = tpu.memref_slice %arg4[%add3A_107] : memref<33554432xi32, #tpu.memory_space<hbm>> -> memref<8192xi32, #tpu.memory_space<hbm>>
      %dma_start3A_109 = tpu.memref_slice %arg4[%add3A_107] : memref<33554432xi32, #tpu.memory_space<hbm>> -> memref<8192xi32, #tpu.memory_space<hbm>>
      tpu.enqueue_dma source(%arg11 : memref<8192xi32, #tpu.memory_space<vmem>>) target(%dma_start3A_109 : memref<8192xi32, #tpu.memory_space<hbm>>) target_semaphore(%arg15 : memref<!tpu.dma_semaphore, #tpu.memory_space<semaphore_mem>>)
      %scan3A_110 = arith.constant 0 : i32
      scf.yield %scan3A_110 : i32
    }
    %scan3A_23 = arith.constant 64 : i32
    %add3A_24 = arith.constant 1032192 : i32
    %add3A_25 = arith.addi %mul3A_2, %add3A_24 : i32
    %dma_wait3A = tpu.memref_slice %arg4[%add3A_25] : memref<33554432xi32, #tpu.memory_space<hbm>> -> memref<8192xi32, #tpu.memory_space<hbm>>
    %dma_wait3A_26 = tpu.memref_slice %arg4[%add3A_25] : memref<33554432xi32, #tpu.memory_space<hbm>> -> memref<8192xi32, #tpu.memory_space<hbm>>
    tpu.wait_dma2 semaphore(%arg15 : memref<!tpu.dma_semaphore, #tpu.memory_space<semaphore_mem>>) src(%arg10 : memref<8192xi32, #tpu.memory_space<vmem>>) dst(%dma_wait3A_26 : memref<8192xi32, #tpu.memory_space<hbm>>)
    %add3A_27 = arith.constant 1040384 : i32
    %add3A_28 = arith.addi %mul3A_2, %add3A_27 : i32
    %dma_wait3A_29 = tpu.memref_slice %arg4[%add3A_28] : memref<33554432xi32, #tpu.memory_space<hbm>> -> memref<8192xi32, #tpu.memory_space<hbm>>
    %dma_wait3A_30 = tpu.memref_slice %arg4[%add3A_28] : memref<33554432xi32, #tpu.memory_space<hbm>> -> memref<8192xi32, #tpu.memory_space<hbm>>
    tpu.wait_dma2 semaphore(%arg15 : memref<!tpu.dma_semaphore, #tpu.memory_space<semaphore_mem>>) src(%arg11 : memref<8192xi32, #tpu.memory_space<vmem>>) dst(%dma_wait3A_30 : memref<8192xi32, #tpu.memory_space<hbm>>)
    "tpu.region"() ({
      %run_scoped3A = tpu.sem_alloc : memref<!tpu.dma_semaphore, #tpu.memory_space<semaphore_mem>>
      %dma_start3A_31 = arith.constant 0 : i32
      %dma_start3A_32 = tpu.memref_slice %arg5[%add3A, %dma_start3A_31] : memref<32x65536xi32, #tpu.memory_space<hbm>> -> memref<1x65536xi32, #tpu.memory_space<hbm>>
      %dma_start3A_33 = tpu.memref_squeeze %dma_start3A_32 : memref<1x65536xi32, #tpu.memory_space<hbm>> -> memref<65536xi32, #tpu.memory_space<hbm>>
      %dma_start3A_34 = arith.constant 0 : i32
      %dma_start3A_35 = tpu.memref_slice %arg5[%add3A, %dma_start3A_34] : memref<32x65536xi32, #tpu.memory_space<hbm>> -> memref<1x65536xi32, #tpu.memory_space<hbm>>
      %dma_start3A_36 = tpu.memref_squeeze %dma_start3A_35 : memref<1x65536xi32, #tpu.memory_space<hbm>> -> memref<65536xi32, #tpu.memory_space<hbm>>
      tpu.enqueue_dma source(%arg12 : memref<65536xi32, #tpu.memory_space<vmem>>) target(%dma_start3A_36 : memref<65536xi32, #tpu.memory_space<hbm>>) target_semaphore(%run_scoped3A : memref<!tpu.dma_semaphore, #tpu.memory_space<semaphore_mem>>)
      %dma_wait3A_37 = arith.constant 0 : i32
      %dma_wait3A_38 = tpu.memref_slice %arg5[%add3A, %dma_wait3A_37] : memref<32x65536xi32, #tpu.memory_space<hbm>> -> memref<1x65536xi32, #tpu.memory_space<hbm>>
      %dma_wait3A_39 = tpu.memref_squeeze %dma_wait3A_38 : memref<1x65536xi32, #tpu.memory_space<hbm>> -> memref<65536xi32, #tpu.memory_space<hbm>>
      %dma_wait3A_40 = arith.constant 0 : i32
      %dma_wait3A_41 = tpu.memref_slice %arg5[%add3A, %dma_wait3A_40] : memref<32x65536xi32, #tpu.memory_space<hbm>> -> memref<1x65536xi32, #tpu.memory_space<hbm>>
      %dma_wait3A_42 = tpu.memref_squeeze %dma_wait3A_41 : memref<1x65536xi32, #tpu.memory_space<hbm>> -> memref<65536xi32, #tpu.memory_space<hbm>>
      tpu.wait_dma2 semaphore(%run_scoped3A : memref<!tpu.dma_semaphore, #tpu.memory_space<semaphore_mem>>) src(%arg12 : memref<65536xi32, #tpu.memory_space<vmem>>) dst(%dma_wait3A_42 : memref<65536xi32, #tpu.memory_space<hbm>>)
      tpu.yield
    }) : () -> ()
    return
  }
}

#map = affine_map<(d0, d1) -> (0)>
#map1 = affine_map<(d0, d1) -> (0, 0)>
module attributes {stable_mosaic.version = 14 : i64} {
  func.func @_pass4(%arg0: i32, %arg1: i32, %arg2: memref<33554432xi32, #tpu.memory_space<hbm>>, %arg3: memref<32x48xi32, #tpu.memory_space<hbm>>, %arg4: memref<3355571xi32, #tpu.memory_space<hbm>>, %arg5: memref<32x16xi32, #tpu.memory_space<hbm>>, %arg6: memref<8192xi32, #tpu.memory_space<vmem>>, %arg7: memref<48xi32, #tpu.memory_space<vmem>>, %arg8: memref<160xi32, #tpu.memory_space<vmem>>, %arg9: memref<128xi32, #tpu.memory_space<vmem>>, %arg10: memref<16xi32, #tpu.memory_space<vmem>>, %arg11: memref<!tpu.dma_semaphore, #tpu.memory_space<semaphore_mem>>) attributes {dimension_semantics = [#tpu.dimension_semantics<core_parallel>, #tpu.dimension_semantics<subcore_parallel>], iteration_bounds = array<i64: 2, 16>, scalar_prefetch = 0 : i64, scratch_operands = 6 : i64, tpu.core_type = #tpu.core_type<sc_vector_subcore>, window_params = [{transform_indices = #map}, {transform_indices = #map1}, {transform_indices = #map}, {transform_indices = #map1}]} {
    %mul3A = arith.constant 2 : i32
    %mul3A_0 = arith.muli %arg1, %mul3A : i32
    %add3A = arith.addi %mul3A_0, %arg0 : i32
    %mul3A_1 = arith.constant 1048576 : i32
    %mul3A_2 = arith.muli %add3A, %mul3A_1 : i32
    %iota3A = tpu.iota {dimensions = array<i32: 0>} : vector<16xi32>
    "tpu.region"() ({
      %run_scoped3A = tpu.sem_alloc : memref<!tpu.dma_semaphore, #tpu.memory_space<semaphore_mem>>
      %dma_start3A_134 = arith.constant 0 : i32
      %dma_start3A_135 = tpu.memref_slice %arg3[%add3A, %dma_start3A_134] : memref<32x48xi32, #tpu.memory_space<hbm>> -> memref<1x48xi32, #tpu.memory_space<hbm>>
      %dma_start3A_136 = tpu.memref_squeeze %dma_start3A_135 : memref<1x48xi32, #tpu.memory_space<hbm>> -> memref<48xi32, #tpu.memory_space<hbm>>
      %dma_start3A_137 = arith.constant 0 : i32
      %dma_start3A_138 = tpu.memref_slice %arg3[%add3A, %dma_start3A_137] : memref<32x48xi32, #tpu.memory_space<hbm>> -> memref<1x48xi32, #tpu.memory_space<hbm>>
      %dma_start3A_139 = tpu.memref_squeeze %dma_start3A_138 : memref<1x48xi32, #tpu.memory_space<hbm>> -> memref<48xi32, #tpu.memory_space<hbm>>
      tpu.enqueue_dma source(%dma_start3A_139 : memref<48xi32, #tpu.memory_space<hbm>>) target(%arg7 : memref<48xi32, #tpu.memory_space<vmem>>) target_semaphore(%run_scoped3A : memref<!tpu.dma_semaphore, #tpu.memory_space<semaphore_mem>>)
      %dma_wait3A_140 = arith.constant 0 : i32
      %dma_wait3A_141 = tpu.memref_slice %arg3[%add3A, %dma_wait3A_140] : memref<32x48xi32, #tpu.memory_space<hbm>> -> memref<1x48xi32, #tpu.memory_space<hbm>>
      %dma_wait3A_142 = tpu.memref_squeeze %dma_wait3A_141 : memref<1x48xi32, #tpu.memory_space<hbm>> -> memref<48xi32, #tpu.memory_space<hbm>>
      %dma_wait3A_143 = arith.constant 0 : i32
      %dma_wait3A_144 = tpu.memref_slice %arg3[%add3A, %dma_wait3A_143] : memref<32x48xi32, #tpu.memory_space<hbm>> -> memref<1x48xi32, #tpu.memory_space<hbm>>
      %dma_wait3A_145 = tpu.memref_squeeze %dma_wait3A_144 : memref<1x48xi32, #tpu.memory_space<hbm>> -> memref<48xi32, #tpu.memory_space<hbm>>
      tpu.wait_dma2 semaphore(%run_scoped3A : memref<!tpu.dma_semaphore, #tpu.memory_space<semaphore_mem>>) src(%dma_wait3A_145 : memref<48xi32, #tpu.memory_space<hbm>>) dst(%arg7 : memref<48xi32, #tpu.memory_space<vmem>>)
      tpu.yield
    }) : () -> ()
    %get3A = arith.constant 0 : index
    %get3A_3 = tpu.vector_load %arg7[%get3A] {strides = array<i32>} : memref<48xi32, #tpu.memory_space<vmem>>, vector<16xi32>,
    %get3A_4 = arith.constant 16 : index
    %get3A_5 = tpu.vector_load %arg7[%get3A_4] {strides = array<i32>} : memref<48xi32, #tpu.memory_space<vmem>>, vector<16xi32>,
    %get3A_6 = arith.constant 32 : index
    %get3A_7 = tpu.vector_load %arg7[%get3A_6] {strides = array<i32>} : memref<48xi32, #tpu.memory_space<vmem>>, vector<16xi32>,
    %broadcast_in_dim3A = arith.constant 33554432 : i32
    %broadcast_in_dim3A_8 = vector.broadcast %broadcast_in_dim3A : i32 to vector<16xi32>
    %swap3A = arith.constant 0 : index
    %swap3A_9 = tpu.vector_load %arg10[%swap3A] {strides = array<i32>} : memref<16xi32, #tpu.memory_space<vmem>>, vector<16xi32>,
    tpu.vector_store %arg10[%swap3A], %broadcast_in_dim3A_8 {strides = array<i32>} : memref<16xi32, #tpu.memory_space<vmem>>, vector<16xi32>,
    %scan3A = arith.constant 0 : i32
    %scan3A_10 = arith.constant 0 : i32
    %scan3A_11 = arith.constant 0 : i32
    %scan3A_12 = arith.constant 0 : i32
    %scan3A_13 = arith.constant 128 : i32
    %scan3A_14 = arith.addi %scan3A_12, %scan3A_13 : i32
    %scan3A_15 = arith.constant 1 : i32
    %scan3A_16:3 = scf.for %scan3A_134 = %scan3A_12 to %scan3A_14 step %scan3A_15 iter_args(%scan3A_135 = %scan3A, %scan3A_136 = %scan3A_10, %scan3A_137 = %scan3A_11) -> (i32, i32, i32)  : i32 {
      %mul3A_138 = arith.constant 8192 : i32
      %mul3A_139 = arith.muli %scan3A_134, %mul3A_138 : i32
      %add3A_140 = arith.addi %mul3A_2, %mul3A_139 : i32
      "tpu.region"() ({
        %run_scoped3A = tpu.sem_alloc : memref<!tpu.dma_semaphore, #tpu.memory_space<semaphore_mem>>
        %dma_start3A_147 = tpu.memref_slice %arg2[%add3A_140] : memref<33554432xi32, #tpu.memory_space<hbm>> -> memref<8192xi32, #tpu.memory_space<hbm>>
        %dma_start3A_148 = tpu.memref_slice %arg2[%add3A_140] : memref<33554432xi32, #tpu.memory_space<hbm>> -> memref<8192xi32, #tpu.memory_space<hbm>>
        tpu.enqueue_dma source(%dma_start3A_148 : memref<8192xi32, #tpu.memory_space<hbm>>) target(%arg6 : memref<8192xi32, #tpu.memory_space<vmem>>) target_semaphore(%run_scoped3A : memref<!tpu.dma_semaphore, #tpu.memory_space<semaphore_mem>>)
        %dma_wait3A_149 = tpu.memref_slice %arg2[%add3A_140] : memref<33554432xi32, #tpu.memory_space<hbm>> -> memref<8192xi32, #tpu.memory_space<hbm>>
        %dma_wait3A_150 = tpu.memref_slice %arg2[%add3A_140] : memref<33554432xi32, #tpu.memory_space<hbm>> -> memref<8192xi32, #tpu.memory_space<hbm>>
        tpu.wait_dma2 semaphore(%run_scoped3A : memref<!tpu.dma_semaphore, #tpu.memory_space<semaphore_mem>>) src(%dma_wait3A_150 : memref<8192xi32, #tpu.memory_space<hbm>>) dst(%arg6 : memref<8192xi32, #tpu.memory_space<vmem>>)
        tpu.yield
      }) : () -> ()
      %scan3A_141 = arith.constant 0 : i32
      %scan3A_142 = arith.constant 512 : i32
      %scan3A_143 = arith.addi %scan3A_141, %scan3A_142 : i32
      %scan3A_144 = arith.constant 1 : i32
      %scan3A_145:3 = scf.for %scan3A_147 = %scan3A_141 to %scan3A_143 step %scan3A_144 iter_args(%scan3A_148 = %scan3A_135, %scan3A_149 = %scan3A_136, %scan3A_150 = %scan3A_137) -> (i32, i32, i32)  : i32 {
        %mul3A_151 = arith.constant 16 : i32
        %mul3A_152 = arith.muli %scan3A_147, %mul3A_151 : i32
        %get3A_153 = arith.index_cast %mul3A_152 : i32 to index
        %get3A_154 = tpu.vector_load %arg6[%get3A_153] {strides = array<i32>} : memref<8192xi32, #tpu.memory_space<vmem>>, vector<16xi32>,
        %gt3A = arith.cmpi sgt, %get3A_154, %get3A_7 : vector<16xi32>
        %eq3A = arith.cmpi eq, %get3A_154, %get3A_7 : vector<16xi32>
        %convert_element_type3A = arith.extui %eq3A : vector<16xi1> to vector<16xi32>
        %cumsum3A = arith.constant true
        %cumsum3A_155 = vector.broadcast %cumsum3A : i1 to vector<16xi1>
        %cumsum3A_156 = tpu.scan <sum>, %convert_element_type3A masked %cumsum3A_155 : vector<16xi32>, vector<16xi1> -> vector<16xi32>
        %add3A_157 = vector.broadcast %scan3A_150 : i32 to vector<16xi32>
        %add3A_158 = arith.addi %add3A_157, %cumsum3A_156 : vector<16xi32>
        %sub3A = arith.constant 1 : i32
        %sub3A_159 = vector.broadcast %sub3A : i32 to vector<16xi32>
        %sub3A_160 = arith.subi %add3A_158, %sub3A_159 : vector<16xi32>
        %ge3A = arith.cmpi sge, %sub3A_160, %get3A_3 : vector<16xi32>
        %and3A = arith.andi %eq3A, %ge3A : vector<16xi1>
        %or3A = arith.ori %gt3A, %and3A : vector<16xi1>
        %mul3A_161 = arith.constant 8192 : i32
        %mul3A_162 = arith.muli %scan3A_134, %mul3A_161 : i32
        %add3A_163 = arith.addi %mul3A_2, %mul3A_162 : i32
        %mul3A_164 = arith.constant 16 : i32
        %mul3A_165 = arith.muli %scan3A_147, %mul3A_164 : i32
        %add3A_166 = arith.addi %add3A_163, %mul3A_165 : i32
        %add3A_167 = vector.broadcast %add3A_166 : i32 to vector<16xi32>
        %add3A_168 = arith.addi %add3A_167, %iota3A : vector<16xi32>
        %eq3A_169 = arith.cmpi eq, %sub3A_160, %get3A_3 : vector<16xi32>
        %and3A_170 = arith.andi %eq3A, %eq3A_169 : vector<16xi1>
        %swap3A_171 = arith.constant 0 : index
        %swap3A_172 = tpu.vector_load %arg10[%swap3A_171] masked %and3A_170 {strides = array<i32>} : memref<16xi32, #tpu.memory_space<vmem>>, vector<16xi32>, vector<16xi1>
        tpu.vector_store %arg10[%swap3A_171], %add3A_168 masked %and3A_170 {strides = array<i32>} : memref<16xi32, #tpu.memory_space<vmem>>, vector<16xi32>, vector<16xi1>
        %swap3A_173 = arith.index_cast %scan3A_148 : i32 to index
        %swap3A_174 = tpu.vector_load %arg8[%swap3A_173] masked %or3A {strides = array<i32>} : memref<160xi32, #tpu.memory_space<vmem>>, vector<16xi32>, vector<16xi1>
        tpu.vector_store %arg8[%swap3A_173], %add3A_168 masked %or3A {strides = array<i32>} : memref<160xi32, #tpu.memory_space<vmem>>, vector<16xi32>, vector<16xi1>
        %convert_element_type3A_175 = arith.extui %or3A : vector<16xi1> to vector<16xi32>
        %reduce_sum3A = arith.constant true
        %reduce_sum3A_176 = vector.broadcast %reduce_sum3A : i1 to vector<16xi1>
        %reduce_sum3A_177 = tpu.scan <sum>, %convert_element_type3A_175 masked %reduce_sum3A_176 : vector<16xi32>, vector<16xi1> -> vector<16xi32>
        %reduce_sum3A_178 = vector.extract %reduce_sum3A_177[15] : i32 from vector<16xi32>
        %add3A_179 = arith.addi %scan3A_148, %reduce_sum3A_178 : i32
        %reduce_sum3A_180 = arith.constant true
        %reduce_sum3A_181 = vector.broadcast %reduce_sum3A_180 : i1 to vector<16xi1>
        %reduce_sum3A_182 = tpu.scan <sum>, %convert_element_type3A masked %reduce_sum3A_181 : vector<16xi32>, vector<16xi1> -> vector<16xi32>
        %reduce_sum3A_183 = vector.extract %reduce_sum3A_182[15] : i32 from vector<16xi32>
        %add3A_184 = arith.addi %scan3A_150, %reduce_sum3A_183 : i32
        %ge3A_185 = arith.constant 128 : i32
        %ge3A_186 = arith.cmpi sge, %add3A_179, %ge3A_185 : i32
        %convert_element_type3A_187 = arith.extui %ge3A_186 : i1 to i32
        %cond3A = arith.constant 0 : i32
        %cond3A_188 = arith.cmpi ne, %convert_element_type3A_187, %cond3A : i32
        scf.if %cond3A_188 {
          %add3A_195 = vector.broadcast %scan3A_149 : i32 to vector<16xi32>
          %add3A_196 = arith.addi %get3A_5, %add3A_195 : vector<16xi32>
          %add3A_197 = arith.constant 0 : i32
          %add3A_198 = vector.broadcast %add3A_197 : i32 to vector<16xi32>
          %add3A_199 = arith.addi %add3A_196, %add3A_198 : vector<16xi32>
          %add3A_200 = arith.addi %add3A_199, %iota3A : vector<16xi32>
          %swap3A_201 = arith.constant 0 : index
          %swap3A_202 = tpu.vector_load %arg9[%swap3A_201] {strides = array<i32>} : memref<128xi32, #tpu.memory_space<vmem>>, vector<16xi32>,
          tpu.vector_store %arg9[%swap3A_201], %add3A_200 {strides = array<i32>} : memref<128xi32, #tpu.memory_space<vmem>>, vector<16xi32>,
          %add3A_203 = vector.broadcast %scan3A_149 : i32 to vector<16xi32>
          %add3A_204 = arith.addi %get3A_5, %add3A_203 : vector<16xi32>
          %add3A_205 = arith.constant 16 : i32
          %add3A_206 = vector.broadcast %add3A_205 : i32 to vector<16xi32>
          %add3A_207 = arith.addi %add3A_204, %add3A_206 : vector<16xi32>
          %add3A_208 = arith.addi %add3A_207, %iota3A : vector<16xi32>
          %swap3A_209 = arith.constant 16 : index
          %swap3A_210 = tpu.vector_load %arg9[%swap3A_209] {strides = array<i32>} : memref<128xi32, #tpu.memory_space<vmem>>, vector<16xi32>,
          tpu.vector_store %arg9[%swap3A_209], %add3A_208 {strides = array<i32>} : memref<128xi32, #tpu.memory_space<vmem>>, vector<16xi32>,
          %add3A_211 = vector.broadcast %scan3A_149 : i32 to vector<16xi32>
          %add3A_212 = arith.addi %get3A_5, %add3A_211 : vector<16xi32>
          %add3A_213 = arith.constant 32 : i32
          %add3A_214 = vector.broadcast %add3A_213 : i32 to vector<16xi32>
          %add3A_215 = arith.addi %add3A_212, %add3A_214 : vector<16xi32>
          %add3A_216 = arith.addi %add3A_215, %iota3A : vector<16xi32>
          %swap3A_217 = arith.constant 32 : index
          %swap3A_218 = tpu.vector_load %arg9[%swap3A_217] {strides = array<i32>} : memref<128xi32, #tpu.memory_space<vmem>>, vector<16xi32>,
          tpu.vector_store %arg9[%swap3A_217], %add3A_216 {strides = array<i32>} : memref<128xi32, #tpu.memory_space<vmem>>, vector<16xi32>,
          %add3A_219 = vector.broadcast %scan3A_149 : i32 to vector<16xi32>
          %add3A_220 = arith.addi %get3A_5, %add3A_219 : vector<16xi32>
          %add3A_221 = arith.constant 48 : i32
          %add3A_222 = vector.broadcast %add3A_221 : i32 to vector<16xi32>
          %add3A_223 = arith.addi %add3A_220, %add3A_222 : vector<16xi32>
          %add3A_224 = arith.addi %add3A_223, %iota3A : vector<16xi32>
          %swap3A_225 = arith.constant 48 : index
          %swap3A_226 = tpu.vector_load %arg9[%swap3A_225] {strides = array<i32>} : memref<128xi32, #tpu.memory_space<vmem>>, vector<16xi32>,
          tpu.vector_store %arg9[%swap3A_225], %add3A_224 {strides = array<i32>} : memref<128xi32, #tpu.memory_space<vmem>>, vector<16xi32>,
          %add3A_227 = vector.broadcast %scan3A_149 : i32 to vector<16xi32>
          %add3A_228 = arith.addi %get3A_5, %add3A_227 : vector<16xi32>
          %add3A_229 = arith.constant 64 : i32
          %add3A_230 = vector.broadcast %add3A_229 : i32 to vector<16xi32>
          %add3A_231 = arith.addi %add3A_228, %add3A_230 : vector<16xi32>
          %add3A_232 = arith.addi %add3A_231, %iota3A : vector<16xi32>
          %swap3A_233 = arith.constant 64 : index
          %swap3A_234 = tpu.vector_load %arg9[%swap3A_233] {strides = array<i32>} : memref<128xi32, #tpu.memory_space<vmem>>, vector<16xi32>,
          tpu.vector_store %arg9[%swap3A_233], %add3A_232 {strides = array<i32>} : memref<128xi32, #tpu.memory_space<vmem>>, vector<16xi32>,
          %add3A_235 = vector.broadcast %scan3A_149 : i32 to vector<16xi32>
          %add3A_236 = arith.addi %get3A_5, %add3A_235 : vector<16xi32>
          %add3A_237 = arith.constant 80 : i32
          %add3A_238 = vector.broadcast %add3A_237 : i32 to vector<16xi32>
          %add3A_239 = arith.addi %add3A_236, %add3A_238 : vector<16xi32>
          %add3A_240 = arith.addi %add3A_239, %iota3A : vector<16xi32>
          %swap3A_241 = arith.constant 80 : index
          %swap3A_242 = tpu.vector_load %arg9[%swap3A_241] {strides = array<i32>} : memref<128xi32, #tpu.memory_space<vmem>>, vector<16xi32>,
          tpu.vector_store %arg9[%swap3A_241], %add3A_240 {strides = array<i32>} : memref<128xi32, #tpu.memory_space<vmem>>, vector<16xi32>,
          %add3A_243 = vector.broadcast %scan3A_149 : i32 to vector<16xi32>
          %add3A_244 = arith.addi %get3A_5, %add3A_243 : vector<16xi32>
          %add3A_245 = arith.constant 96 : i32
          %add3A_246 = vector.broadcast %add3A_245 : i32 to vector<16xi32>
          %add3A_247 = arith.addi %add3A_244, %add3A_246 : vector<16xi32>
          %add3A_248 = arith.addi %add3A_247, %iota3A : vector<16xi32>
          %swap3A_249 = arith.constant 96 : index
          %swap3A_250 = tpu.vector_load %arg9[%swap3A_249] {strides = array<i32>} : memref<128xi32, #tpu.memory_space<vmem>>, vector<16xi32>,
          tpu.vector_store %arg9[%swap3A_249], %add3A_248 {strides = array<i32>} : memref<128xi32, #tpu.memory_space<vmem>>, vector<16xi32>,
          %add3A_251 = vector.broadcast %scan3A_149 : i32 to vector<16xi32>
          %add3A_252 = arith.addi %get3A_5, %add3A_251 : vector<16xi32>
          %add3A_253 = arith.constant 112 : i32
          %add3A_254 = vector.broadcast %add3A_253 : i32 to vector<16xi32>
          %add3A_255 = arith.addi %add3A_252, %add3A_254 : vector<16xi32>
          %add3A_256 = arith.addi %add3A_255, %iota3A : vector<16xi32>
          %swap3A_257 = arith.constant 112 : index
          %swap3A_258 = tpu.vector_load %arg9[%swap3A_257] {strides = array<i32>} : memref<128xi32, #tpu.memory_space<vmem>>, vector<16xi32>,
          tpu.vector_store %arg9[%swap3A_257], %add3A_256 {strides = array<i32>} : memref<128xi32, #tpu.memory_space<vmem>>, vector<16xi32>,
          %dma_start3A_259 = arith.constant 0 : i32
          %dma_start3A_260 = tpu.memref_slice %arg8[%dma_start3A_259] : memref<160xi32, #tpu.memory_space<vmem>> -> memref<128xi32, #tpu.memory_space<vmem>>
          %dma_start3A_261 = arith.constant 0 : i32
          %dma_start3A_262 = tpu.memref_slice %arg4[%dma_start3A_261] : memref<3355571xi32, #tpu.memory_space<hbm>> -> memref<3355571xi32, #tpu.memory_space<hbm>>
          tpu.enqueue_indirect_dma source(%dma_start3A_260 : memref<128xi32, #tpu.memory_space<vmem>>) target(%dma_start3A_262 : memref<3355571xi32, #tpu.memory_space<hbm>>) offsets(%arg9 : memref<128xi32, #tpu.memory_space<vmem>>) semaphore(%arg11 : memref<!tpu.dma_semaphore, #tpu.memory_space<semaphore_mem>>)
          %dma_wait3A_263 = arith.constant 0 : i32
          %dma_wait3A_264 = tpu.memref_slice %arg8[%dma_wait3A_263] : memref<160xi32, #tpu.memory_space<vmem>> -> memref<128xi32, #tpu.memory_space<vmem>>
          %dma_wait3A_265 = arith.constant 0 : i32
          %dma_wait3A_266 = tpu.memref_slice %arg4[%dma_wait3A_265] : memref<3355571xi32, #tpu.memory_space<hbm>> -> memref<3355571xi32, #tpu.memory_space<hbm>>
          tpu.wait_indirect_dma semaphore(%arg11 : memref<!tpu.dma_semaphore, #tpu.memory_space<semaphore_mem>>) src(%dma_wait3A_264 : memref<128xi32, #tpu.memory_space<vmem>>) dst(%dma_wait3A_266 : memref<3355571xi32, #tpu.memory_space<hbm>>)
          %get3A_267 = arith.constant 128 : index
          %get3A_268 = tpu.vector_load %arg8[%get3A_267] {strides = array<i32>} : memref<160xi32, #tpu.memory_space<vmem>>, vector<16xi32>,
          %swap3A_269 = arith.constant 0 : index
          %swap3A_270 = tpu.vector_load %arg8[%swap3A_269] {strides = array<i32>} : memref<160xi32, #tpu.memory_space<vmem>>, vector<16xi32>,
          tpu.vector_store %arg8[%swap3A_269], %get3A_268 {strides = array<i32>} : memref<160xi32, #tpu.memory_space<vmem>>, vector<16xi32>,
        } else {
        }
        %ge3A_189 = arith.constant 128 : i32
        %ge3A_190 = arith.cmpi sge, %add3A_179, %ge3A_189 : i32
        %jit3A = arith.constant 128 : i32
        %jit3A_191 = arith.constant 0 : i32
        %select_n3A_192 = arith.select %ge3A_190, %jit3A, %jit3A_191 : i32
        %sub3A_193 = arith.subi %add3A_179, %select_n3A_192 : i32
        %add3A_194 = arith.addi %scan3A_149, %select_n3A_192 : i32
        scf.yield %sub3A_193, %add3A_194, %add3A_184 : i32, i32, i32
      }
      %scan3A_146 = arith.constant 512 : i32
      scf.yield %scan3A_145#0, %scan3A_145#1, %scan3A_145#2 : i32, i32, i32
    }
    %scan3A_17 = arith.constant 128 : i32
    %add3A_18 = arith.constant 0 : i32
    %add3A_19 = vector.broadcast %add3A_18 : i32 to vector<16xi32>
    %add3A_20 = arith.addi %add3A_19, %iota3A : vector<16xi32>
    %lt3A = vector.broadcast %scan3A_16#0 : i32 to vector<16xi32>
    %lt3A_21 = arith.cmpi slt, %add3A_20, %lt3A : vector<16xi32>
    %add3A_22 = vector.broadcast %scan3A_16#1 : i32 to vector<16xi32>
    %add3A_23 = arith.addi %get3A_5, %add3A_22 : vector<16xi32>
    %add3A_24 = arith.addi %add3A_23, %add3A_20 : vector<16xi32>
    %add3A_25 = arith.constant 3355443 : i32
    %add3A_26 = vector.broadcast %add3A_25 : i32 to vector<16xi32>
    %add3A_27 = arith.addi %add3A_26, %add3A_20 : vector<16xi32>
    %select_n3A = arith.select %lt3A_21, %add3A_24, %add3A_27 : vector<16xi1>, vector<16xi32>
    %swap3A_28 = arith.constant 0 : index
    %swap3A_29 = tpu.vector_load %arg9[%swap3A_28] {strides = array<i32>} : memref<128xi32, #tpu.memory_space<vmem>>, vector<16xi32>,
    tpu.vector_store %arg9[%swap3A_28], %select_n3A {strides = array<i32>} : memref<128xi32, #tpu.memory_space<vmem>>, vector<16xi32>,
    %add3A_30 = arith.constant 16 : i32
    %add3A_31 = vector.broadcast %add3A_30 : i32 to vector<16xi32>
    %add3A_32 = arith.addi %add3A_31, %iota3A : vector<16xi32>
    %lt3A_33 = vector.broadcast %scan3A_16#0 : i32 to vector<16xi32>
    %lt3A_34 = arith.cmpi slt, %add3A_32, %lt3A_33 : vector<16xi32>
    %add3A_35 = vector.broadcast %scan3A_16#1 : i32 to vector<16xi32>
    %add3A_36 = arith.addi %get3A_5, %add3A_35 : vector<16xi32>
    %add3A_37 = arith.addi %add3A_36, %add3A_32 : vector<16xi32>
    %add3A_38 = arith.constant 3355443 : i32
    %add3A_39 = vector.broadcast %add3A_38 : i32 to vector<16xi32>
    %add3A_40 = arith.addi %add3A_39, %add3A_32 : vector<16xi32>
    %select_n3A_41 = arith.select %lt3A_34, %add3A_37, %add3A_40 : vector<16xi1>, vector<16xi32>
    %swap3A_42 = arith.constant 16 : index
    %swap3A_43 = tpu.vector_load %arg9[%swap3A_42] {strides = array<i32>} : memref<128xi32, #tpu.memory_space<vmem>>, vector<16xi32>,
    tpu.vector_store %arg9[%swap3A_42], %select_n3A_41 {strides = array<i32>} : memref<128xi32, #tpu.memory_space<vmem>>, vector<16xi32>,
    %add3A_44 = arith.constant 32 : i32
    %add3A_45 = vector.broadcast %add3A_44 : i32 to vector<16xi32>
    %add3A_46 = arith.addi %add3A_45, %iota3A : vector<16xi32>
    %lt3A_47 = vector.broadcast %scan3A_16#0 : i32 to vector<16xi32>
    %lt3A_48 = arith.cmpi slt, %add3A_46, %lt3A_47 : vector<16xi32>
    %add3A_49 = vector.broadcast %scan3A_16#1 : i32 to vector<16xi32>
    %add3A_50 = arith.addi %get3A_5, %add3A_49 : vector<16xi32>
    %add3A_51 = arith.addi %add3A_50, %add3A_46 : vector<16xi32>
    %add3A_52 = arith.constant 3355443 : i32
    %add3A_53 = vector.broadcast %add3A_52 : i32 to vector<16xi32>
    %add3A_54 = arith.addi %add3A_53, %add3A_46 : vector<16xi32>
    %select_n3A_55 = arith.select %lt3A_48, %add3A_51, %add3A_54 : vector<16xi1>, vector<16xi32>
    %swap3A_56 = arith.constant 32 : index
    %swap3A_57 = tpu.vector_load %arg9[%swap3A_56] {strides = array<i32>} : memref<128xi32, #tpu.memory_space<vmem>>, vector<16xi32>,
    tpu.vector_store %arg9[%swap3A_56], %select_n3A_55 {strides = array<i32>} : memref<128xi32, #tpu.memory_space<vmem>>, vector<16xi32>,
    %add3A_58 = arith.constant 48 : i32
    %add3A_59 = vector.broadcast %add3A_58 : i32 to vector<16xi32>
    %add3A_60 = arith.addi %add3A_59, %iota3A : vector<16xi32>
    %lt3A_61 = vector.broadcast %scan3A_16#0 : i32 to vector<16xi32>
    %lt3A_62 = arith.cmpi slt, %add3A_60, %lt3A_61 : vector<16xi32>
    %add3A_63 = vector.broadcast %scan3A_16#1 : i32 to vector<16xi32>
    %add3A_64 = arith.addi %get3A_5, %add3A_63 : vector<16xi32>
    %add3A_65 = arith.addi %add3A_64, %add3A_60 : vector<16xi32>
    %add3A_66 = arith.constant 3355443 : i32
    %add3A_67 = vector.broadcast %add3A_66 : i32 to vector<16xi32>
    %add3A_68 = arith.addi %add3A_67, %add3A_60 : vector<16xi32>
    %select_n3A_69 = arith.select %lt3A_62, %add3A_65, %add3A_68 : vector<16xi1>, vector<16xi32>
    %swap3A_70 = arith.constant 48 : index
    %swap3A_71 = tpu.vector_load %arg9[%swap3A_70] {strides = array<i32>} : memref<128xi32, #tpu.memory_space<vmem>>, vector<16xi32>,
    tpu.vector_store %arg9[%swap3A_70], %select_n3A_69 {strides = array<i32>} : memref<128xi32, #tpu.memory_space<vmem>>, vector<16xi32>,
    %add3A_72 = arith.constant 64 : i32
    %add3A_73 = vector.broadcast %add3A_72 : i32 to vector<16xi32>
    %add3A_74 = arith.addi %add3A_73, %iota3A : vector<16xi32>
    %lt3A_75 = vector.broadcast %scan3A_16#0 : i32 to vector<16xi32>
    %lt3A_76 = arith.cmpi slt, %add3A_74, %lt3A_75 : vector<16xi32>
    %add3A_77 = vector.broadcast %scan3A_16#1 : i32 to vector<16xi32>
    %add3A_78 = arith.addi %get3A_5, %add3A_77 : vector<16xi32>
    %add3A_79 = arith.addi %add3A_78, %add3A_74 : vector<16xi32>
    %add3A_80 = arith.constant 3355443 : i32
    %add3A_81 = vector.broadcast %add3A_80 : i32 to vector<16xi32>
    %add3A_82 = arith.addi %add3A_81, %add3A_74 : vector<16xi32>
    %select_n3A_83 = arith.select %lt3A_76, %add3A_79, %add3A_82 : vector<16xi1>, vector<16xi32>
    %swap3A_84 = arith.constant 64 : index
    %swap3A_85 = tpu.vector_load %arg9[%swap3A_84] {strides = array<i32>} : memref<128xi32, #tpu.memory_space<vmem>>, vector<16xi32>,
    tpu.vector_store %arg9[%swap3A_84], %select_n3A_83 {strides = array<i32>} : memref<128xi32, #tpu.memory_space<vmem>>, vector<16xi32>,
    %add3A_86 = arith.constant 80 : i32
    %add3A_87 = vector.broadcast %add3A_86 : i32 to vector<16xi32>
    %add3A_88 = arith.addi %add3A_87, %iota3A : vector<16xi32>
    %lt3A_89 = vector.broadcast %scan3A_16#0 : i32 to vector<16xi32>
    %lt3A_90 = arith.cmpi slt, %add3A_88, %lt3A_89 : vector<16xi32>
    %add3A_91 = vector.broadcast %scan3A_16#1 : i32 to vector<16xi32>
    %add3A_92 = arith.addi %get3A_5, %add3A_91 : vector<16xi32>
    %add3A_93 = arith.addi %add3A_92, %add3A_88 : vector<16xi32>
    %add3A_94 = arith.constant 3355443 : i32
    %add3A_95 = vector.broadcast %add3A_94 : i32 to vector<16xi32>
    %add3A_96 = arith.addi %add3A_95, %add3A_88 : vector<16xi32>
    %select_n3A_97 = arith.select %lt3A_90, %add3A_93, %add3A_96 : vector<16xi1>, vector<16xi32>
    %swap3A_98 = arith.constant 80 : index
    %swap3A_99 = tpu.vector_load %arg9[%swap3A_98] {strides = array<i32>} : memref<128xi32, #tpu.memory_space<vmem>>, vector<16xi32>,
    tpu.vector_store %arg9[%swap3A_98], %select_n3A_97 {strides = array<i32>} : memref<128xi32, #tpu.memory_space<vmem>>, vector<16xi32>,
    %add3A_100 = arith.constant 96 : i32
    %add3A_101 = vector.broadcast %add3A_100 : i32 to vector<16xi32>
    %add3A_102 = arith.addi %add3A_101, %iota3A : vector<16xi32>
    %lt3A_103 = vector.broadcast %scan3A_16#0 : i32 to vector<16xi32>
    %lt3A_104 = arith.cmpi slt, %add3A_102, %lt3A_103 : vector<16xi32>
    %add3A_105 = vector.broadcast %scan3A_16#1 : i32 to vector<16xi32>
    %add3A_106 = arith.addi %get3A_5, %add3A_105 : vector<16xi32>
    %add3A_107 = arith.addi %add3A_106, %add3A_102 : vector<16xi32>
    %add3A_108 = arith.constant 3355443 : i32
    %add3A_109 = vector.broadcast %add3A_108 : i32 to vector<16xi32>
    %add3A_110 = arith.addi %add3A_109, %add3A_102 : vector<16xi32>
    %select_n3A_111 = arith.select %lt3A_104, %add3A_107, %add3A_110 : vector<16xi1>, vector<16xi32>
    %swap3A_112 = arith.constant 96 : index
    %swap3A_113 = tpu.vector_load %arg9[%swap3A_112] {strides = array<i32>} : memref<128xi32, #tpu.memory_space<vmem>>, vector<16xi32>,
    tpu.vector_store %arg9[%swap3A_112], %select_n3A_111 {strides = array<i32>} : memref<128xi32, #tpu.memory_space<vmem>>, vector<16xi32>,
    %add3A_114 = arith.constant 112 : i32
    %add3A_115 = vector.broadcast %add3A_114 : i32 to vector<16xi32>
    %add3A_116 = arith.addi %add3A_115, %iota3A : vector<16xi32>
    %lt3A_117 = vector.broadcast %scan3A_16#0 : i32 to vector<16xi32>
    %lt3A_118 = arith.cmpi slt, %add3A_116, %lt3A_117 : vector<16xi32>
    %add3A_119 = vector.broadcast %scan3A_16#1 : i32 to vector<16xi32>
    %add3A_120 = arith.addi %get3A_5, %add3A_119 : vector<16xi32>
    %add3A_121 = arith.addi %add3A_120, %add3A_116 : vector<16xi32>
    %add3A_122 = arith.constant 3355443 : i32
    %add3A_123 = vector.broadcast %add3A_122 : i32 to vector<16xi32>
    %add3A_124 = arith.addi %add3A_123, %add3A_116 : vector<16xi32>
    %select_n3A_125 = arith.select %lt3A_118, %add3A_121, %add3A_124 : vector<16xi1>, vector<16xi32>
    %swap3A_126 = arith.constant 112 : index
    %swap3A_127 = tpu.vector_load %arg9[%swap3A_126] {strides = array<i32>} : memref<128xi32, #tpu.memory_space<vmem>>, vector<16xi32>,
    tpu.vector_store %arg9[%swap3A_126], %select_n3A_125 {strides = array<i32>} : memref<128xi32, #tpu.memory_space<vmem>>, vector<16xi32>,
    %dma_start3A = arith.constant 0 : i32
    %dma_start3A_128 = tpu.memref_slice %arg8[%dma_start3A] : memref<160xi32, #tpu.memory_space<vmem>> -> memref<128xi32, #tpu.memory_space<vmem>>
    %dma_start3A_129 = arith.constant 0 : i32
    %dma_start3A_130 = tpu.memref_slice %arg4[%dma_start3A_129] : memref<3355571xi32, #tpu.memory_space<hbm>> -> memref<3355571xi32, #tpu.memory_space<hbm>>
    tpu.enqueue_indirect_dma source(%dma_start3A_128 : memref<128xi32, #tpu.memory_space<vmem>>) target(%dma_start3A_130 : memref<3355571xi32, #tpu.memory_space<hbm>>) offsets(%arg9 : memref<128xi32, #tpu.memory_space<vmem>>) semaphore(%arg11 : memref<!tpu.dma_semaphore, #tpu.memory_space<semaphore_mem>>)
    %dma_wait3A = arith.constant 0 : i32
    %dma_wait3A_131 = tpu.memref_slice %arg8[%dma_wait3A] : memref<160xi32, #tpu.memory_space<vmem>> -> memref<128xi32, #tpu.memory_space<vmem>>
    %dma_wait3A_132 = arith.constant 0 : i32
    %dma_wait3A_133 = tpu.memref_slice %arg4[%dma_wait3A_132] : memref<3355571xi32, #tpu.memory_space<hbm>> -> memref<3355571xi32, #tpu.memory_space<hbm>>
    tpu.wait_indirect_dma semaphore(%arg11 : memref<!tpu.dma_semaphore, #tpu.memory_space<semaphore_mem>>) src(%dma_wait3A_131 : memref<128xi32, #tpu.memory_space<vmem>>) dst(%dma_wait3A_133 : memref<3355571xi32, #tpu.memory_space<hbm>>)
    "tpu.region"() ({
      %run_scoped3A = tpu.sem_alloc : memref<!tpu.dma_semaphore, #tpu.memory_space<semaphore_mem>>
      %dma_start3A_134 = arith.constant 0 : i32
      %dma_start3A_135 = tpu.memref_slice %arg5[%add3A, %dma_start3A_134] : memref<32x16xi32, #tpu.memory_space<hbm>> -> memref<1x16xi32, #tpu.memory_space<hbm>>
      %dma_start3A_136 = tpu.memref_squeeze %dma_start3A_135 : memref<1x16xi32, #tpu.memory_space<hbm>> -> memref<16xi32, #tpu.memory_space<hbm>>
      %dma_start3A_137 = arith.constant 0 : i32
      %dma_start3A_138 = tpu.memref_slice %arg5[%add3A, %dma_start3A_137] : memref<32x16xi32, #tpu.memory_space<hbm>> -> memref<1x16xi32, #tpu.memory_space<hbm>>
      %dma_start3A_139 = tpu.memref_squeeze %dma_start3A_138 : memref<1x16xi32, #tpu.memory_space<hbm>> -> memref<16xi32, #tpu.memory_space<hbm>>
      tpu.enqueue_dma source(%arg10 : memref<16xi32, #tpu.memory_space<vmem>>) target(%dma_start3A_139 : memref<16xi32, #tpu.memory_space<hbm>>) target_semaphore(%run_scoped3A : memref<!tpu.dma_semaphore, #tpu.memory_space<semaphore_mem>>)
      %dma_wait3A_140 = arith.constant 0 : i32
      %dma_wait3A_141 = tpu.memref_slice %arg5[%add3A, %dma_wait3A_140] : memref<32x16xi32, #tpu.memory_space<hbm>> -> memref<1x16xi32, #tpu.memory_space<hbm>>
      %dma_wait3A_142 = tpu.memref_squeeze %dma_wait3A_141 : memref<1x16xi32, #tpu.memory_space<hbm>> -> memref<16xi32, #tpu.memory_space<hbm>>
      %dma_wait3A_143 = arith.constant 0 : i32
      %dma_wait3A_144 = tpu.memref_slice %arg5[%add3A, %dma_wait3A_143] : memref<32x16xi32, #tpu.memory_space<hbm>> -> memref<1x16xi32, #tpu.memory_space<hbm>>
      %dma_wait3A_145 = tpu.memref_squeeze %dma_wait3A_144 : memref<1x16xi32, #tpu.memory_space<hbm>> -> memref<16xi32, #tpu.memory_space<hbm>>
      tpu.wait_dma2 semaphore(%run_scoped3A : memref<!tpu.dma_semaphore, #tpu.memory_space<semaphore_mem>>) src(%arg10 : memref<16xi32, #tpu.memory_space<vmem>>) dst(%dma_wait3A_145 : memref<16xi32, #tpu.memory_space<hbm>>)
      tpu.yield
    }) : () -> ()
    return
  }
}

module attributes {stable_mosaic.version = 14 : i64} {
  func.func @_tc_mask(%arg0: i32, %arg1: memref<256x4096xf32, #tpu.memory_space<vmem>>, %arg2: memref<256x4096xi32, #tpu.memory_space<vmem>>, %arg3: memref<1xi32, #tpu.memory_space<smem>>, %arg4: memref<1xi32, #tpu.memory_space<smem>>, %arg5: memref<256x4096xf32, #tpu.memory_space<vmem>>) attributes {dimension_semantics = [#tpu.dimension_semantics<arbitrary>], iteration_bounds = array<i64: 32>, scalar_prefetch = 0 : i64, scratch_operands = 0 : i64, tpu.core_type = #tpu.core_type<tc>, window_params = [{transform_indices = @transform_0, window_bounds = array<i64: 256, 4096>}, {transform_indices = @transform_1, window_bounds = array<i64: 256, 4096>}, {transform_indices = @transform_2, window_bounds = array<i64: 1>}, {transform_indices = @transform_3, window_bounds = array<i64: 1>}, {transform_indices = @transform_4, window_bounds = array<i64: 256, 4096>}]} {
    %get3A = arith.constant 0 : index
    %get3A_0 = memref.load %arg3[%get3A] : memref<1xi32, #tpu.memory_space<smem>>
    %get3A_1 = arith.constant 0 : index
    %get3A_2 = memref.load %arg4[%get3A_1] : memref<1xi32, #tpu.memory_space<smem>>
    %mul3A = arith.constant 256 : i32
    %mul3A_3 = arith.muli %arg0, %mul3A : i32
    %iota3A = tpu.iota {dimensions = array<i32: 0>} : vector<256x4096xi32>
    %iota3A_4 = tpu.iota {dimensions = array<i32: 1>} : vector<256x4096xi32>
    %add3A = vector.broadcast %mul3A_3 : i32 to vector<256x4096xi32>
    %add3A_5 = arith.addi %add3A, %iota3A : vector<256x4096xi32>
    %mul3A_6 = arith.constant 4096 : i32
    %mul3A_7 = vector.broadcast %mul3A_6 : i32 to vector<256x4096xi32>
    %mul3A_8 = arith.muli %add3A_5, %mul3A_7 : vector<256x4096xi32>
    %add3A_9 = arith.addi %mul3A_8, %iota3A_4 : vector<256x4096xi32>
    %get3A_10 = arith.constant 0 : index
    %get3A_11 = arith.constant 0 : index
    %get3A_12 = vector.load %arg2[%get3A_10, %get3A_11] : memref<256x4096xi32, #tpu.memory_space<vmem>>, vector<256x4096xi32>
    %gt3A = vector.broadcast %get3A_0 : i32 to vector<256x4096xi32>
    %gt3A_13 = arith.cmpi sgt, %get3A_12, %gt3A : vector<256x4096xi32>
    %eq3A = vector.broadcast %get3A_0 : i32 to vector<256x4096xi32>
    %eq3A_14 = arith.cmpi eq, %get3A_12, %eq3A : vector<256x4096xi32>
    %ge3A = vector.broadcast %get3A_2 : i32 to vector<256x4096xi32>
    %ge3A_15 = arith.cmpi sge, %add3A_9, %ge3A : vector<256x4096xi32>
    %and3A = arith.andi %eq3A_14, %ge3A_15 : vector<256x4096xi1>
    %or3A = arith.ori %gt3A_13, %and3A : vector<256x4096xi1>
    %get3A_16 = arith.constant 0 : index
    %get3A_17 = arith.constant 0 : index
    %get3A_18 = vector.load %arg1[%get3A_16, %get3A_17] : memref<256x4096xf32, #tpu.memory_space<vmem>>, vector<256x4096xf32>
    %jit3A = arith.constant 0.000000e+00 : f32
    %broadcast_in_dim3A = vector.broadcast %jit3A : f32 to vector<256x4096xf32>
    %select_n3A = arith.select %or3A, %broadcast_in_dim3A, %get3A_18 : vector<256x4096xi1>, vector<256x4096xf32>
    %swap3A = arith.constant 0 : index
    %swap3A_19 = arith.constant 0 : index
    %swap3A_20 = vector.load %arg5[%swap3A, %swap3A_19] : memref<256x4096xf32, #tpu.memory_space<vmem>>, vector<256x4096xf32>
    tpu.vector_store %arg5[%swap3A, %swap3A_19], %select_n3A {strides = array<i32>} : memref<256x4096xf32, #tpu.memory_space<vmem>>, vector<256x4096xf32>,
    return
  }
  func.func @transform_0(%arg0: i32) -> (i32, i32) {
    %c0_i32 = arith.constant 0 : i32
    %c0_i32_0 = arith.constant 0 : i32
    return %arg0, %c0_i32 : i32, i32
  }
  func.func @transform_1(%arg0: i32) -> (i32, i32) {
    %c0_i32 = arith.constant 0 : i32
    %c0_i32_0 = arith.constant 0 : i32
    return %arg0, %c0_i32 : i32, i32
  }
  func.func @transform_2(%arg0: i32) -> i32 {
    %c0_i32 = arith.constant 0 : i32
    %c0_i32_0 = arith.constant 0 : i32
    return %c0_i32 : i32
  }
  func.func @transform_3(%arg0: i32) -> i32 {
    %c0_i32 = arith.constant 0 : i32
    %c0_i32_0 = arith.constant 0 : i32
    return %c0_i32 : i32
  }
  func.func @transform_4(%arg0: i32) -> (i32, i32) {
    %c0_i32 = arith.constant 0 : i32
    %c0_i32_0 = arith.constant 0 : i32
    return %arg0, %c0_i32 : i32, i32
  }
}

</mosaic_0001>

<sc_bundles>
// kernel: kernel.10.cloned.1.call-start
scs
__scs_entry_jumppad:
0x0: {  	(pc) =	sbr.rel $0x88, $3  }
0x1: {  	(tag) =	ssettag $0x0;
	lr =	simm.s32 $0x1  }
0x2: {  	[smem:$0x3F9E] =	sst lr;
	_ =	strace $0xD0000000  }
0x3: {  	_ = 	snop  }
0x4: {  	_ = 	snop  }
0x5: {  	_ = 	snop  }
0x6: {  	_ = 	snop  }
0x7: {  	_ = 	snop  }
__scs_overlays_trampoline_lowered:
0x8: {  	[smem:$0x3FAD] =	sst s0  }
0x9: {  	[smem:$0x3FAE] =	sst s1  }
0xa: {  	[smem:$0x3FAF] =	sst s2  }
0xb: {  	[smem:$0x3FB0] =	sst s3  }
0xc: {  	[smem:$0x3FB1] =	sst s4  }
0xd: {  	[smem:$0x3FB2] =	sst s5  }
0xe: {  	[smem:$0x3FB3] =	sst s6  }
0xf: {  	[smem:$0x3FB4] =	sst s7  }
0x10: {  	[smem:$0x3FB5] =	sst s8  }
0x11: {  	[smem:$0x3FB6] =	sst s9;
	s0 =	simm.s32 @!p0 $0x0  }
0x12: {  	s1 =	sld [smem:$0x3F9C];
	s0 =	simm.s32 @p0 $0x1  }
0x13: {  	[smem:$0x3FB7] =	sst s0;
	s0 =	simm.s32 @!p1 $0x0  }
0x14: {  	s2 =	sld [smem:$0x3F9B];
	s0 =	simm.s32 @p1 $0x1  }
0x15: {  	[smem:$0x3FB8] =	sst s0;
	s0 =	simm.s32 @!p2 $0x0  }
0x16: {  	s3 =	sld [smem:$0x3FDB];
	s0 =	simm.s32 @p2 $0x1  }
0x17: {  	s4 =	simm.s32 $0x1BF5;
	[smem:$0x3FBA] =	sst s0  }
0x18: {  	s0 =	sld [smem:$0x3F9D];
	_ =	swait.ge [sflag:s4], $0x0  }
0x19: {  	s7 =	sld [smem:$0x3F9E]  }
0x1a: {  	s8 =	sadd.s32 $0xFFFFE003, lr  }
0x1b: {  	s9 =	sadd.s32 $0xFFFFFEF7, lr;
	s5 =	simm.s32 $0xFFFFFFFF;
	p2 =	slt.u32 s8, $0xFFFFF086  }
0x1c: {  	p1 =	slt.u32 s9, $0xF7A;
	s5 =	simm.s32 @!p2 $0x0  }
0x1d: {  	s5 =	simm.s32 @p1 $0x1;
	p0 =	seq.s32 s7, s2  }
0x1e: {  	s7 =	smul.u32 @!p0 $0xF7A, s2;
	p2 =	seq.s32 @!p0 s5, $0x0  }
0x1f: {  	s9 =	smul.u32 $0xF7A, s1;
	s8 =	simm.s32 @!p0 $0x1BF5;
	p2 =	por !p2, p0  }
0x20: {  	[sflag:s8] =	ssyncset.s32 @!p0 $0xFFFFF086;
	s6 =	sadd.s32 @!p0 s3, s7;
	s7 =	simm.s32 @!p0 $0x108  }
0x21: {  	s3 =	sadd.s32 s3, s9;
	s6 =	sadd.s32 @!p0 $0x88, s6;
	s7 =	simm.s32 @p2 $0x1082  }
0x22: {  	[simem:s7], [sflag:s8] =	dma.local @!p0 [hbm:s6], $0xF7A  }
0x23: {  	s9 =	sor.u32 $0xD0000000, s2;
	s6 =	simm.s32 $0x108;
	_ =	swait.ge @!p0 [sflag:s8], $0x0  }
0x24: {  	s3 =	sadd.s32 $0x88, s3;
	s6 =	simm.s32 @!p1 $0x1082;
	[sflag:s4] =	ssyncset.s32 $0xFFFFF086  }
0x25: {  	[simem:s6], [sflag:s4] =	dma.local [hbm:s3], $0xF7A  }
0x26: {  	[smem:$0x3F9E] =	sst s1;
	(tag) =	ssettag s2;
	_ =	strace s9  }
0x27: {  	s1 =	sld [smem:$0x3FAE]  }
0x28: {  	s2 =	sld [smem:$0x3FAF]  }
0x29: {  	s4 =	sld [smem:$0x3FB1]  }
0x2a: {  	p0 =	seq.s32 s5, $0x0;
	s5 =	sld [smem:$0x3FB2]  }
0x2b: {  	s6 =	sld [smem:$0x3FB3]  }
0x2c: {  	s7 =	sld [smem:$0x3FB4]  }
0x2d: {  	s3 =	simm.s32 $0x108;
	s8 =	sld [smem:$0x3FB5]  }
0x2e: {  	s3 =	simm.s32 @!p0 $0x1082;
	s9 =	sld [smem:$0x3FB6]  }
0x2f: {  	lr =	sadd.s32 s0, s3;
	s0 =	sld [smem:$0x3FAD]  }
0x30: {  	s3 =	sld [smem:$0x3FB0]  }
0x31: {  	[smem:$0x3FB9] =	sst s10  }
0x32: {  	s10 =	sld [smem:$0x3FB7];
	_ =	sdelay $0x3  }
0x33: {  	p0 =	seq.s32 s10, $0x1;
	s10 =	sld [smem:$0x3FB9];
	_ =	sdelay $0x3  }
0x34: {  	[smem:$0x3FB9] =	sst s10  }
0x35: {  	s10 =	sld [smem:$0x3FB8];
	_ =	sdelay $0x3  }
0x36: {  	p1 =	seq.s32 s10, $0x1;
	s10 =	sld [smem:$0x3FB9];
	_ =	sdelay $0x3  }
0x37: {  	[smem:$0x3FB9] =	sst s10  }
0x38: {  	s10 =	sld [smem:$0x3FBA]  }
0x39: {  	_ = 	snop;
	(pc) =	sbr.ind lr, $3  }
0x3a: {  	_ = 	snop  }
0x3b: {  	_ = 	snop  }
0x3c: {  	p2 =	seq.s32 s10, $0x1;
	s10 =	sld [smem:$0x3FB9]  }
0x3d: {  	_ =	shalt  }
0x3e: {  	_ =	shalt  }
0x3f: {  	_ =	shalt  }
0x40: {  	_ =	shalt  }
0x41: {  	_ =	shalt  }
0x42: {  	_ =	shalt  }
0x43: {  	_ =	shalt  }
0x44: {  	_ =	shalt  }
0x45: {  	_ =	shalt  }
0x46: {  	_ =	shalt  }
0x47: {  	_ =	shalt  }
0x48: {  	_ =	shalt  }
0x49: {  	_ =	shalt  }
0x4a: {  	_ =	shalt  }
0x4b: {  	_ =	shalt  }
0x4c: {  	_ =	shalt  }
0x4d: {  	_ =	shalt  }
0x4e: {  	_ =	shalt  }
0x4f: {  	_ =	shalt  }
0x50: {  	_ =	shalt  }
0x51: {  	_ =	shalt  }
0x52: {  	_ =	shalt  }
0x53: {  	_ =	shalt  }
0x54: {  	_ =	shalt  }
0x55: {  	_ =	shalt  }
0x56: {  	_ =	shalt  }
0x57: {  	_ =	shalt  }
0x58: {  	_ =	shalt  }
0x59: {  	_ =	shalt  }
0x5a: {  	_ =	shalt  }
0x5b: {  	_ =	shalt  }
0x5c: {  	_ =	shalt  }
0x5d: {  	_ =	shalt  }
0x5e: {  	_ =	shalt  }
0x5f: {  	_ =	shalt  }
0x60: {  	_ =	shalt  }
0x61: {  	_ =	shalt  }
0x62: {  	_ =	shalt  }
0x63: {  	_ =	shalt  }
0x64: {  	_ =	shalt  }
0x65: {  	_ =	shalt  }
0x66: {  	_ =	shalt  }
0x67: {  	_ =	shalt  }
0x68: {  	_ =	shalt  }
0x69: {  	_ =	shalt  }
0x6a: {  	_ =	shalt  }
0x6b: {  	_ =	shalt  }
0x6c: {  	_ =	shalt  }
0x6d: {  	_ =	shalt  }
0x6e: {  	_ =	shalt  }
0x6f: {  	_ =	shalt  }
0x70: {  	_ =	shalt  }
0x71: {  	_ =	shalt  }
0x72: {  	_ =	shalt  }
0x73: {  	_ =	shalt  }
0x74: {  	_ =	shalt  }
0x75: {  	_ =	shalt  }
0x76: {  	_ =	shalt  }
0x77: {  	_ =	shalt  }
0x78: {  	_ =	shalt  }
0x79: {  	_ =	shalt  }
0x7a: {  	_ =	shalt  }
0x7b: {  	_ =	shalt  }
0x7c: {  	_ =	shalt  }
0x7d: {  	_ =	shalt  }
0x7e: {  	_ =	shalt  }
0x7f: {  	_ =	shalt  }
0x80: {  	_ =	shalt  }
0x81: {  	_ =	shalt  }
0x82: {  	_ =	shalt  }
0x83: {  	_ =	shalt  }
0x84: {  	_ =	shalt  }
0x85: {  	_ =	shalt  }
0x86: {  	_ =	shalt  }
0x87: {  	_ =	shalt  }
.Lfunc_end0:
.L_simem_size_0:
called_computation.3_lowered:
.L_overlay_start_0:
0x88: {  	s2 =	sld [smem:$0x3FD9]  }
0x89: {  	s3 =	sld [smem:$0x3FFE];
	_ =	sdelay $0x1  }
0x8a: {  	s1 =	srdreg.scid  }
0x8b: {  	s0 =	sand.u32 $0x1, s1  }
0x8c: {  	s14 =	sshll.u32 s0, $0xA;
	s2 =	sadd.s32 s3, s2  }
0x8d: {  	s2 =	sadd.s32 s2, s14  }
0x8e: {  	[smem:$0x3FC5] =	sst s2  }
0x8f: {  	_ = 	snop  }
0x90: {  	s2 =	sld [smem:$0x3FD0];
	_ =	sdelay $0x2  }
0x91: {  	s15 =	simm.s32 $0xB;
	s4 =	simm.s32 $0x10  }
0x92: {  	[smem:s4], [sflag:s15] =	dma.local [hbm:s2], $0x1  }
0x93: {  	_ =	swait.eq [sflag:s15], $0x1  }
0x94: {  	[sflag:s15] =	ssyncset.done $0x0  }
0x95: {  	s16 =	sld [smem:$0x10];
	[sflag:s15] =	ssyncadd.s32 $0xFFFFFFFF  }
0x96: {  	s17 =	sld [smem:$0x11];
	(tm) =	ssettm $0x1  }
0x97: {  	s18 =	sld [smem:$0x3FFB];
	_ =	sdelay $0x3  }
0x98: {  	_ =	strace s18  }
0x99: {  	s4 =	sld [smem:$0x3FFC];
	_ =	sdelay $0x3  }
0x9a: {  	_ =	strace s4  }
0x9b: {  	s4 =	sld [smem:$0x3FFD];
	_ =	sdelay $0x3  }
0x9c: {  	_ =	strace s4  }
0x9d: {  	_ =	strace $0x8FFFFFFF  }
0x9e: {  	s19 =	sld [smem:$0x3FDB];
	_ =	sdelay $0x1  }
0x9f: {  	s5 =	simm.s32 $_scs_section_size  }
0xa0: {  	s6 =	simm.s32 $_size__tile_overlayer_lowered;
	s7 =	simm.s32 $_tile_overlayer_lowered  }
0xa1: {  	s22 =	simm.s32 $0x1BFF;
	s21 =	sshll.u32 s7, $0x1;
	s4 =	sadd.s32 s5, s19  }
0xa2: {  	s8 =	simm.s32 $0x0;
	s20 =	sshll.u32 s6, $0x1;
	s6 =	sadd.s32 s21, s4  }
0xa3: {  	[timem:s8], [sflag:s22] =	dma.local [hbm:s6], s20  }
0xa4: {  	_ =	swait.ge [sflag:s22], s20  }
0xa5: {  	s5 =	ssub.s32 $0x0, s20;
	[sflag:s22] =	ssyncset.done $0x0  }
0xa6: {  	[sflag:s22] =	ssyncadd.s32 s5;
	_ =	sdelay $0x1  }
0xa7: {  	s23 =	simm.s32 $0x1B8B  }
0xa8: {  	_ =	swait.ge [sflag:s23], $0x1  }
0xa9: {  	[sflag:s23] =	ssyncset.done $0x0  }
0xaa: {  	s25 =	simm.s32 $0x1B8E;
	s24 =	sld [smem:$0x3FFE];
	[sflag:s23] =	ssyncadd.s32 $0xFFFFFFFF  }
0xab: {  	s26 =	simm.s32 $execute0_lowered;
	[smem:$0x3FD2] =	sst s25  }
0xac: {  	s6 =	sshll.u32 s26, $0x1;
	_ =	strace $0x8000004F;
	[dreg:$0x1] =	wrdreg $0xFFFFFFFF  }
0xad: {  	s28 =	simm.s32 $_size_execute0_lowered;
	s4 =	sadd.s32 s4, s6;
	[dreg:$0x0] =	wrdreg $0x0  }
0xae: {  	s6 =	sshll.u32 s28, $0x1;
	[dreg:$0x2] =	wrdreg s4  }
0xaf: {  	[dreg:$0x3] =	wrdreg s6  }
0xb0: {  	[dreg:$0x4] =	wrdreg $0xC0  }
0xb1: {  	_ =	task [dreg:s8], $0x5FFFF  }
0xb2: {  	[dreg:$0x1] =	wrdreg $0xFFFFFFFF  }
0xb3: {  	[dreg:$0x0] =	wrdreg $0x60  }
0xb4: {  	[dreg:$0x2] =	wrdreg s16  }
0xb5: {  	[dreg:$0x3] =	wrdreg s24  }
0xb6: {  	[dreg:$0x4] =	wrdreg s17  }
0xb7: {  	[dreg:$0x5] =	wrdreg $0x9  }
0xb8: {  	_ =	task.clear_ibuf [dreg:s8], $0x6FFFF;
	_ =	strace $0x9000004F  }
0xb9: {  	s29 =	simm.s32 $0x9;
	_ =	strace $0x80000051  }
0xba: {  	_ =	swait.ge [sflag:s29], $0x1  }
0xbb: {  	[sflag:s29] =	ssyncadd.s32 $0xFFFFFFFF  }
0xbc: {  	_ =	strace $0x90000051  }
0xbd: {  	_ =	sfence  }
0xbe: {  	s30 =	sld [smem:$0x0];
	_ =	sdelay $0x2  }
0xbf: {  	s31 =	sshll.u32 s1, $0xD;
	s1 =	sshrl.u32 s1, $0x2  }
0xc0: {  	s3 =	sand.u32 $0x4000, s31;
	s1 =	sadd.s32 s1, s30  }
0xc1: {  	s0 =	sor.u32 s3, s0;
	s1 =	sshll.u32 s1, $0x11  }
0xc2: {  	s0 =	sor.u32 s1, s0  }
0xc3: {  	s0 =	sadd.s32 $0x8F2B, s0  }
0xc4: {  	[sflag:s0] =	ssyncadd.remote.s32 $0x1  }
0xc5: {  	_ =	sfence.sel $0xFFFF  }
0xc6: {  	[dreg:$0x0] =	wrdreg $0xFFFFFFFF;
	(pc) =	sbr.abs _section_cstart, $3  }
0xc7: {  	[dreg:$0x1] =	wrdreg $0xFFFFFFFF  }
0xc8: {  	_ =	task.clear_ibuf [dreg:s8], $0x2FFFF;
	_ =	strace $0x9FFFFFFF  }
0xc9: {  	(tm) =	ssettm $0x7FFFFFFF  }
tec
execute0_lowered:
.L_overlay_start_1:
0x0: {  	(tag) =	ssettag $0x1  }
0x1: {  	s1 =	rddreg [dreg:$0x0]  }
0x2: {  	s4 =	rddreg [dreg:$0x1]  }
0x3: {  	s6 =	rddreg [dreg:$0x2]  }
0x4: {  	s0 =	rddreg [dreg:$0x3];
	s2 =	simm.s32 $0x0  }
0x5: {  	s3 =	srdreg.scid;
	s11 =	simm.s32 $0x3;
	s12 =	simm.s32 $0x2000  }
0x6: {  	s13 =	simm.s32 $0x1;
	s14 =	simm.s32 $0x4080;
	s15 =	simm.s32 $0x2  }
0x7: {  	s16 =	simm.s32 $0x80;
	s17 =	simm.s32 $0x400;
	[smem:$0x7FF] =	sst s2  }
0x8: {  	s5 =	sand.u32 $0x1, s3;
	s3 =	stileid.u32;
	s4 =	sadd.s32 $0x200, s4  }
0x9: {  	_ =	strace $0x80000050;
	s7 =	ssub.s32 $0x2, s5;
	s9 =	sshll.u32 s3, $0x1  }
0xa: {  	s31 =	sshll.u32 s3, $0xE;
	s8 =	sshrl.u32 s7, $0x1;
	s30 =	sor.u32 s5, s9  }
0xb: {  	s10 =	ssub.s32 s7, s8;
	s5 =	sshll.u32 s30, $0x14;
	s9 =	sshll.u32 s30, $0x4  }
0xc: {  	s8 =	sand.u32 $0x30000, s31;
	s7 =	sshll.u32 s30, $0x11;
	s9 =	sand.u32 $0x70, s9  }
0xd: {  	s8 =	sadd.s32 s6, s8;
	s6 =	sadd.s32 s1, s7;
	s7 =	sor.u32 $0x4000, s5  }
0xe: {  	v0 =	vimm.s32 $0x0;
	v1 =	vlaneseq.u32;
	v2 =	vimm.s32 $0x1;
	s8 =	sadd.s32 s9, s8;
	s9 =	smax.u32 s10, $0x1;
	s10 =	simm.s32 $0x4000  }
.LBB2_1:
0xf: {  	s18 =	simm.s32 $0x40;
	s19 =	simm.s32 $0x0  }
.LBB2_2:
0x10: {  	p0 =	sne.s32 s18, $0x3FFC0;
	[tilespmem:s19+$0x4080] =	vst v0;
	s19 =	smov.u32 s18;
	s18 =	sadd.s32 $0x40, s18  }
.Ltmp0:
0x11: {  	(pc) =	sbr.rel @p0 .LBB2_2-.Ltmp0, $2  }
0x12: {  	_ =	sdelay $0x2  }
0x13: {  	s19 =	sshra.s32 s19, $0x2  }
0x14: {  	[tilespmem:s19+$0x4080] =	vst v0;
	s18 =	simm.s32 $0x0  }
0x15: {  	[tilespmem:s10], [sflag:$0x3] =	stream.linear.gather [hbm4b:s4+s18], $0x80, $0x38;
	[tilespmem:$0x14080] =	vst v63  }
0x16: {  	_ =	swait.ge [sflag:s11], $0x80  }
0x17: {  	[sflag:s11] =	ssyncset.done $0x0  }
0x18: {  	s19 =	simm.s32 $0x0;
	[sflag:s11] =	ssyncadd.s32 $0xFFFFFF80  }
0x19: {  	v3 =	vld [tilespmem:$0x4000];
	[tilespmem:s18], [sflag:$0x1] =	stream.linear.gather [hbm4b:s6+s18], $0x2000, $0x38  }
.LBB2_4:
0x1a: {  	s20 =	sshll.u32 s19, $0xE  }
0x1b: {  	s21 =	sor.u32 s20, s5  }
0x1c: {  	s21 =	sshrl.u32 s21, $0x3  }
0x1d: {  	s21 =	sadd.s32 s21, s1  }
0x1e: {  	s21 =	sadd.s32 $0x400, s21  }
0x1f: {  	[tilespmem:s12], [sflag:$0x2] =	stream.linear.gather [hbm4b:s21+s18], $0x2000, $0x38;
	[tilespmem:$0x14080] =	vst v63  }
0x20: {  	_ =	swait.ge [sflag:s13], $0x2000  }
0x21: {  	[sflag:s13] =	ssyncset.done $0x0  }
0x22: {  	s22 =	simm.s32 $0x0;
	s21 =	simm.s32 $0x40;
	[sflag:s13] =	ssyncadd.s32 $0xFFFFE000  }
.LBB2_5:
0x23: {  	p0 =	sne.s32 s21, $0x7FC0;
	v4 =	vld [tilespmem:s22+$0x0];
	_ =	sdelay $0x4  }
0x24: {  	v5 =	vshrl.u32 v4, $0x14  }
0x25: {  	v4 =	vshrl.u32 v4, $0x4;
	v5 =	vxor.u32 v3, v5  }
0x26: {  	v4 =	vand.u32 $0xFFF0, v4;
	vm0 =	veq.s32 v5, $0x800  }
0x27: {  	v4 =	vor.u32 v1, v4  }
.Ltmp1:
0x28: {  	(pc) =	sbr.rel @p0 .LBB2_5-.Ltmp1, $2  }
0x29: {  	_ =	sdelay $0x2  }
0x2a: {  	s22 =	sshra.s32 s21, $0x2;
	s21 =	sadd.s32 $0x40, s21;
	[tilespmem:v4+s14+$0x0] =	vst.idx.add.s32.msk vm0, v2  }
0x2b: {  	v4 =	vld [tilespmem:s22+$0x0];
	_ =	sdelay $0x4  }
0x2c: {  	v5 =	vshrl.u32 v4, $0x14  }
0x2d: {  	v4 =	vshrl.u32 v4, $0x4;
	v5 =	vxor.u32 v3, v5  }
0x2e: {  	v4 =	vand.u32 $0xFFF0, v4;
	vm0 =	veq.s32 v5, $0x800  }
0x2f: {  	v4 =	vor.u32 v1, v4;
	_ =	sdelay $0x1  }
0x30: {  	p0 =	seq.s32 s19, $0x3F  }
0x31: {  	s20 =	sadd.s32 @!p0 s20, s7  }
0x32: {  	s20 =	sshrl.u32 @!p0 s20, $0x3  }
0x33: {  	s21 =	simm.s32 @!p0 $0x0;
	s20 =	sadd.s32 @!p0 s1, s20;
	[tilespmem:v4+s14+$0x0] =	vst.idx.add.s32.msk vm0, v2  }
0x34: {  	[tilespmem:s21], [sflag:$0x1] =	stream.linear.gather @!p0 [hbm4b:s20+s21], $0x2000, $0x38;
	[tilespmem:$0x14080] =	vst v63  }
0x35: {  	_ =	swait.ge [sflag:s15], $0x2000  }
0x36: {  	[sflag:s15] =	ssyncset.done $0x0  }
0x37: {  	s21 =	simm.s32 $0x0;
	s20 =	simm.s32 $0x40;
	[sflag:s15] =	ssyncadd.s32 $0xFFFFE000  }
.LBB2_7:
0x38: {  	p0 =	sne.s32 s20, $0x7FC0;
	v4 =	vld [tilespmem:s21+$0x2000];
	_ =	sdelay $0x4  }
0x39: {  	v5 =	vshrl.u32 v4, $0x14  }
0x3a: {  	v4 =	vshrl.u32 v4, $0x4;
	v5 =	vxor.u32 v3, v5  }
0x3b: {  	v4 =	vand.u32 $0xFFF0, v4;
	vm0 =	veq.s32 v5, $0x800  }
0x3c: {  	v4 =	vor.u32 v1, v4  }
.Ltmp2:
0x3d: {  	(pc) =	sbr.rel @p0 .LBB2_7-.Ltmp2, $2  }
0x3e: {  	_ =	sdelay $0x2  }
0x3f: {  	s21 =	sshra.s32 s20, $0x2;
	s20 =	sadd.s32 $0x40, s20;
	[tilespmem:v4+s14+$0x0] =	vst.idx.add.s32.msk vm0, v2  }
0x40: {  	v4 =	vld [tilespmem:s21+$0x2000];
	_ =	sdelay $0x4  }
0x41: {  	v5 =	vshrl.u32 v4, $0x14  }
0x42: {  	v4 =	vshrl.u32 v4, $0x4;
	v5 =	vxor.u32 v3, v5  }
0x43: {  	s19 =	sadd.s32 $0x1, s19;
	v4 =	vand.u32 $0xFFF0, v4;
	vm0 =	veq.s32 v5, $0x800  }
0x44: {  	p0 =	sne.s32 s19, $0x40;
	v4 =	vor.u32 v1, v4  }
.Ltmp3:
0x45: {  	_ = 	snop;
	(pc) =	sbr.rel @p0 .LBB2_4-.Ltmp3, $2  }
0x46: {  	_ =	sdelay $0x2  }
0x47: {  	[tilespmem:v4+s14+$0x0] =	vst.idx.add.s32.msk vm0, v2  }
0x48: {  	s2 =	sadd.s32 $0x1, s2  }
0x49: {  	p0 =	sne.s32 s2, s9  }
.Ltmp4:
0x4a: {  	_ = 	snop;
	(pc) =	sbr.rel @p0 .LBB2_1-.Ltmp4, $4  }
0x4b: {  	[hbm4b:s8+s16] =	stream.strided.scatter [tilespmem:s14], [sflag:$0x3], $0x10000, s17, s16, $0x38;
	[tilespmem:$0x14080] =	vst v63  }
0x4c: {  	_ =	swait.ge [sflag:s11], $0x10000  }
0x4d: {  	[sflag:s11] =	ssyncset.done $0x0  }
0x4e: {  	[sflag:s11] =	ssyncadd.s32 $0xFFFF0000  }
0x4f: {  	_ =	sfence.sel $0x180000  }
0x50: {  	[bflag:$0x0] =	sbarrier.arrive $0xFFFF  }
0x51: {  	p0 =	sne.s32 s3, $0x0;
	_ =	strace $0x90000050  }
0x52: {  	s0 =	sadd.s32 @!p0 $0x100000, s0;
	[bflag:$0x2] =	sbarrier.arrive $0xFFFF  }
0x53: {  	[sflag:s0] =	ssyncadd.tile.s32 @!p0 $0x1;
	_ =	shalt  }
.Lfunc_end2:
_tile_overlayer_lowered:
.L_overlay_start_2:
0x54: {  	(tag) =	ssettag $0x2  }
0x55: {  	s0 =	rddreg [dreg:$0x0];
	s2 =	stileid.u32  }
0x56: {  	s1 =	rddreg [dreg:$0x1];
	p0 =	sne.s32 s2, $0x0  }
0x57: {  	s3 =	rddreg [dreg:$0x2];
	[bflag:$0x3] =	sbarrier.arrive $0xFFFF;
	s2 =	simm.s32 @!p0 $0x1C03  }
0x58: {  	[timem:s3], [sflag:s2] =	dma.local @!p0 [hbm:s0], s1  }
0x59: {  	s0 =	simm.s32 @!p0 $0x3  }
0x5a: {  	_ =	swait.ge @!p0 [sflag:s0], s1  }
0x5b: {  	s1 =	ssub.s32 @!p0 $0x0, s1;
	[sflag:s0] =	ssyncset.done @!p0 $0x0  }
0x5c: {  	[sflag:s0] =	ssyncadd.s32 @!p0 s1  }
0x5d: {  	[bflag:$0x3] =	sbarrier.arrive $0xFFFF  }
0x5e: {  	_ =	shalt  }

// kernel: kernel.13.cloned.1.call-start
scs
__scs_entry_jumppad:
0x0: {  	(pc) =	sbr.rel $0x88, $3  }
0x1: {  	(tag) =	ssettag $0x0;
	lr =	simm.s32 $0x1  }
0x2: {  	[smem:$0x3F9E] =	sst lr;
	_ =	strace $0xD0000000  }
0x3: {  	_ = 	snop  }
0x4: {  	_ = 	snop  }
0x5: {  	_ = 	snop  }
0x6: {  	_ = 	snop  }
0x7: {  	_ = 	snop  }
__scs_overlays_trampoline_lowered:
0x8: {  	[smem:$0x3FAD] =	sst s0  }
0x9: {  	[smem:$0x3FAE] =	sst s1  }
0xa: {  	[smem:$0x3FAF] =	sst s2  }
0xb: {  	[smem:$0x3FB0] =	sst s3  }
0xc: {  	[smem:$0x3FB1] =	sst s4  }
0xd: {  	[smem:$0x3FB2] =	sst s5  }
0xe: {  	[smem:$0x3FB3] =	sst s6  }
0xf: {  	[smem:$0x3FB4] =	sst s7  }
0x10: {  	[smem:$0x3FB5] =	sst s8  }
0x11: {  	[smem:$0x3FB6] =	sst s9;
	s0 =	simm.s32 @!p0 $0x0  }
0x12: {  	s1 =	sld [smem:$0x3F9C];
	s0 =	simm.s32 @p0 $0x1  }
0x13: {  	[smem:$0x3FB7] =	sst s0;
	s0 =	simm.s32 @!p1 $0x0  }
0x14: {  	s2 =	sld [smem:$0x3F9B];
	s0 =	simm.s32 @p1 $0x1  }
0x15: {  	[smem:$0x3FB8] =	sst s0;
	s0 =	simm.s32 @!p2 $0x0  }
0x16: {  	s3 =	sld [smem:$0x3FDB];
	s0 =	simm.s32 @p2 $0x1  }
0x17: {  	s4 =	simm.s32 $0x1BF5;
	[smem:$0x3FBA] =	sst s0  }
0x18: {  	s0 =	sld [smem:$0x3F9D];
	_ =	swait.ge [sflag:s4], $0x0  }
0x19: {  	s7 =	sld [smem:$0x3F9E]  }
0x1a: {  	s8 =	sadd.s32 $0xFFFFE003, lr  }
0x1b: {  	s9 =	sadd.s32 $0xFFFFFEF7, lr;
	s5 =	simm.s32 $0xFFFFFFFF;
	p2 =	slt.u32 s8, $0xFFFFF086  }
0x1c: {  	p1 =	slt.u32 s9, $0xF7A;
	s5 =	simm.s32 @!p2 $0x0  }
0x1d: {  	s5 =	simm.s32 @p1 $0x1;
	p0 =	seq.s32 s7, s2  }
0x1e: {  	s7 =	smul.u32 @!p0 $0xF7A, s2;
	p2 =	seq.s32 @!p0 s5, $0x0  }
0x1f: {  	s9 =	smul.u32 $0xF7A, s1;
	s8 =	simm.s32 @!p0 $0x1BF5;
	p2 =	por !p2, p0  }
0x20: {  	[sflag:s8] =	ssyncset.s32 @!p0 $0xFFFFF086;
	s6 =	sadd.s32 @!p0 s3, s7;
	s7 =	simm.s32 @!p0 $0x108  }
0x21: {  	s3 =	sadd.s32 s3, s9;
	s6 =	sadd.s32 @!p0 $0x88, s6;
	s7 =	simm.s32 @p2 $0x1082  }
0x22: {  	[simem:s7], [sflag:s8] =	dma.local @!p0 [hbm:s6], $0xF7A  }
0x23: {  	s9 =	sor.u32 $0xD0000000, s2;
	s6 =	simm.s32 $0x108;
	_ =	swait.ge @!p0 [sflag:s8], $0x0  }
0x24: {  	s3 =	sadd.s32 $0x88, s3;
	s6 =	simm.s32 @!p1 $0x1082;
	[sflag:s4] =	ssyncset.s32 $0xFFFFF086  }
0x25: {  	[simem:s6], [sflag:s4] =	dma.local [hbm:s3], $0xF7A  }
0x26: {  	[smem:$0x3F9E] =	sst s1;
	(tag) =	ssettag s2;
	_ =	strace s9  }
0x27: {  	s1 =	sld [smem:$0x3FAE]  }
0x28: {  	s2 =	sld [smem:$0x3FAF]  }
0x29: {  	s4 =	sld [smem:$0x3FB1]  }
0x2a: {  	p0 =	seq.s32 s5, $0x0;
	s5 =	sld [smem:$0x3FB2]  }
0x2b: {  	s6 =	sld [smem:$0x3FB3]  }
0x2c: {  	s7 =	sld [smem:$0x3FB4]  }
0x2d: {  	s3 =	simm.s32 $0x108;
	s8 =	sld [smem:$0x3FB5]  }
0x2e: {  	s3 =	simm.s32 @!p0 $0x1082;
	s9 =	sld [smem:$0x3FB6]  }
0x2f: {  	lr =	sadd.s32 s0, s3;
	s0 =	sld [smem:$0x3FAD]  }
0x30: {  	s3 =	sld [smem:$0x3FB0]  }
0x31: {  	[smem:$0x3FB9] =	sst s10  }
0x32: {  	s10 =	sld [smem:$0x3FB7];
	_ =	sdelay $0x3  }
0x33: {  	p0 =	seq.s32 s10, $0x1;
	s10 =	sld [smem:$0x3FB9];
	_ =	sdelay $0x3  }
0x34: {  	[smem:$0x3FB9] =	sst s10  }
0x35: {  	s10 =	sld [smem:$0x3FB8];
	_ =	sdelay $0x3  }
0x36: {  	p1 =	seq.s32 s10, $0x1;
	s10 =	sld [smem:$0x3FB9];
	_ =	sdelay $0x3  }
0x37: {  	[smem:$0x3FB9] =	sst s10  }
0x38: {  	s10 =	sld [smem:$0x3FBA]  }
0x39: {  	_ = 	snop;
	(pc) =	sbr.ind lr, $3  }
0x3a: {  	_ = 	snop  }
0x3b: {  	_ = 	snop  }
0x3c: {  	p2 =	seq.s32 s10, $0x1;
	s10 =	sld [smem:$0x3FB9]  }
0x3d: {  	_ =	shalt  }
0x3e: {  	_ =	shalt  }
0x3f: {  	_ =	shalt  }
0x40: {  	_ =	shalt  }
0x41: {  	_ =	shalt  }
0x42: {  	_ =	shalt  }
0x43: {  	_ =	shalt  }
0x44: {  	_ =	shalt  }
0x45: {  	_ =	shalt  }
0x46: {  	_ =	shalt  }
0x47: {  	_ =	shalt  }
0x48: {  	_ =	shalt  }
0x49: {  	_ =	shalt  }
0x4a: {  	_ =	shalt  }
0x4b: {  	_ =	shalt  }
0x4c: {  	_ =	shalt  }
0x4d: {  	_ =	shalt  }
0x4e: {  	_ =	shalt  }
0x4f: {  	_ =	shalt  }
0x50: {  	_ =	shalt  }
0x51: {  	_ =	shalt  }
0x52: {  	_ =	shalt  }
0x53: {  	_ =	shalt  }
0x54: {  	_ =	shalt  }
0x55: {  	_ =	shalt  }
0x56: {  	_ =	shalt  }
0x57: {  	_ =	shalt  }
0x58: {  	_ =	shalt  }
0x59: {  	_ =	shalt  }
0x5a: {  	_ =	shalt  }
0x5b: {  	_ =	shalt  }
0x5c: {  	_ =	shalt  }
0x5d: {  	_ =	shalt  }
0x5e: {  	_ =	shalt  }
0x5f: {  	_ =	shalt  }
0x60: {  	_ =	shalt  }
0x61: {  	_ =	shalt  }
0x62: {  	_ =	shalt  }
0x63: {  	_ =	shalt  }
0x64: {  	_ =	shalt  }
0x65: {  	_ =	shalt  }
0x66: {  	_ =	shalt  }
0x67: {  	_ =	shalt  }
0x68: {  	_ =	shalt  }
0x69: {  	_ =	shalt  }
0x6a: {  	_ =	shalt  }
0x6b: {  	_ =	shalt  }
0x6c: {  	_ =	shalt  }
0x6d: {  	_ =	shalt  }
0x6e: {  	_ =	shalt  }
0x6f: {  	_ =	shalt  }
0x70: {  	_ =	shalt  }
0x71: {  	_ =	shalt  }
0x72: {  	_ =	shalt  }
0x73: {  	_ =	shalt  }
0x74: {  	_ =	shalt  }
0x75: {  	_ =	shalt  }
0x76: {  	_ =	shalt  }
0x77: {  	_ =	shalt  }
0x78: {  	_ =	shalt  }
0x79: {  	_ =	shalt  }
0x7a: {  	_ =	shalt  }
0x7b: {  	_ =	shalt  }
0x7c: {  	_ =	shalt  }
0x7d: {  	_ =	shalt  }
0x7e: {  	_ =	shalt  }
0x7f: {  	_ =	shalt  }
0x80: {  	_ =	shalt  }
0x81: {  	_ =	shalt  }
0x82: {  	_ =	shalt  }
0x83: {  	_ =	shalt  }
0x84: {  	_ =	shalt  }
0x85: {  	_ =	shalt  }
0x86: {  	_ =	shalt  }
0x87: {  	_ =	shalt  }
.Lfunc_end0:
.L_simem_size_0:
called_computation.4_lowered:
.L_overlay_start_0:
0x88: {  	s2 =	sld [smem:$0x3FD9]  }
0x89: {  	s3 =	sld [smem:$0x3FFE];
	_ =	sdelay $0x1  }
0x8a: {  	s1 =	srdreg.scid  }
0x8b: {  	s0 =	sand.u32 $0x1, s1  }
0x8c: {  	s14 =	sshll.u32 s0, $0xA;
	s2 =	sadd.s32 s3, s2  }
0x8d: {  	s2 =	sadd.s32 s2, s14  }
0x8e: {  	[smem:$0x3FC5] =	sst s2  }
0x8f: {  	_ = 	snop  }
0x90: {  	s2 =	sld [smem:$0x3FD0];
	_ =	sdelay $0x2  }
0x91: {  	s15 =	simm.s32 $0xB;
	s4 =	simm.s32 $0x10  }
0x92: {  	[smem:s4], [sflag:s15] =	dma.local [hbm:s2], $0x1  }
0x93: {  	_ =	swait.eq [sflag:s15], $0x1  }
0x94: {  	[sflag:s15] =	ssyncset.done $0x0  }
0x95: {  	[sflag:s15] =	ssyncadd.s32 $0xFFFFFFFF  }
0x96: {  	s16 =	sld [smem:$0x10];
	(tm) =	ssettm $0x1  }
0x97: {  	s17 =	sld [smem:$0x3FFB];
	_ =	sdelay $0x3  }
0x98: {  	_ =	strace s17  }
0x99: {  	s3 =	sld [smem:$0x3FFC];
	_ =	sdelay $0x3  }
0x9a: {  	_ =	strace s3  }
0x9b: {  	s3 =	sld [smem:$0x3FFD];
	_ =	sdelay $0x3  }
0x9c: {  	_ =	strace s3  }
0x9d: {  	_ =	strace $0x8FFFFFFF  }
0x9e: {  	s18 =	sld [smem:$0x3FDB];
	_ =	sdelay $0x1  }
0x9f: {  	s19 =	simm.s32 $_scs_section_size  }
0xa0: {  	s5 =	simm.s32 $_size__tile_overlayer_lowered;
	s6 =	simm.s32 $_tile_overlayer_lowered  }
0xa1: {  	s22 =	simm.s32 $0x1BFF;
	s21 =	sshll.u32 s6, $0x1;
	s3 =	sadd.s32 s19, s18  }
0xa2: {  	s7 =	simm.s32 $0x0;
	s20 =	sshll.u32 s5, $0x1;
	s5 =	sadd.s32 s21, s3  }
0xa3: {  	[timem:s7], [sflag:s22] =	dma.local [hbm:s5], s20  }
0xa4: {  	_ =	swait.ge [sflag:s22], s20  }
0xa5: {  	s4 =	ssub.s32 $0x0, s20;
	[sflag:s22] =	ssyncset.done $0x0  }
0xa6: {  	[sflag:s22] =	ssyncadd.s32 s4;
	_ =	sdelay $0x1  }
0xa7: {  	s23 =	simm.s32 $0x1B8B  }
0xa8: {  	_ =	swait.ge [sflag:s23], $0x1  }
0xa9: {  	[sflag:s23] =	ssyncset.done $0x0  }
0xaa: {  	s25 =	simm.s32 $0x1B8E;
	s24 =	sld [smem:$0x3FFE];
	[sflag:s23] =	ssyncadd.s32 $0xFFFFFFFF  }
0xab: {  	s26 =	simm.s32 $execute0_lowered;
	[smem:$0x3FD2] =	sst s25  }
0xac: {  	s5 =	sshll.u32 s26, $0x1;
	_ =	strace $0x80000052;
	[dreg:$0x1] =	wrdreg $0xFFFFFFFF  }
0xad: {  	s28 =	simm.s32 $_size_execute0_lowered;
	s3 =	sadd.s32 s3, s5;
	[dreg:$0x0] =	wrdreg $0x0  }
0xae: {  	s5 =	sshll.u32 s28, $0x1;
	[dreg:$0x2] =	wrdreg s3  }
0xaf: {  	[dreg:$0x3] =	wrdreg s5  }
0xb0: {  	[dreg:$0x4] =	wrdreg $0xC0  }
0xb1: {  	_ =	task [dreg:s7], $0x5FFFF  }
0xb2: {  	[dreg:$0x1] =	wrdreg $0xFFFFFFFF  }
0xb3: {  	[dreg:$0x0] =	wrdreg $0x60  }
0xb4: {  	[dreg:$0x2] =	wrdreg s16  }
0xb5: {  	[dreg:$0x3] =	wrdreg s24  }
0xb6: {  	[dreg:$0x4] =	wrdreg $0x9  }
0xb7: {  	_ =	task.clear_ibuf [dreg:s7], $0x5FFFF;
	_ =	strace $0x90000052  }
0xb8: {  	s29 =	simm.s32 $0x9;
	_ =	strace $0x80000054  }
0xb9: {  	_ =	swait.ge [sflag:s29], $0x1  }
0xba: {  	[sflag:s29] =	ssyncadd.s32 $0xFFFFFFFF  }
0xbb: {  	_ =	strace $0x90000054  }
0xbc: {  	_ =	sfence  }
0xbd: {  	s30 =	sld [smem:$0x0];
	_ =	sdelay $0x2  }
0xbe: {  	s31 =	sshll.u32 s1, $0xD;
	s1 =	sshrl.u32 s1, $0x2  }
0xbf: {  	s3 =	sand.u32 $0x4000, s31;
	s1 =	sadd.s32 s1, s30  }
0xc0: {  	s0 =	sor.u32 s3, s0;
	s1 =	sshll.u32 s1, $0x11  }
0xc1: {  	s0 =	sor.u32 s1, s0  }
0xc2: {  	s0 =	sadd.s32 $0x8F2B, s0  }
0xc3: {  	[sflag:s0] =	ssyncadd.remote.s32 $0x1  }
0xc4: {  	_ =	sfence.sel $0xFFFF  }
0xc5: {  	[dreg:$0x0] =	wrdreg $0xFFFFFFFF;
	(pc) =	sbr.abs _section_cstart, $3  }
0xc6: {  	[dreg:$0x1] =	wrdreg $0xFFFFFFFF  }
0xc7: {  	_ =	task.clear_ibuf [dreg:s7], $0x2FFFF;
	_ =	strace $0x9FFFFFFF  }
0xc8: {  	(tm) =	ssettm $0x7FFFFFFF  }
0xc9: {  	_ =	shalt  }
tec
execute0_lowered:
.L_overlay_start_1:
0x0: {  	(tag) =	ssettag $0x1  }
0x1: {  	s1 =	rddreg [dreg:$0x0]  }
0x2: {  	s5 =	rddreg [dreg:$0x1]  }
0x3: {  	s0 =	rddreg [dreg:$0x2];
	s3 =	simm.s32 $0x0;
	s2 =	stileid.u32  }
0x4: {  	s6 =	srdreg.scid;
	s11 =	simm.s32 $0x3;
	s12 =	simm.s32 $0x2000  }
0x5: {  	s13 =	simm.s32 $0x1;
	s14 =	simm.s32 $0x4080;
	s15 =	simm.s32 $0x2  }
0x6: {  	s16 =	simm.s32 $0x80;
	s17 =	simm.s32 $0x400;
	[smem:$0x7FF] =	sst s3  }
0x7: {  	s4 =	sadd.s32 $0x400, s5;
	s6 =	sand.u32 $0x1, s6;
	s7 =	sshll.u32 s2, $0x1  }
0x8: {  	s8 =	sshll.u32 s2, $0xA;
	_ =	strace $0x80000053;
	s9 =	ssub.s32 $0x2, s6  }
0x9: {  	s6 =	sor.u32 s6, s7;
	s29 =	sand.u32 $0x3000, s8;
	s30 =	sshrl.u32 s9, $0x1  }
0xa: {  	s10 =	sshll.u32 s6, $0x4;
	s7 =	sadd.s32 s29, s5;
	s5 =	sshll.u32 s6, $0x14  }
0xb: {  	s6 =	sshll.u32 s6, $0x11;
	s9 =	ssub.s32 s9, s30;
	s31 =	sand.u32 $0x70, s10  }
0xc: {  	s6 =	sadd.s32 s1, s6;
	s10 =	simm.s32 $0x4000;
	s8 =	sadd.s32 s31, s7  }
0xd: {  	v0 =	vimm.s32 $0x0;
	v1 =	vlaneseq.u32;
	v2 =	vimm.s32 $0x1;
	s7 =	sor.u32 $0x4000, s5;
	s9 =	smax.u32 s9, $0x1;
	s8 =	sadd.s32 $0x600, s8  }
.LBB2_1:
0xe: {  	s18 =	simm.s32 $0x40;
	s19 =	simm.s32 $0x0  }
.LBB2_2:
0xf: {  	p0 =	sne.s32 s18, $0x3FC0;
	[tilespmem:s19+$0x4080] =	vst v0;
	s19 =	smov.u32 s18;
	s18 =	sadd.s32 $0x40, s18  }
.Ltmp0:
0x10: {  	(pc) =	sbr.rel @p0 .LBB2_2-.Ltmp0, $2  }
0x11: {  	_ =	sdelay $0x2  }
0x12: {  	s19 =	sshra.s32 s19, $0x2  }
0x13: {  	[tilespmem:s19+$0x4080] =	vst v0;
	s18 =	simm.s32 $0x0  }
0x14: {  	[tilespmem:s10], [sflag:$0x3] =	stream.linear.gather [hbm4b:s4+s18], $0x80, $0x38;
	[tilespmem:$0x5080] =	vst v63  }
0x15: {  	_ =	swait.ge [sflag:s11], $0x80  }
0x16: {  	[sflag:s11] =	ssyncset.done $0x0  }
0x17: {  	s19 =	simm.s32 $0x0;
	[sflag:s11] =	ssyncadd.s32 $0xFFFFFF80  }
0x18: {  	v3 =	vld [tilespmem:$0x4000];
	[tilespmem:s18], [sflag:$0x1] =	stream.linear.gather [hbm4b:s6+s18], $0x2000, $0x38  }
.LBB2_4:
0x19: {  	s20 =	sshll.u32 s19, $0xE  }
0x1a: {  	s21 =	sor.u32 s20, s5  }
0x1b: {  	s21 =	sshrl.u32 s21, $0x3  }
0x1c: {  	s21 =	sadd.s32 s21, s1  }
0x1d: {  	s21 =	sadd.s32 $0x400, s21  }
0x1e: {  	[tilespmem:s12], [sflag:$0x2] =	stream.linear.gather [hbm4b:s21+s18], $0x2000, $0x38;
	[tilespmem:$0x5080] =	vst v63  }
0x1f: {  	_ =	swait.ge [sflag:s13], $0x2000  }
0x20: {  	[sflag:s13] =	ssyncset.done $0x0  }
0x21: {  	s22 =	simm.s32 $0x0;
	s21 =	simm.s32 $0x40;
	[sflag:s13] =	ssyncadd.s32 $0xFFFFE000  }
.LBB2_5:
0x22: {  	p0 =	sne.s32 s21, $0x7FC0;
	v4 =	vld [tilespmem:s22+$0x0];
	_ =	sdelay $0x4  }
0x23: {  	v5 =	vshrl.u32 v4, $0x8  }
0x24: {  	v4 =	vshll.u32 v4, $0x4;
	v5 =	vxor.u32 v3, v5  }
0x25: {  	v4 =	vor.u32 v1, v4;
	vm0 =	veq.s32 v5, $0x800000  }
0x26: {  	v4 =	vand.u32 $0xFFF, v4  }
.Ltmp1:
0x27: {  	(pc) =	sbr.rel @p0 .LBB2_5-.Ltmp1, $2  }
0x28: {  	_ =	sdelay $0x2  }
0x29: {  	s22 =	sshra.s32 s21, $0x2;
	s21 =	sadd.s32 $0x40, s21;
	[tilespmem:v4+s14+$0x0] =	vst.idx.add.s32.msk vm0, v2  }
0x2a: {  	v4 =	vld [tilespmem:s22+$0x0];
	_ =	sdelay $0x4  }
0x2b: {  	v5 =	vshrl.u32 v4, $0x8  }
0x2c: {  	v4 =	vshll.u32 v4, $0x4;
	v5 =	vxor.u32 v3, v5  }
0x2d: {  	v4 =	vor.u32 v1, v4;
	vm0 =	veq.s32 v5, $0x800000  }
0x2e: {  	v4 =	vand.u32 $0xFFF, v4;
	_ =	sdelay $0x1  }
0x2f: {  	p0 =	seq.s32 s19, $0x3F  }
0x30: {  	s20 =	sadd.s32 @!p0 s20, s7  }
0x31: {  	s20 =	sshrl.u32 @!p0 s20, $0x3  }
0x32: {  	s21 =	simm.s32 @!p0 $0x0;
	s20 =	sadd.s32 @!p0 s1, s20;
	[tilespmem:v4+s14+$0x0] =	vst.idx.add.s32.msk vm0, v2  }
0x33: {  	[tilespmem:s21], [sflag:$0x1] =	stream.linear.gather @!p0 [hbm4b:s20+s21], $0x2000, $0x38;
	[tilespmem:$0x5080] =	vst v63  }
0x34: {  	_ =	swait.ge [sflag:s15], $0x2000  }
0x35: {  	[sflag:s15] =	ssyncset.done $0x0  }
0x36: {  	s21 =	simm.s32 $0x0;
	s20 =	simm.s32 $0x40;
	[sflag:s15] =	ssyncadd.s32 $0xFFFFE000  }
.LBB2_7:
0x37: {  	p0 =	sne.s32 s20, $0x7FC0;
	v4 =	vld [tilespmem:s21+$0x2000];
	_ =	sdelay $0x4  }
0x38: {  	v5 =	vshrl.u32 v4, $0x8  }
0x39: {  	v4 =	vshll.u32 v4, $0x4;
	v5 =	vxor.u32 v3, v5  }
0x3a: {  	v4 =	vor.u32 v1, v4;
	vm0 =	veq.s32 v5, $0x800000  }
0x3b: {  	v4 =	vand.u32 $0xFFF, v4  }
.Ltmp2:
0x3c: {  	(pc) =	sbr.rel @p0 .LBB2_7-.Ltmp2, $2  }
0x3d: {  	_ =	sdelay $0x2  }
0x3e: {  	s21 =	sshra.s32 s20, $0x2;
	s20 =	sadd.s32 $0x40, s20;
	[tilespmem:v4+s14+$0x0] =	vst.idx.add.s32.msk vm0, v2  }
0x3f: {  	v4 =	vld [tilespmem:s21+$0x2000];
	_ =	sdelay $0x4  }
0x40: {  	v5 =	vshrl.u32 v4, $0x8  }
0x41: {  	v4 =	vshll.u32 v4, $0x4;
	v5 =	vxor.u32 v3, v5  }
0x42: {  	s19 =	sadd.s32 $0x1, s19;
	v4 =	vor.u32 v1, v4;
	vm0 =	veq.s32 v5, $0x800000  }
0x43: {  	p0 =	sne.s32 s19, $0x40;
	v4 =	vand.u32 $0xFFF, v4  }
.Ltmp3:
0x44: {  	_ = 	snop;
	(pc) =	sbr.rel @p0 .LBB2_4-.Ltmp3, $2  }
0x45: {  	_ =	sdelay $0x2  }
0x46: {  	[tilespmem:v4+s14+$0x0] =	vst.idx.add.s32.msk vm0, v2  }
0x47: {  	s3 =	sadd.s32 $0x1, s3  }
0x48: {  	p0 =	sne.s32 s3, s9  }
.Ltmp4:
0x49: {  	_ = 	snop;
	(pc) =	sbr.rel @p0 .LBB2_1-.Ltmp4, $4  }
0x4a: {  	[hbm4b:s8+s16] =	stream.strided.scatter [tilespmem:s14], [sflag:$0x3], $0x1000, s17, s16, $0x38;
	[tilespmem:$0x5080] =	vst v63  }
0x4b: {  	_ =	swait.ge [sflag:s11], $0x1000  }
0x4c: {  	[sflag:s11] =	ssyncset.done $0x0  }
0x4d: {  	[sflag:s11] =	ssyncadd.s32 $0xFFFFF000  }
0x4e: {  	_ =	sfence.sel $0x180000  }
0x4f: {  	[bflag:$0x0] =	sbarrier.arrive $0xFFFF  }
0x50: {  	p0 =	sne.s32 s2, $0x0;
	_ =	strace $0x90000053  }
0x51: {  	s0 =	sadd.s32 @!p0 $0x100000, s0;
	[bflag:$0x2] =	sbarrier.arrive $0xFFFF  }
0x52: {  	[sflag:s0] =	ssyncadd.tile.s32 @!p0 $0x1;
	_ =	shalt  }
.Lfunc_end2:
_tile_overlayer_lowered:
.L_overlay_start_2:
0x53: {  	(tag) =	ssettag $0x2  }
0x54: {  	s0 =	rddreg [dreg:$0x0];
	s2 =	stileid.u32  }
0x55: {  	s1 =	rddreg [dreg:$0x1];
	p0 =	sne.s32 s2, $0x0  }
0x56: {  	s3 =	rddreg [dreg:$0x2];
	[bflag:$0x3] =	sbarrier.arrive $0xFFFF;
	s2 =	simm.s32 @!p0 $0x1C03  }
0x57: {  	[timem:s3], [sflag:s2] =	dma.local @!p0 [hbm:s0], s1  }
0x58: {  	s0 =	simm.s32 @!p0 $0x3  }
0x59: {  	_ =	swait.ge @!p0 [sflag:s0], s1  }
0x5a: {  	s1 =	ssub.s32 @!p0 $0x0, s1;
	[sflag:s0] =	ssyncset.done @!p0 $0x0  }
0x5b: {  	[sflag:s0] =	ssyncadd.s32 @!p0 s1  }
0x5c: {  	[bflag:$0x3] =	sbarrier.arrive $0xFFFF  }
0x5d: {  	_ =	shalt  }

// kernel: kernel.16.cloned.1.call-start
scs
__scs_entry_jumppad:
0x0: {  	(pc) =	sbr.rel $0x88, $3  }
0x1: {  	(tag) =	ssettag $0x0;
	lr =	simm.s32 $0x1  }
0x2: {  	[smem:$0x3F9E] =	sst lr;
	_ =	strace $0xD0000000  }
0x3: {  	_ = 	snop  }
0x4: {  	_ = 	snop  }
0x5: {  	_ = 	snop  }
0x6: {  	_ = 	snop  }
0x7: {  	_ = 	snop  }
__scs_overlays_trampoline_lowered:
0x8: {  	[smem:$0x3FAD] =	sst s0  }
0x9: {  	[smem:$0x3FAE] =	sst s1  }
0xa: {  	[smem:$0x3FAF] =	sst s2  }
0xb: {  	[smem:$0x3FB0] =	sst s3  }
0xc: {  	[smem:$0x3FB1] =	sst s4  }
0xd: {  	[smem:$0x3FB2] =	sst s5  }
0xe: {  	[smem:$0x3FB3] =	sst s6  }
0xf: {  	[smem:$0x3FB4] =	sst s7  }
0x10: {  	[smem:$0x3FB5] =	sst s8  }
0x11: {  	[smem:$0x3FB6] =	sst s9;
	s0 =	simm.s32 @!p0 $0x0  }
0x12: {  	s1 =	sld [smem:$0x3F9C];
	s0 =	simm.s32 @p0 $0x1  }
0x13: {  	[smem:$0x3FB7] =	sst s0;
	s0 =	simm.s32 @!p1 $0x0  }
0x14: {  	s2 =	sld [smem:$0x3F9B];
	s0 =	simm.s32 @p1 $0x1  }
0x15: {  	[smem:$0x3FB8] =	sst s0;
	s0 =	simm.s32 @!p2 $0x0  }
0x16: {  	s3 =	sld [smem:$0x3FDB];
	s0 =	simm.s32 @p2 $0x1  }
0x17: {  	s4 =	simm.s32 $0x1BF5;
	[smem:$0x3FBA] =	sst s0  }
0x18: {  	s0 =	sld [smem:$0x3F9D];
	_ =	swait.ge [sflag:s4], $0x0  }
0x19: {  	s7 =	sld [smem:$0x3F9E]  }
0x1a: {  	s8 =	sadd.s32 $0xFFFFE003, lr  }
0x1b: {  	s9 =	sadd.s32 $0xFFFFFEF7, lr;
	s5 =	simm.s32 $0xFFFFFFFF;
	p2 =	slt.u32 s8, $0xFFFFF086  }
0x1c: {  	p1 =	slt.u32 s9, $0xF7A;
	s5 =	simm.s32 @!p2 $0x0  }
0x1d: {  	s5 =	simm.s32 @p1 $0x1;
	p0 =	seq.s32 s7, s2  }
0x1e: {  	s7 =	smul.u32 @!p0 $0xF7A, s2;
	p2 =	seq.s32 @!p0 s5, $0x0  }
0x1f: {  	s9 =	smul.u32 $0xF7A, s1;
	s8 =	simm.s32 @!p0 $0x1BF5;
	p2 =	por !p2, p0  }
0x20: {  	[sflag:s8] =	ssyncset.s32 @!p0 $0xFFFFF086;
	s6 =	sadd.s32 @!p0 s3, s7;
	s7 =	simm.s32 @!p0 $0x108  }
0x21: {  	s3 =	sadd.s32 s3, s9;
	s6 =	sadd.s32 @!p0 $0x88, s6;
	s7 =	simm.s32 @p2 $0x1082  }
0x22: {  	[simem:s7], [sflag:s8] =	dma.local @!p0 [hbm:s6], $0xF7A  }
0x23: {  	s9 =	sor.u32 $0xD0000000, s2;
	s6 =	simm.s32 $0x108;
	_ =	swait.ge @!p0 [sflag:s8], $0x0  }
0x24: {  	s3 =	sadd.s32 $0x88, s3;
	s6 =	simm.s32 @!p1 $0x1082;
	[sflag:s4] =	ssyncset.s32 $0xFFFFF086  }
0x25: {  	[simem:s6], [sflag:s4] =	dma.local [hbm:s3], $0xF7A  }
0x26: {  	[smem:$0x3F9E] =	sst s1;
	(tag) =	ssettag s2;
	_ =	strace s9  }
0x27: {  	s1 =	sld [smem:$0x3FAE]  }
0x28: {  	s2 =	sld [smem:$0x3FAF]  }
0x29: {  	s4 =	sld [smem:$0x3FB1]  }
0x2a: {  	p0 =	seq.s32 s5, $0x0;
	s5 =	sld [smem:$0x3FB2]  }
0x2b: {  	s6 =	sld [smem:$0x3FB3]  }
0x2c: {  	s7 =	sld [smem:$0x3FB4]  }
0x2d: {  	s3 =	simm.s32 $0x108;
	s8 =	sld [smem:$0x3FB5]  }
0x2e: {  	s3 =	simm.s32 @!p0 $0x1082;
	s9 =	sld [smem:$0x3FB6]  }
0x2f: {  	lr =	sadd.s32 s0, s3;
	s0 =	sld [smem:$0x3FAD]  }
0x30: {  	s3 =	sld [smem:$0x3FB0]  }
0x31: {  	[smem:$0x3FB9] =	sst s10  }
0x32: {  	s10 =	sld [smem:$0x3FB7];
	_ =	sdelay $0x3  }
0x33: {  	p0 =	seq.s32 s10, $0x1;
	s10 =	sld [smem:$0x3FB9];
	_ =	sdelay $0x3  }
0x34: {  	[smem:$0x3FB9] =	sst s10  }
0x35: {  	s10 =	sld [smem:$0x3FB8];
	_ =	sdelay $0x3  }
0x36: {  	p1 =	seq.s32 s10, $0x1;
	s10 =	sld [smem:$0x3FB9];
	_ =	sdelay $0x3  }
0x37: {  	[smem:$0x3FB9] =	sst s10  }
0x38: {  	s10 =	sld [smem:$0x3FBA]  }
0x39: {  	_ = 	snop;
	(pc) =	sbr.ind lr, $3  }
0x3a: {  	_ = 	snop  }
0x3b: {  	_ = 	snop  }
0x3c: {  	p2 =	seq.s32 s10, $0x1;
	s10 =	sld [smem:$0x3FB9]  }
0x3d: {  	_ =	shalt  }
0x3e: {  	_ =	shalt  }
0x3f: {  	_ =	shalt  }
0x40: {  	_ =	shalt  }
0x41: {  	_ =	shalt  }
0x42: {  	_ =	shalt  }
0x43: {  	_ =	shalt  }
0x44: {  	_ =	shalt  }
0x45: {  	_ =	shalt  }
0x46: {  	_ =	shalt  }
0x47: {  	_ =	shalt  }
0x48: {  	_ =	shalt  }
0x49: {  	_ =	shalt  }
0x4a: {  	_ =	shalt  }
0x4b: {  	_ =	shalt  }
0x4c: {  	_ =	shalt  }
0x4d: {  	_ =	shalt  }
0x4e: {  	_ =	shalt  }
0x4f: {  	_ =	shalt  }
0x50: {  	_ =	shalt  }
0x51: {  	_ =	shalt  }
0x52: {  	_ =	shalt  }
0x53: {  	_ =	shalt  }
0x54: {  	_ =	shalt  }
0x55: {  	_ =	shalt  }
0x56: {  	_ =	shalt  }
0x57: {  	_ =	shalt  }
0x58: {  	_ =	shalt  }
0x59: {  	_ =	shalt  }
0x5a: {  	_ =	shalt  }
0x5b: {  	_ =	shalt  }
0x5c: {  	_ =	shalt  }
0x5d: {  	_ =	shalt  }
0x5e: {  	_ =	shalt  }
0x5f: {  	_ =	shalt  }
0x60: {  	_ =	shalt  }
0x61: {  	_ =	shalt  }
0x62: {  	_ =	shalt  }
0x63: {  	_ =	shalt  }
0x64: {  	_ =	shalt  }
0x65: {  	_ =	shalt  }
0x66: {  	_ =	shalt  }
0x67: {  	_ =	shalt  }
0x68: {  	_ =	shalt  }
0x69: {  	_ =	shalt  }
0x6a: {  	_ =	shalt  }
0x6b: {  	_ =	shalt  }
0x6c: {  	_ =	shalt  }
0x6d: {  	_ =	shalt  }
0x6e: {  	_ =	shalt  }
0x6f: {  	_ =	shalt  }
0x70: {  	_ =	shalt  }
0x71: {  	_ =	shalt  }
0x72: {  	_ =	shalt  }
0x73: {  	_ =	shalt  }
0x74: {  	_ =	shalt  }
0x75: {  	_ =	shalt  }
0x76: {  	_ =	shalt  }
0x77: {  	_ =	shalt  }
0x78: {  	_ =	shalt  }
0x79: {  	_ =	shalt  }
0x7a: {  	_ =	shalt  }
0x7b: {  	_ =	shalt  }
0x7c: {  	_ =	shalt  }
0x7d: {  	_ =	shalt  }
0x7e: {  	_ =	shalt  }
0x7f: {  	_ =	shalt  }
0x80: {  	_ =	shalt  }
0x81: {  	_ =	shalt  }
0x82: {  	_ =	shalt  }
0x83: {  	_ =	shalt  }
0x84: {  	_ =	shalt  }
0x85: {  	_ =	shalt  }
0x86: {  	_ =	shalt  }
0x87: {  	_ =	shalt  }
.Lfunc_end0:
.L_simem_size_0:
called_computation.5_lowered:
.L_overlay_start_0:
0x88: {  	s2 =	sld [smem:$0x3FD9]  }
0x89: {  	s3 =	sld [smem:$0x3FFE];
	_ =	sdelay $0x1  }
0x8a: {  	s1 =	srdreg.scid  }
0x8b: {  	s0 =	sand.u32 $0x1, s1  }
0x8c: {  	s14 =	sshll.u32 s0, $0xA;
	s2 =	sadd.s32 s3, s2  }
0x8d: {  	s2 =	sadd.s32 s2, s14  }
0x8e: {  	[smem:$0x3FC5] =	sst s2  }
0x8f: {  	_ = 	snop  }
0x90: {  	s2 =	sld [smem:$0x3FD0];
	_ =	sdelay $0x2  }
0x91: {  	s15 =	simm.s32 $0xB;
	s4 =	simm.s32 $0x10  }
0x92: {  	[smem:s4], [sflag:s15] =	dma.local [hbm:s2], $0x1  }
0x93: {  	_ =	swait.eq [sflag:s15], $0x1  }
0x94: {  	[sflag:s15] =	ssyncset.done $0x0  }
0x95: {  	s16 =	sld [smem:$0x10];
	[sflag:s15] =	ssyncadd.s32 $0xFFFFFFFF  }
0x96: {  	s17 =	sld [smem:$0x11];
	(tm) =	ssettm $0x1  }
0x97: {  	s18 =	sld [smem:$0x3FFB];
	_ =	sdelay $0x3  }
0x98: {  	_ =	strace s18  }
0x99: {  	s4 =	sld [smem:$0x3FFC];
	_ =	sdelay $0x3  }
0x9a: {  	_ =	strace s4  }
0x9b: {  	s4 =	sld [smem:$0x3FFD];
	_ =	sdelay $0x3  }
0x9c: {  	_ =	strace s4  }
0x9d: {  	_ =	strace $0x8FFFFFFF  }
0x9e: {  	s19 =	sld [smem:$0x3FDB];
	_ =	sdelay $0x1  }
0x9f: {  	s5 =	simm.s32 $_scs_section_size  }
0xa0: {  	s6 =	simm.s32 $_size__tile_overlayer_lowered;
	s7 =	simm.s32 $_tile_overlayer_lowered  }
0xa1: {  	s22 =	simm.s32 $0x1BFF;
	s21 =	sshll.u32 s7, $0x1;
	s4 =	sadd.s32 s5, s19  }
0xa2: {  	s8 =	simm.s32 $0x0;
	s20 =	sshll.u32 s6, $0x1;
	s6 =	sadd.s32 s21, s4  }
0xa3: {  	[timem:s8], [sflag:s22] =	dma.local [hbm:s6], s20  }
0xa4: {  	_ =	swait.ge [sflag:s22], s20  }
0xa5: {  	s5 =	ssub.s32 $0x0, s20;
	[sflag:s22] =	ssyncset.done $0x0  }
0xa6: {  	[sflag:s22] =	ssyncadd.s32 s5;
	_ =	sdelay $0x1  }
0xa7: {  	s23 =	simm.s32 $0x1B8B  }
0xa8: {  	_ =	swait.ge [sflag:s23], $0x1  }
0xa9: {  	[sflag:s23] =	ssyncset.done $0x0  }
0xaa: {  	s25 =	simm.s32 $0x1B8E;
	s24 =	sld [smem:$0x3FFE];
	[sflag:s23] =	ssyncadd.s32 $0xFFFFFFFF  }
0xab: {  	s26 =	simm.s32 $execute0_lowered;
	[smem:$0x3FD2] =	sst s25  }
0xac: {  	s6 =	sshll.u32 s26, $0x1;
	_ =	strace $0x80000055;
	[dreg:$0x1] =	wrdreg $0xFFFFFFFF  }
0xad: {  	s28 =	simm.s32 $_size_execute0_lowered;
	s4 =	sadd.s32 s4, s6;
	[dreg:$0x0] =	wrdreg $0x0  }
0xae: {  	s6 =	sshll.u32 s28, $0x1;
	[dreg:$0x2] =	wrdreg s4  }
0xaf: {  	[dreg:$0x3] =	wrdreg s6  }
0xb0: {  	[dreg:$0x4] =	wrdreg $0xC0  }
0xb1: {  	_ =	task [dreg:s8], $0x5FFFF  }
0xb2: {  	[dreg:$0x1] =	wrdreg $0xFFFFFFFF  }
0xb3: {  	[dreg:$0x0] =	wrdreg $0x60  }
0xb4: {  	[dreg:$0x2] =	wrdreg s16  }
0xb5: {  	[dreg:$0x3] =	wrdreg s24  }
0xb6: {  	[dreg:$0x4] =	wrdreg s17  }
0xb7: {  	[dreg:$0x5] =	wrdreg $0x9  }
0xb8: {  	_ =	task.clear_ibuf [dreg:s8], $0x6FFFF;
	_ =	strace $0x90000055  }
0xb9: {  	s29 =	simm.s32 $0x9;
	_ =	strace $0x80000057  }
0xba: {  	_ =	swait.ge [sflag:s29], $0x1  }
0xbb: {  	[sflag:s29] =	ssyncadd.s32 $0xFFFFFFFF  }
0xbc: {  	_ =	strace $0x90000057  }
0xbd: {  	_ =	sfence  }
0xbe: {  	s30 =	sld [smem:$0x0];
	_ =	sdelay $0x2  }
0xbf: {  	s31 =	sshll.u32 s1, $0xD;
	s1 =	sshrl.u32 s1, $0x2  }
0xc0: {  	s3 =	sand.u32 $0x4000, s31;
	s1 =	sadd.s32 s1, s30  }
0xc1: {  	s0 =	sor.u32 s3, s0;
	s1 =	sshll.u32 s1, $0x11  }
0xc2: {  	s0 =	sor.u32 s1, s0  }
0xc3: {  	s0 =	sadd.s32 $0x8F2B, s0  }
0xc4: {  	[sflag:s0] =	ssyncadd.remote.s32 $0x1  }
0xc5: {  	_ =	sfence.sel $0xFFFF  }
0xc6: {  	[dreg:$0x0] =	wrdreg $0xFFFFFFFF;
	(pc) =	sbr.abs _section_cstart, $3  }
0xc7: {  	[dreg:$0x1] =	wrdreg $0xFFFFFFFF  }
0xc8: {  	_ =	task.clear_ibuf [dreg:s8], $0x2FFFF;
	_ =	strace $0x9FFFFFFF  }
0xc9: {  	(tm) =	ssettm $0x7FFFFFFF  }
tec
execute0_lowered:
.L_overlay_start_1:
0x0: {  	(tag) =	ssettag $0x1  }
0x1: {  	s1 =	rddreg [dreg:$0x0]  }
0x2: {  	s5 =	rddreg [dreg:$0x1];
	s2 =	srdreg.scid  }
0x3: {  	s0 =	stileid.u32;
	s3 =	rddreg [dreg:$0x2]  }
0x4: {  	s4 =	simm.s32 $0x0;
	s11 =	simm.s32 $0x2;
	s12 =	simm.s32 $0x2200  }
0x5: {  	s13 =	simm.s32 $0x80;
	s14 =	simm.s32 $0x2180;
	s15 =	simm.s32 $0x2080  }
0x6: {  	v2 =	vlaneseq.u32;
	s16 =	simm.s32 $0x1;
	s9 =	sand.u32 $0x1, s2;
	s2 =	rddreg [dreg:$0x3]  }
0x7: {  	s17 =	simm.s32 $0x0;
	s6 =	sshll.u32 s0, $0x1;
	[smem:$0x7FF] =	sst s4;
	v3 =	vadd.s32 $0x333333, v2;
	v5 =	vadd.s32 $0x333343, v2  }
0x8: {  	v0 =	vimm.s32 $0x2000000;
	v4 =	vor.u32 $0x10, v2;
	s31 =	sshll.u32 s0, $0x15;
	v6 =	vor.u32 $0x20, v2;
	s6 =	sor.u32 s9, s6;
	_ =	strace $0x80000056  }
0x9: {  	v7 =	vadd.s32 $0x333353, v2;
	v8 =	vor.u32 $0x30, v2;
	v9 =	vadd.s32 $0x333363, v2;
	s8 =	ssub.s32 $0x2, s9;
	s9 =	sshll.u32 s9, $0x14;
	s7 =	sshll.u32 s6, $0x4  }
0xa: {  	v10 =	vor.u32 $0x40, v2;
	v11 =	vadd.s32 $0x333373, v2;
	v12 =	vor.u32 $0x50, v2;
	s10 =	sshrl.u32 s8, $0x1;
	s9 =	sor.u32 s9, s31;
	s7 =	sadd.s32 s7, s5  }
0xb: {  	v1 =	vimm.s32 $0x0;
	v13 =	vadd.s32 $0x333383, v2;
	v15 =	vadd.s32 $0x333393, v2;
	s5 =	sshll.u32 s6, $0x14;
	s8 =	ssub.s32 s8, s10;
	s10 =	simm.s32 $0x2000  }
0xc: {  	v14 =	vor.u32 $0x60, v2;
	v16 =	vor.u32 $0x70, v2;
	v17 =	vadd.s32 $0x3333A3, v2;
	s6 =	sadd.s32 $0x200, s7;
	s7 =	sadd.s32 $0x400, s7;
	s8 =	smax.u32 s8, $0x1  }
.LBB2_1:
0xd: {  	[tilespmem:s10], [sflag:$0x2] =	stream.linear.gather [hbm4b:s6+s4], $0x80, $0x38;
	[tilespmem:$0x2280] =	vst v63  }
0xe: {  	_ =	swait.ge [sflag:s11], $0x80  }
0xf: {  	[sflag:s11] =	ssyncset.done $0x0  }
0x10: {  	[sflag:s11] =	ssyncadd.s32 $0xFFFFFF80  }
0x11: {  	v19 =	vld [tilespmem:$0x2000]  }
0x12: {  	s18 =	simm.s32 $0x0;
	s20 =	smov.u32 s9;
	v18 =	vld [tilespmem:$0x2010]  }
0x13: {  	s19 =	simm.s32 $0x0;
	s22 =	simm.s32 $0x0;
	s21 =	simm.s32 $0x0;
	v20 =	vld [tilespmem:$0x2020];
	[tilespmem:$0x2200] =	vst v0  }
.LBB2_2:
0x14: {  	s23 =	sshll.u32 s21, $0xD  }
0x15: {  	s23 =	sadd.s32 s5, s23  }
0x16: {  	s23 =	sshrl.u32 s23, $0x3  }
0x17: {  	s24 =	simm.s32 $0x0;
	s23 =	sadd.s32 s1, s23  }
0x18: {  	[tilespmem:s24], [sflag:$0x2] =	stream.linear.gather [hbm4b:s23+s24], $0x2000, $0x38;
	[tilespmem:$0x2280] =	vst v63  }
0x19: {  	_ =	swait.ge [sflag:s11], $0x2000  }
0x1a: {  	[sflag:s11] =	ssyncset.done $0x0  }
0x1b: {  	s29 =	simm.s32 $0x0;
	[sflag:s11] =	ssyncadd.s32 $0xFFFFE000  }
0x1c: {  	v21 =	vld [tilespmem:s29+$0x0];
	_ =	sdelay $0x4  }
0x1d: {  	vm0 =	veq.s32 v21, v20  }
0x1e: {  	v22 =	vsel vm0, $0x1, v1  }
0x1f: {  	(xrf0) =	vadd.scan.msk.s32 $0xffff, v22;
	_ =	sdelay $0x2  }
0x20: {  	v22 =	vmov s18  }
0x21: {  	v22 =	vadd.s32 $0xFFFFFFFF, v22  }
0x22: {  	v22 =	vbroadcast v22, $0x0  }
0x23: {  	v23, _, _ =	vpop (xrf0)  }
0x24: {  	v22 =	vadd.s32 v23, v22  }
0x25: {  	vm1 =	vge.s32 v22, v19  }
0x26: {  	vm2 =	vgt.s32 v21, v20;
	vm1 =	vmand vm0, vm1  }
0x27: {  	vm1 =	vmor vm2, vm1  }
0x28: {  	v21 =	vsel vm1, $0x1, v1  }
0x29: {  	(xrf0) =	vadd.scan.msk.s32 $0xffff, v21;
	_ =	sdelay $0x5  }
0x2a: {  	(v2sf) =	vpush v23, $0xF;
	v21, _, _ =	vpop (xrf0)  }
0x2b: {  	(v2sf) =	vpush v21, $0xF;
	_ =	sdelay $0xd  }
0x2c: {  	s30 =	spop (v2sf)  }
0x2d: {  	s31 =	spop (v2sf)  }
0x2e: {  	vm15 =	veq.s32 v22, v19;
	s26 =	sadd.s32 s22, s31  }
0x2f: {  	vm0 =	vmand vm0, vm15;
	v21 =	vor.u32 s20, v2;
	p1 =	slt.s32 s26, $0x80  }
0x30: {  	[tilespmem:s12+$0x0] =	vst.msk vm0, v21;
	v22 =	vadd.s32 @!p1 s19, v18;
	v23 =	vlaneseq.u32 @!p1  }
0x31: {  	[tilespmem:s22+$0x2080] =	vst.msk vm1, v21;
	v21 =	vadd.s32 @!p1 v23, v22;
	v24 =	vor.u32 @!p1 $0x10, v23  }
0x32: {  	v25 =	vor.u32 @!p1 $0x20, v23;
	[tilespmem:$0x2180] =	vst @!p1 v21;
	v21 =	vadd.s32 @!p1 v24, v22  }
0x33: {  	v24 =	vor.u32 @!p1 $0x40, v23;
	v25 =	vadd.s32 @!p1 v25, v22;
	[tilespmem:$0x2190] =	vst @!p1 v21  }
0x34: {  	v21 =	vadd.s32 @!p1 v24, v22;
	v24 =	vor.u32 @!p1 $0x50, v23;
	[tilespmem:$0x21A0] =	vst @!p1 v25  }
0x35: {  	[tilespmem:$0x21C0] =	vst @!p1 v21;
	v21 =	vadd.s32 @!p1 v24, v22;
	v24 =	vor.u32 @!p1 $0x60, v23  }
0x36: {  	[tilespmem:$0x21D0] =	vst @!p1 v21;
	v21 =	vor.u32 @!p1 $0x70, v23;
	v24 =	vadd.s32 @!p1 v24, v22  }
0x37: {  	v23 =	vor.u32 @!p1 $0x30, v23;
	v21 =	vadd.s32 @!p1 v21, v22;
	[tilespmem:$0x21E0] =	vst @!p1 v24  }
0x38: {  	s24 =	smov.u32 s20;
	s18 =	sadd.s32 s18, s30;
	s28 =	simm.s32 @!p1 $0x80;
	v22 =	vadd.s32 @!p1 v23, v22;
	[tilespmem:$0x21F0] =	vst @!p1 v21  }
0x39: {  	s22 =	simm.s32 @!p1 $0x2180;
	s23 =	simm.s32 @!p1 $0x2080;
	s25 =	simm.s32 @!p1 $0x1;
	[tilespmem:$0x21B0] =	vst @!p1 v22  }
0x3a: {  	[hbm4b:s3+s28] =	stream.indirect.scatter @!p1 [tilespmem:s23], [sflag:$0x1], $0x1, s22, s28, $0xb8;
	[tilespmem:$0x2280] =	vst v63  }
0x3b: {  	s23 =	simm.s32 $0x40;
	s28 =	simm.s32 @p1 $0x0;
	_ =	swait.ge @!p1 [sflag:s25], $0x80  }
0x3c: {  	s22 =	ssub.s32 s26, s28;
	s19 =	sadd.s32 s19, s28;
	[sflag:s25] =	ssyncset.done @!p1 $0x0  }
.LBB2_3:
0x3d: {  	[sflag:s25] =	ssyncadd.s32 @!p1 $0xFFFFFF80  }
0x3e: {  	s24 =	sadd.s32 $0x10, s24;
	s25 =	smov.u32 s23;
	s23 =	sadd.s32 $0x40, s23  }
0x3f: {  	p0 =	sne.s32 s23, $0x8000;
	v21 =	vld @!p1 [tilespmem:$0x2100];
	_ =	sdelay $0x4  }
0x40: {  	s25 =	sshra.s32 s25, $0x2;
	[tilespmem:$0x2080] =	vst @!p1 v21  }
0x41: {  	v21 =	vld [tilespmem:s25+$0x0];
	_ =	sdelay $0x4  }
0x42: {  	vm0 =	veq.s32 v21, v20  }
0x43: {  	v22 =	vsel vm0, $0x1, v1  }
0x44: {  	(xrf0) =	vadd.scan.msk.s32 $0xffff, v22;
	_ =	sdelay $0x2  }
0x45: {  	v22 =	vmov s18  }
0x46: {  	v22 =	vadd.s32 $0xFFFFFFFF, v22  }
0x47: {  	v22 =	vbroadcast v22, $0x0  }
0x48: {  	v23, _, _ =	vpop (xrf0)  }
0x49: {  	v22 =	vadd.s32 v23, v22;
	(v2sf) =	vpush v23, $0xF  }
0x4a: {  	vm1 =	vge.s32 v22, v19;
	vm2 =	veq.s32 v22, v19  }
0x4b: {  	vm3 =	vgt.s32 v21, v20;
	vm4 =	vmand vm0, vm1;
	vm1 =	vmand vm0, vm2  }
0x4c: {  	vm0 =	vmor vm3, vm4  }
0x4d: {  	v21 =	vsel vm0, $0x1, v1  }
0x4e: {  	(xrf0) =	vadd.scan.msk.s32 $0xffff, v21;
	_ =	sdelay $0x5  }
0x4f: {  	v21, _, _ =	vpop (xrf0)  }
0x50: {  	(v2sf) =	vpush v21, $0xF;
	_ =	sdelay $0x2  }
0x51: {  	s25 =	spop (v2sf)  }
0x52: {  	s18 =	sadd.s32 s18, s25;
	_ =	sdelay $0xa  }
0x53: {  	s25 =	spop (v2sf)  }
0x54: {  	s26 =	sadd.s32 s22, s25  }
0x55: {  	v21 =	vor.u32 s24, v2;
	p1 =	slt.s32 s26, $0x80  }
0x56: {  	[tilespmem:s12+$0x0] =	vst.msk vm1, v21;
	v22 =	vadd.s32 @!p1 s19, v18;
	v23 =	vlaneseq.u32 @!p1  }
0x57: {  	[tilespmem:s22+$0x2080] =	vst.msk vm0, v21;
	v21 =	vadd.s32 @!p1 v23, v22;
	v24 =	vor.u32 @!p1 $0x10, v23;
	v25 =	vor.u32 @!p1 $0x20, v23  }
0x58: {  	v26 =	vor.u32 @!p1 $0x70, v23;
	[tilespmem:$0x2180] =	vst @!p1 v21;
	v21 =	vadd.s32 @!p1 v24, v22;
	v24 =	vor.u32 @!p1 $0x40, v23  }
0x59: {  	v26 =	vadd.s32 @!p1 v26, v22;
	[tilespmem:$0x2190] =	vst @!p1 v21;
	v21 =	vadd.s32 @!p1 v24, v22;
	v24 =	vor.u32 @!p1 $0x50, v23  }
0x5a: {  	v27 =	vor.u32 @!p1 $0x30, v23;
	v23 =	vor.u32 @!p1 $0x60, v23;
	[tilespmem:$0x21C0] =	vst @!p1 v21;
	v21 =	vadd.s32 @!p1 v24, v22  }
0x5b: {  	v24 =	vadd.s32 @!p1 v25, v22;
	v25 =	vadd.s32 @!p1 v27, v22;
	[tilespmem:$0x21D0] =	vst @!p1 v21;
	v21 =	vadd.s32 @!p1 v23, v22  }
0x5c: {  	[tilespmem:$0x21A0] =	vst @!p1 v24  }
0x5d: {  	s28 =	simm.s32 @!p1 $0x2180;
	s29 =	simm.s32 @!p1 $0x2080;
	[tilespmem:$0x21E0] =	vst @!p1 v21  }
.Ltmp0:
0x5e: {  	s30 =	simm.s32 @!p1 $0x80;
	s22 =	simm.s32 @!p1 $0x80;
	[tilespmem:$0x21F0] =	vst @!p1 v26;
	(pc) =	sbr.rel @p0 .LBB2_3-.Ltmp0, $4  }
0x5f: {  	s25 =	simm.s32 @!p1 $0x1;
	s30 =	simm.s32 @p1 $0x0;
	[tilespmem:$0x21B0] =	vst @!p1 v25  }
0x60: {  	[hbm4b:s3+s22] =	stream.indirect.scatter @!p1 [tilespmem:s29], [sflag:$0x1], $0x1, s28, s22, $0xb8;
	[tilespmem:$0x2280] =	vst v63  }
0x61: {  	s19 =	sadd.s32 s19, s30;
	s22 =	ssub.s32 s26, s30;
	_ =	swait.ge @!p1 [sflag:s25], $0x80  }
0x62: {  	[sflag:s25] =	ssyncset.done @!p1 $0x0  }
0x63: {  	[sflag:s25] =	ssyncadd.s32 @!p1 $0xFFFFFF80;
	s21 =	sadd.s32 $0x1, s21  }
0x64: {  	v21 =	vld @!p1 [tilespmem:$0x2100];
	p0 =	sne.s32 s21, $0x80  }
.Ltmp1:
0x65: {  	_ = 	snop;
	(pc) =	sbr.rel @p0 .LBB2_2-.Ltmp1, $2  }
0x66: {  	_ =	sdelay $0x2  }
0x67: {  	s20 =	sadd.s32 $0x2000, s20;
	[tilespmem:$0x2080] =	vst @!p1 v21  }
0x68: {  	v19 =	vmov s22;
	v18 =	vadd.s32 s19, v18  }
0x69: {  	vm0 =	vgt.s32 v19, v2;
	v20 =	vadd.s32 v2, v18  }
0x6a: {  	vm9 =	vgt.s32 v19, v4;
	v21 =	vadd.s32 v4, v18;
	v20 =	vsel vm0, v20, v3  }
0x6b: {  	vm10 =	vgt.s32 v19, v6;
	v54 =	vadd.s32 v6, v18;
	v53 =	vsel vm9, v21, v5;
	[tilespmem:$0x2180] =	vst v20  }
0x6c: {  	vm11 =	vgt.s32 v19, v8;
	v56 =	vadd.s32 v8, v18;
	v55 =	vsel vm10, v54, v7;
	[tilespmem:$0x2190] =	vst v53  }
0x6d: {  	vm12 =	vgt.s32 v19, v10;
	v58 =	vadd.s32 v10, v18;
	v57 =	vsel vm11, v56, v9;
	[tilespmem:$0x21A0] =	vst v55  }
0x6e: {  	vm13 =	vgt.s32 v19, v12;
	v60 =	vadd.s32 v12, v18;
	v59 =	vsel vm12, v58, v11;
	[tilespmem:$0x21B0] =	vst v57  }
0x6f: {  	vm14 =	vgt.s32 v19, v14;
	v62 =	vadd.s32 v14, v18;
	v61 =	vsel vm13, v60, v13;
	[tilespmem:$0x21C0] =	vst v59  }
0x70: {  	vm15 =	vgt.s32 v19, v16;
	v18 =	vadd.s32 v16, v18;
	v63 =	vsel vm14, v62, v15;
	[tilespmem:$0x21D0] =	vst v61  }
0x71: {  	v18 =	vsel vm15, v18, v17;
	[tilespmem:$0x21E0] =	vst v63  }
0x72: {  	[tilespmem:$0x21F0] =	vst v18  }
0x73: {  	[hbm4b:s3+s13] =	stream.indirect.scatter [tilespmem:s15], [sflag:$0x1], $0x1, s14, s13, $0xb8;
	[tilespmem:$0x2280] =	vst v63  }
0x74: {  	s17 =	sadd.s32 $0x1, s17;
	_ =	swait.ge [sflag:s16], $0x80  }
0x75: {  	p0 =	sne.s32 s17, s8;
	[sflag:s16] =	ssyncset.done $0x0  }
.Ltmp2:
0x76: {  	[sflag:s16] =	ssyncadd.s32 $0xFFFFFF80;
	(pc) =	sbr.rel @p0 .LBB2_1-.Ltmp2, $4  }
0x77: {  	[hbm4b:s7+s4] =	stream.linear.scatter [tilespmem:s12], [sflag:$0x2], $0x80, $0x38;
	[tilespmem:$0x2280] =	vst v63  }
0x78: {  	_ =	swait.ge [sflag:s11], $0x80  }
0x79: {  	[sflag:s11] =	ssyncset.done $0x0  }
0x7a: {  	[sflag:s11] =	ssyncadd.s32 $0xFFFFFF80  }
0x7b: {  	_ =	sfence.sel $0x180000  }
0x7c: {  	[bflag:$0x0] =	sbarrier.arrive $0xFFFF  }
0x7d: {  	p0 =	sne.s32 s0, $0x0;
	_ =	strace $0x90000056  }
0x7e: {  	s0 =	sadd.s32 @!p0 $0x100000, s2;
	[bflag:$0x2] =	sbarrier.arrive $0xFFFF  }
0x7f: {  	[sflag:s0] =	ssyncadd.tile.s32 @!p0 $0x1;
	_ =	shalt  }
.Lfunc_end2:
_tile_overlayer_lowered:
.L_overlay_start_2:
0x80: {  	(tag) =	ssettag $0x2  }
0x81: {  	s0 =	rddreg [dreg:$0x0];
	s2 =	stileid.u32  }
0x82: {  	s1 =	rddreg [dreg:$0x1];
	p0 =	sne.s32 s2, $0x0  }
0x83: {  	s3 =	rddreg [dreg:$0x2];
	[bflag:$0x3] =	sbarrier.arrive $0xFFFF;
	s2 =	simm.s32 @!p0 $0x1C02  }
0x84: {  	[timem:s3], [sflag:s2] =	dma.local @!p0 [hbm:s0], s1  }
0x85: {  	s0 =	simm.s32 @!p0 $0x2  }
0x86: {  	_ =	swait.ge @!p0 [sflag:s0], s1  }
0x87: {  	s1 =	ssub.s32 @!p0 $0x0, s1;
	[sflag:s0] =	ssyncset.done @!p0 $0x0  }
0x88: {  	[sflag:s0] =	ssyncadd.s32 @!p0 s1  }
0x89: {  	[bflag:$0x3] =	sbarrier.arrive $0xFFFF  }
0x8a: {  	_ =	shalt  }

// kernel: kernel.7.cloned.1.call-start
scs
__scs_entry_jumppad:
0x0: {  	(pc) =	sbr.rel $0x88, $3  }
0x1: {  	(tag) =	ssettag $0x0;
	lr =	simm.s32 $0x1  }
0x2: {  	[smem:$0x3F9E] =	sst lr;
	_ =	strace $0xD0000000  }
0x3: {  	_ = 	snop  }
0x4: {  	_ = 	snop  }
0x5: {  	_ = 	snop  }
0x6: {  	_ = 	snop  }
0x7: {  	_ = 	snop  }
__scs_overlays_trampoline_lowered:
0x8: {  	[smem:$0x3FAD] =	sst s0  }
0x9: {  	[smem:$0x3FAE] =	sst s1  }
0xa: {  	[smem:$0x3FAF] =	sst s2  }
0xb: {  	[smem:$0x3FB0] =	sst s3  }
0xc: {  	[smem:$0x3FB1] =	sst s4  }
0xd: {  	[smem:$0x3FB2] =	sst s5  }
0xe: {  	[smem:$0x3FB3] =	sst s6  }
0xf: {  	[smem:$0x3FB4] =	sst s7  }
0x10: {  	[smem:$0x3FB5] =	sst s8  }
0x11: {  	[smem:$0x3FB6] =	sst s9;
	s0 =	simm.s32 @!p0 $0x0  }
0x12: {  	s1 =	sld [smem:$0x3F9C];
	s0 =	simm.s32 @p0 $0x1  }
0x13: {  	[smem:$0x3FB7] =	sst s0;
	s0 =	simm.s32 @!p1 $0x0  }
0x14: {  	s2 =	sld [smem:$0x3F9B];
	s0 =	simm.s32 @p1 $0x1  }
0x15: {  	[smem:$0x3FB8] =	sst s0;
	s0 =	simm.s32 @!p2 $0x0  }
0x16: {  	s3 =	sld [smem:$0x3FDB];
	s0 =	simm.s32 @p2 $0x1  }
0x17: {  	s4 =	simm.s32 $0x1BF5;
	[smem:$0x3FBA] =	sst s0  }
0x18: {  	s0 =	sld [smem:$0x3F9D];
	_ =	swait.ge [sflag:s4], $0x0  }
0x19: {  	s7 =	sld [smem:$0x3F9E]  }
0x1a: {  	s8 =	sadd.s32 $0xFFFFE003, lr  }
0x1b: {  	s9 =	sadd.s32 $0xFFFFFEF7, lr;
	s5 =	simm.s32 $0xFFFFFFFF;
	p2 =	slt.u32 s8, $0xFFFFF086  }
0x1c: {  	p1 =	slt.u32 s9, $0xF7A;
	s5 =	simm.s32 @!p2 $0x0  }
0x1d: {  	s5 =	simm.s32 @p1 $0x1;
	p0 =	seq.s32 s7, s2  }
0x1e: {  	s7 =	smul.u32 @!p0 $0xF7A, s2;
	p2 =	seq.s32 @!p0 s5, $0x0  }
0x1f: {  	s9 =	smul.u32 $0xF7A, s1;
	s8 =	simm.s32 @!p0 $0x1BF5;
	p2 =	por !p2, p0  }
0x20: {  	[sflag:s8] =	ssyncset.s32 @!p0 $0xFFFFF086;
	s6 =	sadd.s32 @!p0 s3, s7;
	s7 =	simm.s32 @!p0 $0x108  }
0x21: {  	s3 =	sadd.s32 s3, s9;
	s6 =	sadd.s32 @!p0 $0x88, s6;
	s7 =	simm.s32 @p2 $0x1082  }
0x22: {  	[simem:s7], [sflag:s8] =	dma.local @!p0 [hbm:s6], $0xF7A  }
0x23: {  	s9 =	sor.u32 $0xD0000000, s2;
	s6 =	simm.s32 $0x108;
	_ =	swait.ge @!p0 [sflag:s8], $0x0  }
0x24: {  	s3 =	sadd.s32 $0x88, s3;
	s6 =	simm.s32 @!p1 $0x1082;
	[sflag:s4] =	ssyncset.s32 $0xFFFFF086  }
0x25: {  	[simem:s6], [sflag:s4] =	dma.local [hbm:s3], $0xF7A  }
0x26: {  	[smem:$0x3F9E] =	sst s1;
	(tag) =	ssettag s2;
	_ =	strace s9  }
0x27: {  	s1 =	sld [smem:$0x3FAE]  }
0x28: {  	s2 =	sld [smem:$0x3FAF]  }
0x29: {  	s4 =	sld [smem:$0x3FB1]  }
0x2a: {  	p0 =	seq.s32 s5, $0x0;
	s5 =	sld [smem:$0x3FB2]  }
0x2b: {  	s6 =	sld [smem:$0x3FB3]  }
0x2c: {  	s7 =	sld [smem:$0x3FB4]  }
0x2d: {  	s3 =	simm.s32 $0x108;
	s8 =	sld [smem:$0x3FB5]  }
0x2e: {  	s3 =	simm.s32 @!p0 $0x1082;
	s9 =	sld [smem:$0x3FB6]  }
0x2f: {  	lr =	sadd.s32 s0, s3;
	s0 =	sld [smem:$0x3FAD]  }
0x30: {  	s3 =	sld [smem:$0x3FB0]  }
0x31: {  	[smem:$0x3FB9] =	sst s10  }
0x32: {  	s10 =	sld [smem:$0x3FB7];
	_ =	sdelay $0x3  }
0x33: {  	p0 =	seq.s32 s10, $0x1;
	s10 =	sld [smem:$0x3FB9];
	_ =	sdelay $0x3  }
0x34: {  	[smem:$0x3FB9] =	sst s10  }
0x35: {  	s10 =	sld [smem:$0x3FB8];
	_ =	sdelay $0x3  }
0x36: {  	p1 =	seq.s32 s10, $0x1;
	s10 =	sld [smem:$0x3FB9];
	_ =	sdelay $0x3  }
0x37: {  	[smem:$0x3FB9] =	sst s10  }
0x38: {  	s10 =	sld [smem:$0x3FBA]  }
0x39: {  	_ = 	snop;
	(pc) =	sbr.ind lr, $3  }
0x3a: {  	_ = 	snop  }
0x3b: {  	_ = 	snop  }
0x3c: {  	p2 =	seq.s32 s10, $0x1;
	s10 =	sld [smem:$0x3FB9]  }
0x3d: {  	_ =	shalt  }
0x3e: {  	_ =	shalt  }
0x3f: {  	_ =	shalt  }
0x40: {  	_ =	shalt  }
0x41: {  	_ =	shalt  }
0x42: {  	_ =	shalt  }
0x43: {  	_ =	shalt  }
0x44: {  	_ =	shalt  }
0x45: {  	_ =	shalt  }
0x46: {  	_ =	shalt  }
0x47: {  	_ =	shalt  }
0x48: {  	_ =	shalt  }
0x49: {  	_ =	shalt  }
0x4a: {  	_ =	shalt  }
0x4b: {  	_ =	shalt  }
0x4c: {  	_ =	shalt  }
0x4d: {  	_ =	shalt  }
0x4e: {  	_ =	shalt  }
0x4f: {  	_ =	shalt  }
0x50: {  	_ =	shalt  }
0x51: {  	_ =	shalt  }
0x52: {  	_ =	shalt  }
0x53: {  	_ =	shalt  }
0x54: {  	_ =	shalt  }
0x55: {  	_ =	shalt  }
0x56: {  	_ =	shalt  }
0x57: {  	_ =	shalt  }
0x58: {  	_ =	shalt  }
0x59: {  	_ =	shalt  }
0x5a: {  	_ =	shalt  }
0x5b: {  	_ =	shalt  }
0x5c: {  	_ =	shalt  }
0x5d: {  	_ =	shalt  }
0x5e: {  	_ =	shalt  }
0x5f: {  	_ =	shalt  }
0x60: {  	_ =	shalt  }
0x61: {  	_ =	shalt  }
0x62: {  	_ =	shalt  }
0x63: {  	_ =	shalt  }
0x64: {  	_ =	shalt  }
0x65: {  	_ =	shalt  }
0x66: {  	_ =	shalt  }
0x67: {  	_ =	shalt  }
0x68: {  	_ =	shalt  }
0x69: {  	_ =	shalt  }
0x6a: {  	_ =	shalt  }
0x6b: {  	_ =	shalt  }
0x6c: {  	_ =	shalt  }
0x6d: {  	_ =	shalt  }
0x6e: {  	_ =	shalt  }
0x6f: {  	_ =	shalt  }
0x70: {  	_ =	shalt  }
0x71: {  	_ =	shalt  }
0x72: {  	_ =	shalt  }
0x73: {  	_ =	shalt  }
0x74: {  	_ =	shalt  }
0x75: {  	_ =	shalt  }
0x76: {  	_ =	shalt  }
0x77: {  	_ =	shalt  }
0x78: {  	_ =	shalt  }
0x79: {  	_ =	shalt  }
0x7a: {  	_ =	shalt  }
0x7b: {  	_ =	shalt  }
0x7c: {  	_ =	shalt  }
0x7d: {  	_ =	shalt  }
0x7e: {  	_ =	shalt  }
0x7f: {  	_ =	shalt  }
0x80: {  	_ =	shalt  }
0x81: {  	_ =	shalt  }
0x82: {  	_ =	shalt  }
0x83: {  	_ =	shalt  }
0x84: {  	_ =	shalt  }
0x85: {  	_ =	shalt  }
0x86: {  	_ =	shalt  }
0x87: {  	_ =	shalt  }
.Lfunc_end0:
.L_simem_size_0:
called_computation.2_lowered:
.L_overlay_start_0:
0x88: {  	s2 =	sld [smem:$0x3FD9]  }
0x89: {  	s3 =	sld [smem:$0x3FFE];
	_ =	sdelay $0x1  }
0x8a: {  	s1 =	srdreg.scid  }
0x8b: {  	s0 =	sand.u32 $0x1, s1  }
0x8c: {  	s14 =	sshll.u32 s0, $0xA;
	s2 =	sadd.s32 s3, s2  }
0x8d: {  	s2 =	sadd.s32 s2, s14  }
0x8e: {  	[smem:$0x3FC5] =	sst s2  }
0x8f: {  	_ = 	snop  }
0x90: {  	s2 =	sld [smem:$0x3FD0];
	_ =	sdelay $0x2  }
0x91: {  	s15 =	simm.s32 $0xB;
	s4 =	simm.s32 $0x10  }
0x92: {  	[smem:s4], [sflag:s15] =	dma.local [hbm:s2], $0x1  }
0x93: {  	_ =	swait.eq [sflag:s15], $0x1  }
0x94: {  	[sflag:s15] =	ssyncset.done $0x0  }
0x95: {  	[sflag:s15] =	ssyncadd.s32 $0xFFFFFFFF  }
0x96: {  	s16 =	sld [smem:$0x10];
	(tm) =	ssettm $0x1  }
0x97: {  	s17 =	sld [smem:$0x3FFB];
	_ =	sdelay $0x3  }
0x98: {  	_ =	strace s17  }
0x99: {  	s3 =	sld [smem:$0x3FFC];
	_ =	sdelay $0x3  }
0x9a: {  	_ =	strace s3  }
0x9b: {  	s3 =	sld [smem:$0x3FFD];
	_ =	sdelay $0x3  }
0x9c: {  	_ =	strace s3  }
0x9d: {  	_ =	strace $0x8FFFFFFF  }
0x9e: {  	s18 =	sld [smem:$0x3FDB];
	_ =	sdelay $0x1  }
0x9f: {  	s19 =	simm.s32 $_scs_section_size  }
0xa0: {  	s5 =	simm.s32 $_size__tile_overlayer_lowered;
	s6 =	simm.s32 $_tile_overlayer_lowered  }
0xa1: {  	s22 =	simm.s32 $0x1BFF;
	s21 =	sshll.u32 s6, $0x1;
	s3 =	sadd.s32 s19, s18  }
0xa2: {  	s7 =	simm.s32 $0x0;
	s20 =	sshll.u32 s5, $0x1;
	s5 =	sadd.s32 s21, s3  }
0xa3: {  	[timem:s7], [sflag:s22] =	dma.local [hbm:s5], s20  }
0xa4: {  	_ =	swait.ge [sflag:s22], s20  }
0xa5: {  	s4 =	ssub.s32 $0x0, s20;
	[sflag:s22] =	ssyncset.done $0x0  }
0xa6: {  	[sflag:s22] =	ssyncadd.s32 s4;
	_ =	sdelay $0x1  }
0xa7: {  	s23 =	simm.s32 $0x1B8B  }
0xa8: {  	_ =	swait.ge [sflag:s23], $0x1  }
0xa9: {  	[sflag:s23] =	ssyncset.done $0x0  }
0xaa: {  	s25 =	simm.s32 $0x1B8E;
	s24 =	sld [smem:$0x3FFE];
	[sflag:s23] =	ssyncadd.s32 $0xFFFFFFFF  }
0xab: {  	s26 =	simm.s32 $execute0_lowered;
	[smem:$0x3FD2] =	sst s25  }
0xac: {  	s5 =	sshll.u32 s26, $0x1;
	_ =	strace $0x8000004C;
	[dreg:$0x1] =	wrdreg $0xFFFFFFFF  }
0xad: {  	s28 =	simm.s32 $_size_execute0_lowered;
	s3 =	sadd.s32 s3, s5;
	[dreg:$0x0] =	wrdreg $0x0  }
0xae: {  	s5 =	sshll.u32 s28, $0x1;
	[dreg:$0x2] =	wrdreg s3  }
0xaf: {  	[dreg:$0x3] =	wrdreg s5  }
0xb0: {  	[dreg:$0x4] =	wrdreg $0xC0  }
0xb1: {  	_ =	task [dreg:s7], $0x5FFFF  }
0xb2: {  	[dreg:$0x1] =	wrdreg $0xFFFFFFFF  }
0xb3: {  	[dreg:$0x0] =	wrdreg $0x60  }
0xb4: {  	[dreg:$0x2] =	wrdreg s24  }
0xb5: {  	[dreg:$0x3] =	wrdreg s16  }
0xb6: {  	[dreg:$0x4] =	wrdreg $0x9  }
0xb7: {  	_ =	task.clear_ibuf [dreg:s7], $0x5FFFF;
	_ =	strace $0x9000004C  }
0xb8: {  	s29 =	simm.s32 $0x9;
	_ =	strace $0x8000004E  }
0xb9: {  	_ =	swait.ge [sflag:s29], $0x1  }
0xba: {  	[sflag:s29] =	ssyncadd.s32 $0xFFFFFFFF  }
0xbb: {  	_ =	strace $0x9000004E  }
0xbc: {  	_ =	sfence  }
0xbd: {  	s30 =	sld [smem:$0x0];
	_ =	sdelay $0x2  }
0xbe: {  	s31 =	sshll.u32 s1, $0xD;
	s1 =	sshrl.u32 s1, $0x2  }
0xbf: {  	s3 =	sand.u32 $0x4000, s31;
	s1 =	sadd.s32 s1, s30  }
0xc0: {  	s0 =	sor.u32 s3, s0;
	s1 =	sshll.u32 s1, $0x11  }
0xc1: {  	s0 =	sor.u32 s1, s0  }
0xc2: {  	s0 =	sadd.s32 $0x8F2B, s0  }
0xc3: {  	[sflag:s0] =	ssyncadd.remote.s32 $0x1  }
0xc4: {  	_ =	sfence.sel $0xFFFF  }
0xc5: {  	[dreg:$0x0] =	wrdreg $0xFFFFFFFF;
	(pc) =	sbr.abs _section_cstart, $3  }
0xc6: {  	[dreg:$0x1] =	wrdreg $0xFFFFFFFF  }
0xc7: {  	_ =	task.clear_ibuf [dreg:s7], $0x2FFFF;
	_ =	strace $0x9FFFFFFF  }
0xc8: {  	(tm) =	ssettm $0x7FFFFFFF  }
0xc9: {  	_ =	shalt  }
tec
execute0_lowered:
.L_overlay_start_1:
0x0: {  	(tag) =	ssettag $0x1  }
0x1: {  	s1 =	rddreg [dreg:$0x0]  }
0x2: {  	s2 =	rddreg [dreg:$0x1]  }
0x3: {  	s0 =	rddreg [dreg:$0x2];
	s4 =	simm.s32 $0x0;
	s3 =	stileid.u32  }
0x4: {  	s6 =	srdreg.scid;
	s13 =	simm.s32 $0x2000;
	s14 =	simm.s32 $0x6000  }
0x5: {  	s15 =	simm.s32 $0x1;
	s16 =	simm.s32 $0xC000;
	s17 =	simm.s32 $0x8000  }
0x6: {  	s18 =	simm.s32 $0x2;
	s19 =	simm.s32 $0xA000;
	s20 =	simm.s32 $0x3  }
0x7: {  	s21 =	simm.s32 $0x80;
	s22 =	simm.s32 $0x400;
	s23 =	simm.s32 $0x4  }
0x8: {  	s24 =	simm.s32 $0x0;
	[smem:$0x7FF] =	sst s4;
	s5 =	sadd.s32 $0x400000, s1  }
0x9: {  	s7 =	sshll.u32 s3, $0xE;
	s6 =	sand.u32 $0x1, s6;
	s9 =	sshll.u32 s3, $0x1  }
0xa: {  	_ =	strace $0x8000004D;
	s7 =	sand.u32 $0x30000, s7;
	s8 =	ssub.s32 $0x2, s6  }
0xb: {  	s6 =	sor.u32 s6, s9;
	s10 =	sadd.s32 s7, s1;
	s30 =	sshrl.u32 s8, $0x1  }
0xc: {  	s31 =	sshll.u32 s6, $0x11;
	s9 =	sshll.u32 s6, $0x4;
	s6 =	sshll.u32 s6, $0x14  }
0xd: {  	s11 =	ssub.s32 s8, s30;
	s7 =	sadd.s32 s1, s31;
	s12 =	sand.u32 $0x70, s9  }
0xe: {  	v1 =	vlaneseq.u32;
	s8 =	sadd.s32 s5, s31;
	s9 =	sor.u32 $0x4000, s6;
	s10 =	sadd.s32 s12, s10  }
0xf: {  	v0 =	vimm.s32 $0x0;
	v2 =	vimm.s32 $0x1;
	v1 =	vor.u32 $0x8000, v1;
	s11 =	smax.u32 s11, $0x1;
	s12 =	simm.s32 $0x4000;
	s10 =	sadd.s32 $0x800000, s10  }
.LBB2_1:
0x10: {  	s25 =	simm.s32 $0x40;
	s26 =	simm.s32 $0x0  }
.LBB2_2:
0x11: {  	p0 =	sne.s32 s25, $0x3FFC0;
	[tilespmem:s26+$0xC000] =	vst v0;
	s26 =	smov.u32 s25;
	s25 =	sadd.s32 $0x40, s25  }
.Ltmp0:
0x12: {  	(pc) =	sbr.rel @p0 .LBB2_2-.Ltmp0, $2  }
0x13: {  	_ =	sdelay $0x2  }
0x14: {  	s26 =	sshra.s32 s26, $0x2  }
0x15: {  	[tilespmem:s26+$0xC000] =	vst v0;
	s25 =	simm.s32 $0x0  }
0x16: {  	[tilespmem:s25], [sflag:$0x1] =	stream.linear.gather [hbm4b:s7+s25], $0x2000, $0x38;
	[tilespmem:$0x1C000] =	vst v63  }
0x17: {  	_ = 	snop  }
0x18: {  	[tilespmem:s12], [sflag:$0x1] =	stream.linear.gather [hbm4b:s8+s25], $0x2000, $0x38;
	[tilespmem:$0x1C000] =	vst v63  }
.LBB2_4:
0x19: {  	s28 =	sshll.u32 s25, $0xE  }
0x1a: {  	s26 =	sor.u32 s28, s6  }
0x1b: {  	s29 =	sshrl.u32 s26, $0x3  }
0x1c: {  	s26 =	sor.u32 $0x400, s29  }
0x1d: {  	s30 =	sadd.s32 s1, s26  }
0x1e: {  	[tilespmem:s13], [sflag:$0x2] =	stream.linear.gather [hbm4b:s30+s4], $0x2000, $0x38;
	[tilespmem:$0x1C000] =	vst v63  }
0x1f: {  	s30 =	sadd.s32 s5, s26  }
0x20: {  	[tilespmem:s14], [sflag:$0x2] =	stream.linear.gather [hbm4b:s30+s4], $0x2000, $0x38;
	[tilespmem:$0x1C000] =	vst v63  }
0x21: {  	_ =	swait.ge [sflag:s15], $0x2000  }
0x22: {  	[sflag:s15] =	ssyncset.done $0x0  }
0x23: {  	[sflag:s15] =	ssyncadd.s32 $0xFFFFE000  }
0x24: {  	_ =	swait.ge [sflag:s15], $0x2000  }
0x25: {  	p0 =	seq.s32 s25, $0x0;
	[sflag:s15] =	ssyncset.done $0x0  }
0x26: {  	s30 =	simm.s32 @!p0 $0x3;
	[sflag:s15] =	ssyncadd.s32 $0xFFFFE000  }
0x27: {  	_ =	swait.ge @!p0 [sflag:s30], $0x2000  }
0x28: {  	[sflag:s30] =	ssyncset.done @!p0 $0x0  }
0x29: {  	[sflag:s30] =	ssyncadd.s32 @!p0 $0xFFFFE000;
	s30 =	simm.s32 $0x0  }
0x2a: {  	s31 =	simm.s32 $0x40;
	v3 =	vld [tilespmem:s30+$0x4000]  }
.LBB2_5:
0x2b: {  	p1 =	sne.s32 s31, $0x7FC0;
	v4 =	vld [tilespmem:s30+$0x0];
	_ =	sdelay $0x4  }
0x2c: {  	v3 =	vsub.f32 v4, v3;
	_ =	sdelay $0x1  }
0x2d: {  	v4 =	vsub.s32 $0x80000000, v3;
	vm0 =	vlt.s32 v3, $0x0  }
0x2e: {  	v3 =	vsel vm0, v4, v3  }
0x2f: {  	v4 =	vshrl.u32 v3, $0x10  }
0x30: {  	v4 =	vand.u32 $0xFFF0, v4  }
0x31: {  	v4 =	vxor.u32 v1, v4;
	_ =	sdelay $0x1  }
.Ltmp1:
0x32: {  	(pc) =	sbr.rel @p1 .LBB2_5-.Ltmp1, $4  }
0x33: {  	_ = 	snop  }
0x34: {  	[tilespmem:s30+$0x8000] =	vst v3  }
0x35: {  	s30 =	sshra.s32 s31, $0x2;
	[tilespmem:v4+s16+$0x0] =	vst.idx.add.s32.msk $0xffff, v2  }
0x36: {  	s31 =	sadd.s32 $0x40, s31;
	v3 =	vld [tilespmem:s30+$0x4000]  }
0x37: {  	v4 =	vld [tilespmem:s30+$0x0];
	_ =	sdelay $0x4  }
0x38: {  	v3 =	vsub.f32 v4, v3;
	_ =	sdelay $0x1  }
0x39: {  	v4 =	vsub.s32 $0x80000000, v3;
	vm0 =	vlt.s32 v3, $0x0  }
0x3a: {  	v3 =	vsel vm0, v4, v3  }
0x3b: {  	v4 =	vshrl.u32 v3, $0x10  }
0x3c: {  	v4 =	vand.u32 $0xFFF0, v4  }
0x3d: {  	v4 =	vxor.u32 v1, v4;
	_ =	sdelay $0x2  }
0x3e: {  	p1 =	seq.s32 s25, $0x3F  }
0x3f: {  	s28 =	sadd.s32 @!p1 s28, s9;
	[tilespmem:s30+$0x8000] =	vst v3  }
0x40: {  	s29 =	sadd.s32 s2, s29;
	s28 =	sshrl.u32 @!p1 s28, $0x3;
	[tilespmem:v4+s16+$0x0] =	vst.idx.add.s32.msk $0xffff, v2  }
0x41: {  	[hbm4b:s29+s4] =	stream.linear.scatter [tilespmem:s17], [sflag:$0x3], $0x2000, $0x38;
	[tilespmem:$0x1C000] =	vst v63  }
0x42: {  	s30 =	simm.s32 @!p1 $0x0;
	s29 =	sadd.s32 @!p1 s1, s28  }
0x43: {  	[tilespmem:s30], [sflag:$0x1] =	stream.linear.gather @!p1 [hbm4b:s29+s30], $0x2000, $0x38;
	[tilespmem:$0x1C000] =	vst v63  }
0x44: {  	s28 =	sadd.s32 @!p1 s5, s28;
	s29 =	simm.s32 @!p1 $0x4000  }
0x45: {  	[tilespmem:s29], [sflag:$0x1] =	stream.linear.gather @!p1 [hbm4b:s28+s30], $0x2000, $0x38;
	[tilespmem:$0x1C000] =	vst v63  }
0x46: {  	_ =	swait.ge [sflag:s18], $0x2000  }
0x47: {  	[sflag:s18] =	ssyncset.done $0x0  }
0x48: {  	[sflag:s18] =	ssyncadd.s32 $0xFFFFE000  }
0x49: {  	_ =	swait.ge [sflag:s18], $0x2000  }
0x4a: {  	[sflag:s18] =	ssyncset.done $0x0  }
0x4b: {  	s28 =	simm.s32 @!p0 $0x3;
	[sflag:s18] =	ssyncadd.s32 $0xFFFFE000  }
0x4c: {  	_ =	swait.ge @!p0 [sflag:s28], $0x2000  }
0x4d: {  	[sflag:s28] =	ssyncset.done @!p0 $0x0  }
0x4e: {  	[sflag:s28] =	ssyncadd.s32 @!p0 $0xFFFFE000;
	s28 =	simm.s32 $0x0  }
0x4f: {  	s29 =	simm.s32 $0x40;
	v3 =	vld [tilespmem:s28+$0x6000]  }
.LBB2_7:
0x50: {  	p0 =	sne.s32 s29, $0x7FC0;
	v4 =	vld [tilespmem:s28+$0x2000];
	_ =	sdelay $0x4  }
0x51: {  	v3 =	vsub.f32 v4, v3;
	_ =	sdelay $0x1  }
0x52: {  	v4 =	vsub.s32 $0x80000000, v3;
	vm0 =	vlt.s32 v3, $0x0  }
0x53: {  	v3 =	vsel vm0, v4, v3  }
0x54: {  	v4 =	vshrl.u32 v3, $0x10  }
0x55: {  	v4 =	vand.u32 $0xFFF0, v4  }
0x56: {  	v4 =	vxor.u32 v1, v4;
	_ =	sdelay $0x1  }
.Ltmp2:
0x57: {  	(pc) =	sbr.rel @p0 .LBB2_7-.Ltmp2, $4  }
0x58: {  	_ = 	snop  }
0x59: {  	[tilespmem:s28+$0xA000] =	vst v3  }
0x5a: {  	s28 =	sshra.s32 s29, $0x2;
	[tilespmem:v4+s16+$0x0] =	vst.idx.add.s32.msk $0xffff, v2  }
0x5b: {  	s29 =	sadd.s32 $0x40, s29;
	v3 =	vld [tilespmem:s28+$0x6000]  }
0x5c: {  	v4 =	vld [tilespmem:s28+$0x2000];
	_ =	sdelay $0x4  }
0x5d: {  	v3 =	vsub.f32 v4, v3;
	_ =	sdelay $0x1  }
0x5e: {  	v4 =	vsub.s32 $0x80000000, v3;
	vm0 =	vlt.s32 v3, $0x0  }
0x5f: {  	v3 =	vsel vm0, v4, v3  }
0x60: {  	v4 =	vshrl.u32 v3, $0x10  }
0x61: {  	v4 =	vand.u32 $0xFFF0, v4  }
0x62: {  	s25 =	sadd.s32 $0x1, s25;
	v4 =	vxor.u32 v1, v4  }
0x63: {  	p0 =	sne.s32 s25, $0x40  }
.Ltmp3:
0x64: {  	_ = 	snop;
	(pc) =	sbr.rel @p0 .LBB2_4-.Ltmp3, $4  }
0x65: {  	_ = 	snop  }
0x66: {  	[tilespmem:s28+$0xA000] =	vst v3  }
0x67: {  	s26 =	sadd.s32 s2, s26;
	[tilespmem:v4+s16+$0x0] =	vst.idx.add.s32.msk $0xffff, v2  }
0x68: {  	[hbm4b:s26+s4] =	stream.linear.scatter [tilespmem:s19], [sflag:$0x3], $0x2000, $0x38;
	[tilespmem:$0x1C000] =	vst v63  }
0x69: {  	_ =	swait.ge [sflag:s20], $0x2000  }
0x6a: {  	[sflag:s20] =	ssyncset.done $0x0  }
0x6b: {  	[sflag:s20] =	ssyncadd.s32 $0xFFFFE000  }
0x6c: {  	s24 =	sadd.s32 $0x1, s24;
	_ =	swait.ge [sflag:s20], $0x2000  }
0x6d: {  	p0 =	sne.s32 s24, s11;
	[sflag:s20] =	ssyncset.done $0x0  }
.Ltmp4:
0x6e: {  	[sflag:s20] =	ssyncadd.s32 $0xFFFFE000;
	(pc) =	sbr.rel @p0 .LBB2_1-.Ltmp4, $4  }
0x6f: {  	[hbm4b:s10+s21] =	stream.strided.scatter [tilespmem:s16], [sflag:$0x4], $0x10000, s22, s21, $0x38;
	[tilespmem:$0x1C000] =	vst v63  }
0x70: {  	_ =	swait.ge [sflag:s23], $0x10000  }
0x71: {  	[sflag:s23] =	ssyncset.done $0x0  }
0x72: {  	[sflag:s23] =	ssyncadd.s32 $0xFFFF0000  }
0x73: {  	_ =	sfence.sel $0x180000  }
0x74: {  	[bflag:$0x0] =	sbarrier.arrive $0xFFFF  }
0x75: {  	p0 =	sne.s32 s3, $0x0;
	_ =	strace $0x9000004D  }
0x76: {  	s0 =	sadd.s32 @!p0 $0x100000, s0;
	[bflag:$0x2] =	sbarrier.arrive $0xFFFF  }
0x77: {  	[sflag:s0] =	ssyncadd.tile.s32 @!p0 $0x1;
	_ =	shalt  }
.Lfunc_end2:
_tile_overlayer_lowered:
.L_overlay_start_2:
0x78: {  	(tag) =	ssettag $0x2  }
0x79: {  	s0 =	rddreg [dreg:$0x0];
	s2 =	stileid.u32  }
0x7a: {  	s1 =	rddreg [dreg:$0x1];
	p0 =	sne.s32 s2, $0x0  }
0x7b: {  	s3 =	rddreg [dreg:$0x2];
	[bflag:$0x3] =	sbarrier.arrive $0xFFFF;
	s2 =	simm.s32 @!p0 $0x1C04  }
0x7c: {  	[timem:s3], [sflag:s2] =	dma.local @!p0 [hbm:s0], s1  }
0x7d: {  	s0 =	simm.s32 @!p0 $0x4  }
0x7e: {  	_ =	swait.ge @!p0 [sflag:s0], s1  }
0x7f: {  	s1 =	ssub.s32 @!p0 $0x0, s1;
	[sflag:s0] =	ssyncset.done @!p0 $0x0  }
0x80: {  	[sflag:s0] =	ssyncadd.s32 @!p0 s1  }
0x81: {  	[bflag:$0x3] =	sbarrier.arrive $0xFFFF  }
0x82: {  	_ =	shalt  }

// kernel: sparse-core-data-format-call.1.cloned.1.call-start
scs
called_computation.1_lowered:
.L_overlay_start_0:
0x0: {  	s2 =	sld [smem:$0x3FD9]  }
0x1: {  	s3 =	sld [smem:$0x3FFE];
	_ =	sdelay $0x1  }
0x2: {  	s1 =	srdreg.scid  }
0x3: {  	s0 =	sand.u32 $0x1, s1  }
0x4: {  	s18 =	sshll.u32 s0, $0xA;
	s2 =	sadd.s32 s3, s2  }
0x5: {  	s2 =	sadd.s32 s2, s18  }
0x6: {  	[smem:$0x3FC5] =	sst s2  }
0x7: {  	_ = 	snop  }
0x8: {  	s2 =	sld [smem:$0x3FC8];
	(tm) =	ssettm $0x1  }
0x9: {  	s19 =	sld [smem:$0x3FFB];
	_ =	sdelay $0x3  }
0xa: {  	_ =	strace s19  }
0xb: {  	s3 =	sld [smem:$0x3FFC];
	_ =	sdelay $0x3  }
0xc: {  	_ =	strace s3  }
0xd: {  	s3 =	sld [smem:$0x3FFD];
	_ =	sdelay $0x3  }
0xe: {  	_ =	strace s3  }
0xf: {  	_ =	strace $0x8FFFFFFF  }
0x10: {  	s20 =	sld [smem:$0x3FDB];
	_ =	sdelay $0x1  }
0x11: {  	s4 =	simm.s32 $_scs_section_size  }
0x12: {  	s5 =	simm.s32 $_size__tile_overlayer_lowered;
	s6 =	simm.s32 $_tile_overlayer_lowered  }
0x13: {  	s23 =	simm.s32 $0x1BFF;
	s22 =	sshll.u32 s6, $0x1;
	s3 =	sadd.s32 s4, s20  }
0x14: {  	s7 =	simm.s32 $0x0;
	s21 =	sshll.u32 s5, $0x1;
	s5 =	sadd.s32 s22, s3  }
0x15: {  	[timem:s7], [sflag:s23] =	dma.local [hbm:s5], s21  }
0x16: {  	_ =	swait.ge [sflag:s23], s21  }
0x17: {  	s4 =	ssub.s32 $0x0, s21;
	[sflag:s23] =	ssyncset.done $0x0  }
0x18: {  	[sflag:s23] =	ssyncadd.s32 s4;
	_ =	sdelay $0x1  }
0x19: {  	s24 =	simm.s32 $0x1B8B  }
0x1a: {  	_ =	swait.ge [sflag:s24], $0x1  }
0x1b: {  	[sflag:s24] =	ssyncset.done $0x0  }
0x1c: {  	s26 =	simm.s32 $0x1B8E;
	s25 =	sld [smem:$0x3FFE];
	[sflag:s24] =	ssyncadd.s32 $0xFFFFFFFF  }
0x1d: {  	s27 =	simm.s32 $execute0_lowered;
	[smem:$0x3FD2] =	sst s26  }
0x1e: {  	s5 =	sshll.u32 s27, $0x1;
	_ =	strace $0x80000046;
	[dreg:$0x1] =	wrdreg $0xFFFFFFFF  }
0x1f: {  	s28 =	simm.s32 $_size_execute0_lowered;
	s3 =	sadd.s32 s3, s5;
	[dreg:$0x0] =	wrdreg $0x0  }
0x20: {  	s5 =	sshll.u32 s28, $0x1;
	[dreg:$0x2] =	wrdreg s3  }
0x21: {  	[dreg:$0x3] =	wrdreg s5  }
0x22: {  	[dreg:$0x4] =	wrdreg $0xC0  }
0x23: {  	_ =	task [dreg:s7], $0x5FFFF  }
0x24: {  	[dreg:$0x1] =	wrdreg $0xFFFFFFFF  }
0x25: {  	[dreg:$0x0] =	wrdreg $0x60  }
0x26: {  	[dreg:$0x2] =	wrdreg s2  }
0x27: {  	[dreg:$0x3] =	wrdreg s25  }
0x28: {  	[dreg:$0x4] =	wrdreg $0xA  }
0x29: {  	_ =	task.clear_ibuf [dreg:s7], $0x5FFFF;
	_ =	strace $0x90000046  }
0x2a: {  	s29 =	simm.s32 $0xA;
	_ =	strace $0x80000048  }
0x2b: {  	_ =	swait.ge [sflag:s29], $0x1  }
0x2c: {  	[sflag:s29] =	ssyncadd.s32 $0xFFFFFFFF  }
0x2d: {  	_ =	strace $0x90000048  }
0x2e: {  	_ =	sfence  }
0x2f: {  	s30 =	sld [smem:$0x0];
	_ =	sdelay $0x2  }
0x30: {  	s31 =	sshll.u32 s1, $0xD;
	s1 =	sshrl.u32 s1, $0x2  }
0x31: {  	s3 =	sand.u32 $0x4000, s31;
	s1 =	sadd.s32 s1, s30  }
0x32: {  	s0 =	sor.u32 s3, s0;
	s1 =	sshll.u32 s1, $0x11  }
0x33: {  	s0 =	sor.u32 s1, s0  }
0x34: {  	s0 =	sadd.s32 $0x8F2B, s0  }
0x35: {  	[sflag:s0] =	ssyncadd.remote.s32 $0x1  }
0x36: {  	_ =	sfence.sel $0xFFFF  }
0x37: {  	[dreg:$0x0] =	wrdreg $0xFFFFFFFF;
	(pc) =	sbr.abs _section_cstart, $3  }
0x38: {  	[dreg:$0x1] =	wrdreg $0xFFFFFFFF  }
0x39: {  	_ =	task.clear_ibuf [dreg:s7], $0x2FFFF;
	_ =	strace $0x9FFFFFFF  }
0x3a: {  	(tm) =	ssettm $0x7FFFFFFF  }
0x3b: {  	_ =	shalt  }
tec
execute0_lowered:
.L_overlay_start_1:
0x0: {  	(tag) =	ssettag $0x1  }
0x1: {  	s2 =	rddreg [dreg:$0x0]  }
0x2: {  	s3 =	rddreg [dreg:$0x1]  }
0x3: {  	s0 =	rddreg [dreg:$0x2];
	_ =	strace $0x80000047  }
0x4: {  	s4 =	srdreg.scid;
	s1 =	stileid.u32;
	s6 =	simm.s32 $0x2  }
.Ltmp0:
0x5: {  	s11 =	simm.s32 $0x0;
	p0 =	por $0x0, $0x0;
	(pc) =	sbr.rel .LBB1_1-.Ltmp0, $4  }
0x6: {  	s7 =	simm.s32 $0x1000;
	s12 =	simm.s32 $0x0;
	s5 =	sshll.u32 s4, $0x4  }
0x7: {  	s9 =	simm.s32 $0x0;
	s4 =	simm.s32 $0x1;
	s5 =	sand.u32 $0x10, s5  }
0x8: {  	s8 =	simm.s32 $0x0;
	[sflag:s4] =	ssyncpa.u1 $0x0;
	s5 =	sor.u32 s1, s5  }
0x9: {  	[sflag:s6] =	ssyncpa.u1 $0x0;
	s6 =	simm.s32 $0x800;
	s10 =	smov.u32 s5  }
.LBB1_7:
0xa: {  	s13 =	sadd.s32 $0x10, s9  }
0xb: {  	s11 =	sadd.s32 $0x20, s10;
	s15 =	smov.u32 s10;
	p2 =	sgt.s32 s13, $0x1F  }
0xc: {  	p1 =	slt.u32 s8, $0x2;
	s15 =	smov.u32 @p2 s11  }
0xd: {  	s8 =	sadd.s32 $0x1, s8;
	s13 =	simm.s32 @p2 $0x0;
	p2 =	sgt.s32 s15, $0x3FF  }
0xe: {  	s15 =	smov.u32 @p2 s5;
	p2 =	sne.s32 s8, $0x42  }
.Ltmp1:
0xf: {  	_ = 	snop;
	(pc) =	sbr.rel @!p2 .LBB1_8-.Ltmp1, $4  }
0x10: {  	s14 =	simm.s32 @!p1 $0x2  }
0x11: {  	s12 =	smov.u32 s10;
	_ =	swait.ge @!p1 [sflag:s14], $0x4000  }
0x12: {  	p0 =	por !p0, !p0;
	s11 =	smov.u32 s9;
	[sflag:s14] =	ssyncset.done @!p1 $0x0  }
0x13: {  	s9 =	smov.u32 s13;
	[sflag:s14] =	ssyncadd.s32 @!p1 $0xFFFFC000;
	s10 =	smov.u32 s15  }
.LBB1_1:
0x14: {  	p1 =	sgt.u32 s8, $0x3F  }
0x15: {  	s13 =	sxor.u32 @!p1 $0xFFFFFFFF, s8;
	s14 =	sshll.u32 @!p1 s10, $0xC  }
0x16: {  	s15 =	sshll.u32 @!p1 s9, $0x7;
	s13 =	sshll.u32 @!p1 s13, $0xE;
	s14 =	sadd.s32 @!p1 s2, s14  }
0x17: {  	s13 =	sand.u32 @!p1 $0x4000, s13;
	s14 =	sadd.s32 @!p1 s15, s14;
	s15 =	simm.s32 @!p1 $0x0  }
0x18: {  	[tilespmem:s13], [sflag:$0x1] =	stream.linear.gather @!p1 [hbm4b:s14+s15], $0x4000, $0x38;
	[tilespmem:$0x10000] =	vst v63  }
0x19: {  	p1 =	seq.s32 s8, $0x0  }
0x1a: {  	p2 =	seq.s32 @!p1 s8, $0x41  }
0x1b: {  	p1 =	por p1, p2  }
.Ltmp2:
0x1c: {  	_ = 	snop;
	(pc) =	sbr.rel @p1 .LBB1_7-.Ltmp2, $1  }
0x1d: {  	_ =	sdelay $0x3  }
0x1e: {  	s13 =	simm.s32 $0x1;
	_ =	swait.ge [sflag:s4], $0x4000;
	s16 =	sshll.u32 s8, $0xE  }
0x1f: {  	s13 =	simm.s32 @!p0 $0x0;
	[sflag:s4] =	ssyncset.done $0x0;
	s31 =	sand.u32 $0x4000, s16  }
0x20: {  	s16 =	simm.s32 $0x0;
	s14 =	sshll.u32 s13, $0xE;
	[sflag:s4] =	ssyncadd.s32 $0xFFFFC000  }
0x21: {  	s13 =	sor.u32 $0x8040, s14;
	s15 =	sor.u32 $0x40, s14;
	s14 =	sor.u32 $0x8000, s31  }
.LBB1_3:
0x22: {  	v0 =	vmov s15;
	_ =	sdelay $0x3  }
0x23: {  	s18 =	simm.s32 $0x0  }
0x24: {  	v6 =	vld.idx.msk [tilespmem:v0+s18+$0x30 ss:$0x1], $0xffff  }
0x25: {  	v7 =	vld.idx.msk [tilespmem:v0+s18+$0xFFFFFFC0 ss:$0x1], $0xffff  }
0x26: {  	v5 =	vld.idx.msk [tilespmem:v0+s18+$0xFFFFFFD0 ss:$0x1], $0xffff  }
0x27: {  	v4 =	vld.idx.msk [tilespmem:v0+s18+$0xFFFFFFE0 ss:$0x1], $0xffff  }
0x28: {  	v3 =	vld.idx.msk [tilespmem:v0+s18+$0xFFFFFFF0 ss:$0x1], $0xffff  }
0x29: {  	v1 =	vld.idx.msk [tilespmem:v0+s18+$0x0 ss:$0x1], $0xffff  }
0x2a: {  	v2 =	vld.idx.msk [tilespmem:v0+s18+$0x10 ss:$0x1], $0xffff;
	[tilespmem:s13+$0x30] =	vst v6  }
0x2b: {  	s17 =	simm.s32 $0x80;
	s19 =	simm.s32 $0x400;
	[tilespmem:s13+$0xFFFFFFC0] =	vst v7;
	v6 =	vld.idx.msk [tilespmem:v0+s18+$0x20 ss:$0x1], $0xffff;
	s18 =	smov.u32 s13  }
.LBB1_4:
0x2c: {  	p1 =	sne.s32 s19, $0xE00;
	v7 =	vld.idx.msk [tilespmem:v0+s17+$0x30 ss:$0x1], $0xffff;
	[tilespmem:s18+$0xFFFFFFD0] =	vst v5  }
0x2d: {  	v8 =	vld.idx.msk [tilespmem:v0+s17+$0xFFFFFFC0 ss:$0x1], $0xffff;
	[tilespmem:s18+$0xFFFFFFE0] =	vst v4  }
0x2e: {  	v5 =	vld.idx.msk [tilespmem:v0+s17+$0xFFFFFFD0 ss:$0x1], $0xffff;
	[tilespmem:s18+$0xFFFFFFF0] =	vst v3  }
.Ltmp3:
0x2f: {  	v4 =	vld.idx.msk [tilespmem:v0+s17+$0xFFFFFFE0 ss:$0x1], $0xffff;
	[tilespmem:s18+$0x0] =	vst v1;
	(pc) =	sbr.rel @p1 .LBB1_4-.Ltmp3, $4  }
0x30: {  	v3 =	vld.idx.msk [tilespmem:v0+s17+$0xFFFFFFF0 ss:$0x1], $0xffff;
	[tilespmem:s18+$0x10] =	vst v2  }
0x31: {  	v1 =	vld.idx.msk [tilespmem:v0+s17+$0x0 ss:$0x1], $0xffff;
	[tilespmem:s18+$0x20] =	vst v6;
	s18 =	sadd.s32 $0x800, s18  }
0x32: {  	v2 =	vld.idx.msk [tilespmem:v0+s17+$0x10 ss:$0x1], $0xffff;
	[tilespmem:s18+$0x30] =	vst v7  }
0x33: {  	[tilespmem:s18+$0xFFFFFFC0] =	vst v8;
	v6 =	vld.idx.msk [tilespmem:v0+s17+$0x20 ss:$0x1], $0xffff;
	s17 =	sshra.s32 s19, $0x2;
	s19 =	sadd.s32 $0x200, s19  }
0x34: {  	_ =	sdelay $0x2  }
0x35: {  	[tilespmem:s18+$0xFFFFFFD0] =	vst v5  }
0x36: {  	v56 =	vld.idx.msk [tilespmem:v0+s17+$0x30 ss:$0x1], $0xffff;
	[tilespmem:s18+$0xFFFFFFE0] =	vst v4  }
0x37: {  	v57 =	vld.idx.msk [tilespmem:v0+s17+$0xFFFFFFC0 ss:$0x1], $0xffff;
	[tilespmem:s18+$0xFFFFFFF0] =	vst v3  }
0x38: {  	v58 =	vld.idx.msk [tilespmem:v0+s17+$0xFFFFFFD0 ss:$0x1], $0xffff;
	[tilespmem:s18+$0x0] =	vst v1  }
0x39: {  	v59 =	vld.idx.msk [tilespmem:v0+s17+$0xFFFFFFE0 ss:$0x1], $0xffff;
	[tilespmem:s18+$0x10] =	vst v2  }
0x3a: {  	v60 =	vld.idx.msk [tilespmem:v0+s17+$0xFFFFFFF0 ss:$0x1], $0xffff;
	s31 =	sadd.s32 $0x800, s18;
	[tilespmem:s18+$0x20] =	vst v6  }
0x3b: {  	v61 =	vld.idx.msk [tilespmem:v0+s17+$0x0 ss:$0x1], $0xffff;
	[tilespmem:s31+$0x30] =	vst v56  }
0x3c: {  	v62 =	vld.idx.msk [tilespmem:v0+s17+$0x10 ss:$0x1], $0xffff;
	s16 =	sadd.s32 $0x1, s16;
	[tilespmem:s31+$0xFFFFFFC0] =	vst v57  }
0x3d: {  	v63 =	vld.idx.msk [tilespmem:v0+s17+$0x20 ss:$0x1], $0xffff;
	p1 =	sne.s32 s16, $0x10;
	[tilespmem:s31+$0xFFFFFFD0] =	vst v58  }
.Ltmp4:
0x3e: {  	[tilespmem:s31+$0xFFFFFFE0] =	vst v59;
	(pc) =	sbr.rel @p1 .LBB1_3-.Ltmp4, $4  }
0x3f: {  	[tilespmem:s31+$0xFFFFFFF0] =	vst v60  }
0x40: {  	[tilespmem:s31+$0x0] =	vst v61  }
0x41: {  	[tilespmem:s31+$0x10] =	vst v62  }
0x42: {  	s13 =	sadd.s32 $0x80, s13;
	s15 =	sadd.s32 $0x400, s15;
	[tilespmem:s31+$0x20] =	vst v63  }
.Ltmp5:
0x43: {  	(pc) =	sbr.rel .LBB1_7-.Ltmp5, $4  }
0x44: {  	s12 =	sshll.u32 s12, $0xC;
	s11 =	sshll.u32 s11, $0x4  }
0x45: {  	s11 =	sand.u32 $0x1F0, s11;
	s12 =	sadd.s32 s3, s12  }
0x46: {  	s11 =	sadd.s32 s11, s12  }
0x47: {  	[hbm4b:s11+s6] =	stream.strided.scatter [tilespmem:s14], [sflag:$0x2], $0x4000, s7, s6, $0x38;
	[tilespmem:$0x10000] =	vst v63  }
.LBB1_8:
0x48: {  	_ =	sfence.sel $0x180000  }
0x49: {  	s2 =	simm.s32 $0x1;
	[bflag:$0x0] =	sbarrier.arrive $0xFFFF  }
0x4a: {  	s31 =	simm.s32 $0x2;
	[sflag:s2] =	ssyncpa.u1 $0x1  }
0x4b: {  	[sflag:s31] =	ssyncpa.u1 $0x1  }
0x4c: {  	p0 =	sne.s32 s1, $0x0;
	_ =	strace $0x90000047  }
0x4d: {  	s0 =	sadd.s32 @!p0 $0x100000, s0;
	[bflag:$0x2] =	sbarrier.arrive $0xFFFF  }
0x4e: {  	[sflag:s0] =	ssyncadd.tile.s32 @!p0 $0x1;
	_ =	shalt  }
.Lfunc_end1:
_tile_overlayer_lowered:
.L_overlay_start_2:
0x4f: {  	(tag) =	ssettag $0x2  }
0x50: {  	s0 =	rddreg [dreg:$0x0];
	s2 =	stileid.u32  }
0x51: {  	s1 =	rddreg [dreg:$0x1];
	p0 =	sne.s32 s2, $0x0  }
0x52: {  	s3 =	rddreg [dreg:$0x2];
	[bflag:$0x3] =	sbarrier.arrive $0xFFFF;
	s2 =	simm.s32 @!p0 $0x1C01  }
0x53: {  	[timem:s3], [sflag:s2] =	dma.local @!p0 [hbm:s0], s1  }
0x54: {  	s0 =	simm.s32 @!p0 $0x1  }
0x55: {  	_ =	swait.ge @!p0 [sflag:s0], s1  }
0x56: {  	s1 =	ssub.s32 @!p0 $0x0, s1;
	[sflag:s0] =	ssyncset.done @!p0 $0x0  }
0x57: {  	[sflag:s0] =	ssyncadd.s32 @!p0 s1  }
0x58: {  	[bflag:$0x3] =	sbarrier.arrive $0xFFFF  }
0x59: {  	_ =	shalt  }

// kernel: sparse-core-data-format-call.cloned.1.call-start
scs
called_computation_lowered:
.L_overlay_start_0:
0x0: {  	s2 =	sld [smem:$0x3FD9]  }
0x1: {  	s3 =	sld [smem:$0x3FFE];
	_ =	sdelay $0x1  }
0x2: {  	s1 =	srdreg.scid  }
0x3: {  	s0 =	sand.u32 $0x1, s1  }
0x4: {  	s18 =	sshll.u32 s0, $0xA;
	s2 =	sadd.s32 s3, s2  }
0x5: {  	s2 =	sadd.s32 s2, s18  }
0x6: {  	[smem:$0x3FC5] =	sst s2  }
0x7: {  	_ = 	snop  }
0x8: {  	s19 =	sld [smem:$0x3FC7];
	(tm) =	ssettm $0x1  }
0x9: {  	s20 =	sld [smem:$0x3FFB];
	_ =	sdelay $0x3  }
0xa: {  	_ =	strace s20  }
0xb: {  	s2 =	sld [smem:$0x3FFC];
	_ =	sdelay $0x3  }
0xc: {  	_ =	strace s2  }
0xd: {  	s2 =	sld [smem:$0x3FFD];
	_ =	sdelay $0x3  }
0xe: {  	_ =	strace s2  }
0xf: {  	_ =	strace $0x8FFFFFFF  }
0x10: {  	s21 =	sld [smem:$0x3FDB];
	_ =	sdelay $0x1  }
0x11: {  	s4 =	simm.s32 $_scs_section_size  }
0x12: {  	s5 =	simm.s32 $_size__tile_overlayer_lowered;
	s6 =	simm.s32 $_tile_overlayer_lowered  }
0x13: {  	s7 =	simm.s32 $0x1BFF;
	s22 =	sshll.u32 s6, $0x1;
	s4 =	sadd.s32 s4, s21  }
0x14: {  	s23 =	simm.s32 $0x0;
	s5 =	sshll.u32 s5, $0x1;
	s6 =	sadd.s32 s22, s4  }
0x15: {  	[timem:s23], [sflag:s7] =	dma.local [hbm:s6], s5  }
0x16: {  	_ =	swait.ge [sflag:s7], s5  }
0x17: {  	s5 =	ssub.s32 $0x0, s5;
	[sflag:s7] =	ssyncset.done $0x0  }
0x18: {  	[sflag:s7] =	ssyncadd.s32 s5;
	_ =	sdelay $0x1  }
0x19: {  	s24 =	simm.s32 $0x1B8B  }
0x1a: {  	_ =	swait.ge [sflag:s24], $0x1  }
0x1b: {  	[sflag:s24] =	ssyncset.done $0x0  }
0x1c: {  	[sflag:s24] =	ssyncadd.s32 $0xFFFFFFFF  }
0x1d: {  	s5 =	sld [smem:$0x0]  }
0x1e: {  	s6 =	sand.u32 $0xFFFFFFFE, s1  }
0x1f: {  	p0 =	sne.s32 s1, s6  }
0x20: {  	s6 =	sshll.u32 @p0 s6, $0xE  }
0x21: {  	s6 =	sadd.s32 @p0 $0x11B8D, s6;
	s7 =	sshll.u32 @p0 s5, $0x11  }
0x22: {  	s6 =	sor.u32 @p0 s7, s6  }
0x23: {  	[sflag:s6] =	ssyncadd.remote.s32 @p0 $0x1;
	_ =	sdelay $0x1  }
0x24: {  	s6 =	simm.s32 @p0 $0x1B8D  }
0x25: {  	_ =	swait.eq @p0 [sflag:s6], $0x1  }
0x26: {  	[sflag:s6] =	ssyncadd.s32 @p0 $0xFFFFFFFF  }
0x27: {  	s7 =	sshll.u32 @!p0 s1, $0xE  }
0x28: {  	s7 =	sor.u32 @!p0 $0x4000, s7;
	s6 =	simm.s32 @!p0 $0x1B8D  }
0x29: {  	s5 =	sshll.u32 @!p0 s5, $0x11;
	s7 =	sadd.s32 @!p0 $0x11B8D, s7;
	_ =	swait.eq @!p0 [sflag:s6], $0x1  }
0x2a: {  	s5 =	sor.u32 @!p0 s5, s7;
	[sflag:s6] =	ssyncadd.s32 @!p0 $0xFFFFFFFF  }
0x2b: {  	s26 =	simm.s32 $0x1B8E;
	s25 =	sld [smem:$0x3FFE];
	[sflag:s5] =	ssyncadd.remote.s32 @!p0 $0x1  }
0x2c: {  	s27 =	simm.s32 $execute0_lowered;
	[smem:$0x3FD2] =	sst s26  }
0x2d: {  	s6 =	sshll.u32 s27, $0x1;
	_ =	strace $0x80000049;
	[dreg:$0x1] =	wrdreg $0xFFFFFFFF  }
0x2e: {  	s28 =	simm.s32 $_size_execute0_lowered;
	s4 =	sadd.s32 s4, s6;
	[dreg:$0x0] =	wrdreg $0x0  }
0x2f: {  	s6 =	sshll.u32 s28, $0x1;
	[dreg:$0x2] =	wrdreg s4  }
0x30: {  	[dreg:$0x3] =	wrdreg s6  }
0x31: {  	[dreg:$0x4] =	wrdreg $0xC0  }
0x32: {  	_ =	task [dreg:s23], $0x5FFFF  }
0x33: {  	[dreg:$0x1] =	wrdreg $0xFFFFFFFF  }
0x34: {  	[dreg:$0x0] =	wrdreg $0x60  }
0x35: {  	[dreg:$0x2] =	wrdreg s19  }
0x36: {  	[dreg:$0x3] =	wrdreg s25  }
0x37: {  	[dreg:$0x4] =	wrdreg $0x9  }
0x38: {  	_ =	task.clear_ibuf [dreg:s23], $0x5FFFF;
	_ =	strace $0x90000049  }
0x39: {  	s29 =	simm.s32 $0x9;
	_ =	strace $0x8000004B  }
0x3a: {  	_ =	swait.ge [sflag:s29], $0x1  }
0x3b: {  	[sflag:s29] =	ssyncadd.s32 $0xFFFFFFFF  }
0x3c: {  	_ =	strace $0x9000004B  }
0x3d: {  	_ =	sfence  }
0x3e: {  	s30 =	sld [smem:$0x0];
	_ =	sdelay $0x2  }
0x3f: {  	s31 =	sshll.u32 s1, $0xD;
	s1 =	sshrl.u32 s1, $0x2  }
0x40: {  	s4 =	sand.u32 $0x4000, s31;
	s1 =	sadd.s32 s1, s30  }
0x41: {  	s0 =	sor.u32 s4, s0;
	s1 =	sshll.u32 s1, $0x11  }
0x42: {  	s0 =	sor.u32 s1, s0  }
0x43: {  	s0 =	sadd.s32 $0x8F2B, s0  }
0x44: {  	[sflag:s0] =	ssyncadd.remote.s32 $0x1  }
0x45: {  	_ =	sfence.sel $0xFFFF  }
0x46: {  	[dreg:$0x0] =	wrdreg $0xFFFFFFFF;
	(pc) =	sbr.abs _section_cstart, $3  }
0x47: {  	[dreg:$0x1] =	wrdreg $0xFFFFFFFF  }
0x48: {  	_ =	task.clear_ibuf [dreg:s23], $0x2FFFF;
	_ =	strace $0x9FFFFFFF  }
0x49: {  	(tm) =	ssettm $0x7FFFFFFF  }
tec
execute0_lowered:
.L_overlay_start_1:
0x0: {  	(tag) =	ssettag $0x1  }
0x1: {  	s2 =	rddreg [dreg:$0x0]  }
0x2: {  	s1 =	rddreg [dreg:$0x1]  }
0x3: {  	s0 =	rddreg [dreg:$0x2];
	_ =	strace $0x8000004A;
	s4 =	srdreg.scid  }
0x4: {  	s6 =	simm.s32 $0x2;
	s11 =	simm.s32 $0x0;
	p0 =	por $0x0, $0x0  }
.Ltmp0:
0x5: {  	s7 =	simm.s32 $0x1000;
	s12 =	simm.s32 $0x0;
	(pc) =	sbr.rel .LBB1_1-.Ltmp0, $4  }
0x6: {  	s9 =	simm.s32 $0x0;
	s3 =	sadd.s32 $0x400000, s1;
	s5 =	sshll.u32 s4, $0x4  }
0x7: {  	s1 =	stileid.u32;
	s4 =	simm.s32 $0x1;
	s5 =	sand.u32 $0x10, s5  }
0x8: {  	s8 =	simm.s32 $0x0;
	[sflag:s4] =	ssyncpa.u1 $0x0;
	s5 =	sor.u32 s1, s5  }
0x9: {  	[sflag:s6] =	ssyncpa.u1 $0x0;
	s6 =	simm.s32 $0x800;
	s10 =	smov.u32 s5  }
.LBB1_7:
0xa: {  	s13 =	sadd.s32 $0x10, s9  }
0xb: {  	s11 =	sadd.s32 $0x20, s10;
	s15 =	smov.u32 s10;
	p2 =	sgt.s32 s13, $0x1F  }
0xc: {  	p1 =	slt.u32 s8, $0x2;
	s15 =	smov.u32 @p2 s11  }
0xd: {  	s8 =	sadd.s32 $0x1, s8;
	s13 =	simm.s32 @p2 $0x0;
	p2 =	sgt.s32 s15, $0x3FF  }
0xe: {  	s15 =	smov.u32 @p2 s5;
	p2 =	sne.s32 s8, $0x42  }
.Ltmp1:
0xf: {  	_ = 	snop;
	(pc) =	sbr.rel @!p2 .LBB1_8-.Ltmp1, $4  }
0x10: {  	s14 =	simm.s32 @!p1 $0x2  }
0x11: {  	s12 =	smov.u32 s10;
	_ =	swait.ge @!p1 [sflag:s14], $0x4000  }
0x12: {  	p0 =	por !p0, !p0;
	s11 =	smov.u32 s9;
	[sflag:s14] =	ssyncset.done @!p1 $0x0  }
0x13: {  	s9 =	smov.u32 s13;
	[sflag:s14] =	ssyncadd.s32 @!p1 $0xFFFFC000;
	s10 =	smov.u32 s15  }
.LBB1_1:
0x14: {  	p1 =	sgt.u32 s8, $0x3F  }
0x15: {  	s13 =	sxor.u32 @!p1 $0xFFFFFFFF, s8;
	s14 =	sshll.u32 @!p1 s10, $0xC  }
0x16: {  	s15 =	sshll.u32 @!p1 s9, $0x7;
	s13 =	sshll.u32 @!p1 s13, $0xE;
	s14 =	sadd.s32 @!p1 s2, s14  }
0x17: {  	s13 =	sand.u32 @!p1 $0x4000, s13;
	s14 =	sadd.s32 @!p1 s15, s14;
	s15 =	simm.s32 @!p1 $0x0  }
0x18: {  	[tilespmem:s13], [sflag:$0x1] =	stream.linear.gather @!p1 [hbm4b:s14+s15], $0x4000, $0x38;
	[tilespmem:$0x10000] =	vst v63  }
0x19: {  	p1 =	seq.s32 s8, $0x0  }
0x1a: {  	p2 =	seq.s32 @!p1 s8, $0x41  }
0x1b: {  	p1 =	por p1, p2  }
.Ltmp2:
0x1c: {  	_ = 	snop;
	(pc) =	sbr.rel @p1 .LBB1_7-.Ltmp2, $1  }
0x1d: {  	_ =	sdelay $0x3  }
0x1e: {  	s13 =	simm.s32 $0x1;
	_ =	swait.ge [sflag:s4], $0x4000;
	s16 =	sshll.u32 s8, $0xE  }
0x1f: {  	s13 =	simm.s32 @!p0 $0x0;
	[sflag:s4] =	ssyncset.done $0x0;
	s31 =	sand.u32 $0x4000, s16  }
0x20: {  	s16 =	simm.s32 $0x0;
	s14 =	sshll.u32 s13, $0xE;
	[sflag:s4] =	ssyncadd.s32 $0xFFFFC000  }
0x21: {  	s13 =	sor.u32 $0x8040, s14;
	s15 =	sor.u32 $0x40, s14;
	s14 =	sor.u32 $0x8000, s31  }
.LBB1_3:
0x22: {  	v0 =	vmov s15;
	_ =	sdelay $0x3  }
0x23: {  	s18 =	simm.s32 $0x0  }
0x24: {  	v6 =	vld.idx.msk [tilespmem:v0+s18+$0x30 ss:$0x1], $0xffff  }
0x25: {  	v7 =	vld.idx.msk [tilespmem:v0+s18+$0xFFFFFFC0 ss:$0x1], $0xffff  }
0x26: {  	v5 =	vld.idx.msk [tilespmem:v0+s18+$0xFFFFFFD0 ss:$0x1], $0xffff  }
0x27: {  	v4 =	vld.idx.msk [tilespmem:v0+s18+$0xFFFFFFE0 ss:$0x1], $0xffff  }
0x28: {  	v3 =	vld.idx.msk [tilespmem:v0+s18+$0xFFFFFFF0 ss:$0x1], $0xffff  }
0x29: {  	v1 =	vld.idx.msk [tilespmem:v0+s18+$0x0 ss:$0x1], $0xffff  }
0x2a: {  	v2 =	vld.idx.msk [tilespmem:v0+s18+$0x10 ss:$0x1], $0xffff;
	[tilespmem:s13+$0x30] =	vst v6  }
0x2b: {  	s17 =	simm.s32 $0x80;
	s19 =	simm.s32 $0x400;
	[tilespmem:s13+$0xFFFFFFC0] =	vst v7;
	v6 =	vld.idx.msk [tilespmem:v0+s18+$0x20 ss:$0x1], $0xffff;
	s18 =	smov.u32 s13  }
.LBB1_4:
0x2c: {  	p1 =	sne.s32 s19, $0xE00;
	v7 =	vld.idx.msk [tilespmem:v0+s17+$0x30 ss:$0x1], $0xffff;
	[tilespmem:s18+$0xFFFFFFD0] =	vst v5  }
0x2d: {  	v8 =	vld.idx.msk [tilespmem:v0+s17+$0xFFFFFFC0 ss:$0x1], $0xffff;
	[tilespmem:s18+$0xFFFFFFE0] =	vst v4  }
0x2e: {  	v5 =	vld.idx.msk [tilespmem:v0+s17+$0xFFFFFFD0 ss:$0x1], $0xffff;
	[tilespmem:s18+$0xFFFFFFF0] =	vst v3  }
.Ltmp3:
0x2f: {  	v4 =	vld.idx.msk [tilespmem:v0+s17+$0xFFFFFFE0 ss:$0x1], $0xffff;
	[tilespmem:s18+$0x0] =	vst v1;
	(pc) =	sbr.rel @p1 .LBB1_4-.Ltmp3, $4  }
0x30: {  	v3 =	vld.idx.msk [tilespmem:v0+s17+$0xFFFFFFF0 ss:$0x1], $0xffff;
	[tilespmem:s18+$0x10] =	vst v2  }
0x31: {  	v1 =	vld.idx.msk [tilespmem:v0+s17+$0x0 ss:$0x1], $0xffff;
	[tilespmem:s18+$0x20] =	vst v6;
	s18 =	sadd.s32 $0x800, s18  }
0x32: {  	v2 =	vld.idx.msk [tilespmem:v0+s17+$0x10 ss:$0x1], $0xffff;
	[tilespmem:s18+$0x30] =	vst v7  }
0x33: {  	[tilespmem:s18+$0xFFFFFFC0] =	vst v8;
	v6 =	vld.idx.msk [tilespmem:v0+s17+$0x20 ss:$0x1], $0xffff;
	s17 =	sshra.s32 s19, $0x2;
	s19 =	sadd.s32 $0x200, s19  }
0x34: {  	_ =	sdelay $0x2  }
0x35: {  	[tilespmem:s18+$0xFFFFFFD0] =	vst v5  }
0x36: {  	v56 =	vld.idx.msk [tilespmem:v0+s17+$0x30 ss:$0x1], $0xffff;
	[tilespmem:s18+$0xFFFFFFE0] =	vst v4  }
0x37: {  	v57 =	vld.idx.msk [tilespmem:v0+s17+$0xFFFFFFC0 ss:$0x1], $0xffff;
	[tilespmem:s18+$0xFFFFFFF0] =	vst v3  }
0x38: {  	v58 =	vld.idx.msk [tilespmem:v0+s17+$0xFFFFFFD0 ss:$0x1], $0xffff;
	[tilespmem:s18+$0x0] =	vst v1  }
0x39: {  	v59 =	vld.idx.msk [tilespmem:v0+s17+$0xFFFFFFE0 ss:$0x1], $0xffff;
	[tilespmem:s18+$0x10] =	vst v2  }
0x3a: {  	v60 =	vld.idx.msk [tilespmem:v0+s17+$0xFFFFFFF0 ss:$0x1], $0xffff;
	s31 =	sadd.s32 $0x800, s18;
	[tilespmem:s18+$0x20] =	vst v6  }
0x3b: {  	v61 =	vld.idx.msk [tilespmem:v0+s17+$0x0 ss:$0x1], $0xffff;
	[tilespmem:s31+$0x30] =	vst v56  }
0x3c: {  	v62 =	vld.idx.msk [tilespmem:v0+s17+$0x10 ss:$0x1], $0xffff;
	s16 =	sadd.s32 $0x1, s16;
	[tilespmem:s31+$0xFFFFFFC0] =	vst v57  }
0x3d: {  	v63 =	vld.idx.msk [tilespmem:v0+s17+$0x20 ss:$0x1], $0xffff;
	p1 =	sne.s32 s16, $0x10;
	[tilespmem:s31+$0xFFFFFFD0] =	vst v58  }
.Ltmp4:
0x3e: {  	[tilespmem:s31+$0xFFFFFFE0] =	vst v59;
	(pc) =	sbr.rel @p1 .LBB1_3-.Ltmp4, $4  }
0x3f: {  	[tilespmem:s31+$0xFFFFFFF0] =	vst v60  }
0x40: {  	[tilespmem:s31+$0x0] =	vst v61  }
0x41: {  	[tilespmem:s31+$0x10] =	vst v62  }
0x42: {  	s13 =	sadd.s32 $0x80, s13;
	s15 =	sadd.s32 $0x400, s15;
	[tilespmem:s31+$0x20] =	vst v63  }
.Ltmp5:
0x43: {  	(pc) =	sbr.rel .LBB1_7-.Ltmp5, $4  }
0x44: {  	s12 =	sshll.u32 s12, $0xC;
	s11 =	sshll.u32 s11, $0x4  }
0x45: {  	s11 =	sand.u32 $0x1F0, s11;
	s12 =	sadd.s32 s3, s12  }
0x46: {  	s11 =	sadd.s32 s11, s12  }
0x47: {  	[hbm4b:s11+s6] =	stream.strided.scatter [tilespmem:s14], [sflag:$0x2], $0x4000, s7, s6, $0x38;
	[tilespmem:$0x10000] =	vst v63  }
.LBB1_8:
0x48: {  	_ =	sfence.sel $0x180000  }
0x49: {  	s2 =	simm.s32 $0x1;
	[bflag:$0x0] =	sbarrier.arrive $0xFFFF  }
0x4a: {  	s31 =	simm.s32 $0x2;
	[sflag:s2] =	ssyncpa.u1 $0x1  }
0x4b: {  	[sflag:s31] =	ssyncpa.u1 $0x1  }
0x4c: {  	p0 =	sne.s32 s1, $0x0;
	_ =	strace $0x9000004A  }
0x4d: {  	s0 =	sadd.s32 @!p0 $0x100000, s0;
	[bflag:$0x2] =	sbarrier.arrive $0xFFFF  }
0x4e: {  	[sflag:s0] =	ssyncadd.tile.s32 @!p0 $0x1;
	_ =	shalt  }
.Lfunc_end1:
_tile_overlayer_lowered:
.L_overlay_start_2:
0x4f: {  	(tag) =	ssettag $0x2  }
0x50: {  	s0 =	rddreg [dreg:$0x0];
	s2 =	stileid.u32  }
0x51: {  	s1 =	rddreg [dreg:$0x1];
	p0 =	sne.s32 s2, $0x0  }
0x52: {  	s3 =	rddreg [dreg:$0x2];
	[bflag:$0x3] =	sbarrier.arrive $0xFFFF;
	s2 =	simm.s32 @!p0 $0x1C01  }
0x53: {  	[timem:s3], [sflag:s2] =	dma.local @!p0 [hbm:s0], s1  }
0x54: {  	s0 =	simm.s32 @!p0 $0x1  }
0x55: {  	_ =	swait.ge @!p0 [sflag:s0], s1  }
0x56: {  	s1 =	ssub.s32 @!p0 $0x0, s1;
	[sflag:s0] =	ssyncset.done @!p0 $0x0  }
0x57: {  	[sflag:s0] =	ssyncadd.s32 @!p0 s1  }
0x58: {  	[bflag:$0x3] =	sbarrier.arrive $0xFFFF  }
0x59: {  	_ =	shalt  }

</sc_bundles>
